<compile_context>
chip_gen: v7x
topology: tpu7x:2x2x1
jax: 0.10.2.dev20260603
libtpu: 0.0.44.dev20260713+nightly
codegen_flags: <defaults>
</compile_context>

<pallas_src>
import functools

import jax
import jax.numpy as jnp
from jax import lax
from jax.experimental import pallas as pl
from jax.experimental.pallas import tpu as pltpu
from jax.experimental.pallas import tpu_sc as plsc

N = 10000
E = 160000
D_IN = 256
ET = E + N
NW = 32
EPT = 5632
EP = NW * EPT
CE = 128
NCHUNK = EPT // CE
NP = 10240
DUMP = 10200
NPR = NP // 128
W1R = 2 * NPR + 96
W2R = 2 * NPR + 96
EPS16 = EP // 16
NCHUNK1 = EPS16 // CE
NP2 = 6144
RPT2 = NP2 // 16
EPS = 1e-16



def _mm1_body(x_ref, wl_ref, bl_ref, wr_ref, br_ref, xl_ref, xr_ref):
    xv = x_ref[...]
    xl_ref[...] = jnp.dot(xv, wl_ref[...], preferred_element_type=jnp.float32) + bl_ref[...]
    xr_ref[...] = jnp.dot(xv, wr_ref[...], preferred_element_type=jnp.float32) + br_ref[...]


def _mm1(x, Wl, bl, Wr, br):
    BM = 1000
    return pl.pallas_call(
        _mm1_body,
        grid=(N // BM,),
        in_specs=[
            pl.BlockSpec((BM, D_IN), lambda i: (i, 0)),
            pl.BlockSpec((D_IN, 128), lambda i: (0, 0)),
            pl.BlockSpec((1, 128), lambda i: (0, 0)),
            pl.BlockSpec((D_IN, 128), lambda i: (0, 0)),
            pl.BlockSpec((1, 128), lambda i: (0, 0)),
        ],
        out_specs=[
            pl.BlockSpec((BM, 128), lambda i: (i, 0)),
            pl.BlockSpec((BM, 128), lambda i: (i, 0)),
        ],
        out_shape=[jax.ShapeDtypeStruct((N, 128), jnp.float32)] * 2,
    )(x, Wl, bl.reshape(1, -1), Wr, br.reshape(1, -1))


def _mid_body(a0_ref, ws0_ref, r_ref, bias1_ref,
              wl2_ref, bl2_ref, wr2_ref, br2_ref, yl_ref, yr_ref):
    num = a0_ref[...]
    srep = jnp.dot(ws0_ref[...], r_ref[...],
                   preferred_element_type=jnp.float32)
    h = num / (srep + EPS) + bias1_ref[...]
    h = jnp.where(h > 0, h, jnp.exp(jnp.minimum(h, 0.0)) - 1.0)
    yl_ref[...] = jnp.dot(h, wl2_ref[...], preferred_element_type=jnp.float32) + bl2_ref[...]
    yr_ref[...] = jnp.dot(h, wr2_ref[...], preferred_element_type=jnp.float32) + br2_ref[...]


def _mid(a0, ws0, rmat, bias1, Wl2, bl2, Wr2, br2):
    BM = 1000
    return pl.pallas_call(
        _mid_body,
        grid=(N // BM,),
        in_specs=[
            pl.BlockSpec((BM, 128), lambda i: (i, 0)),
            pl.BlockSpec((BM, 4), lambda i: (i, 0)),
            pl.BlockSpec((4, 128), lambda i: (0, 0)),
            pl.BlockSpec((1, 128), lambda i: (0, 0)),
            pl.BlockSpec((128, 1), lambda i: (0, 0)),
            pl.BlockSpec((1, 1), lambda i: (0, 0)),
            pl.BlockSpec((128, 1), lambda i: (0, 0)),
            pl.BlockSpec((1, 1), lambda i: (0, 0)),
        ],
        out_specs=[
            pl.BlockSpec((BM, 1), lambda i: (i, 0)),
            pl.BlockSpec((BM, 1), lambda i: (i, 0)),
        ],
        out_shape=[jax.ShapeDtypeStruct((N, 1), jnp.float32)] * 2,
    )(a0, ws0, rmat, bias1.reshape(1, -1),
      Wl2, bl2.reshape(1, 1), Wr2, br2.reshape(1, 1))


def _final_body(bb_ref, s_ref, bias2_ref, out_ref):
    nd = jnp.dot(bb_ref[...], s_ref[...],
                 preferred_element_type=jnp.float32)
    out_ref[...] = nd[:, 0:1] / (nd[:, 1:2] + EPS) + bias2_ref[...]


def _final(bb, smat, bias2):
    BM = 1000
    return pl.pallas_call(
        _final_body,
        grid=(N // BM,),
        in_specs=[
            pl.BlockSpec((BM, 4), lambda i: (i, 0)),
            pl.BlockSpec((4, 2), lambda i: (0, 0)),
            pl.BlockSpec((1, 1), lambda i: (0, 0)),
        ],
        out_specs=pl.BlockSpec((BM, 1), lambda i: (i, 0)),
        out_shape=jax.ShapeDtypeStruct((N, 1), jnp.float32),
    )(bb, smat, bias2.reshape(1, 1))



def _iota16():
    return lax.broadcasted_iota(jnp.int32, (16,), 0)


def _lane_sum(v):
    iota = _iota16()
    s = v
    for k in (8, 4, 2, 1):
        s = s + s.at[iota ^ k].get(mode="promise_in_bounds")
    return s


def _lane_bcast(v, i):
    return v.at[jnp.full((16,), i, jnp.int32)].get(mode="promise_in_bounds")


def _edge1_body(xl_hbm, xr_hbm, src_hbm, dst_hbm, att_hbm,
                out1_hbm, out2_hbm,
                srcv, dstv, gdstv, idxv, xlv, xrv, attv, wsum,
                acc, wacc, sem1, sem2):
    cid = lax.axis_index("c")
    sid = lax.axis_index("s")
    iota = _iota16()

    pltpu.sync_copy(att_hbm, attv)

    def zrow(r, carry):
        for j in range(8):
            xlv[r, pl.ds(16 * j, 16)] = jnp.zeros((16,), jnp.float32)
        return carry
    lax.fori_loop(0, CE, zrow, 0)

    def zw(r, carry):
        for j in range(8):
            wsum[r, pl.ds(16 * j, 16)] = jnp.zeros((16,), jnp.float32)
        return carry
    lax.fori_loop(0, W1R, zw, 0)

    for k in range(RPT2 // CE):
        pltpu.sync_copy(xlv, acc.at[pl.ds(sid * RPT2 + k * CE, CE)])

    @pl.when(sid == 0)
    def _():
        for k in range(W1R // CE):
            pltpu.sync_copy(xlv, wacc.at[pl.ds(k * CE, CE)])
    plsc.subcore_barrier()

    att_regs = [attv[pl.ds(64 * cid + 16 * j, 16)] for j in range(4)]

    def chunk(t, carry):
        base = sid * EPS16 + t * CE
        pltpu.sync_copy(src_hbm.at[pl.ds(base, CE)], srcv)
        pltpu.sync_copy(dst_hbm.at[pl.ds(base, CE)], dstv)
        def clampg(g, c):
            d = dstv[pl.ds(g * 16, 16)]
            gdstv[pl.ds(g * 16, 16)] = jnp.minimum(d, N - 1)
            idxv[pl.ds(g * 16, 16)] = d // 2
            return c
        lax.fori_loop(0, CE // 16, clampg, 0)
        cp1 = pltpu.async_copy(xl_hbm.at[srcv], xlv, sem1)
        cp2 = pltpu.async_copy(xr_hbm.at[gdstv], xrv, sem2)
        cp1.wait()
        cp2.wait()

        def edge(e, ecarry):
            els = []
            ts = []
            for j in range(4):
                el = xlv[e, pl.ds(64 * cid + 16 * j, 16)]
                er = xrv[e, pl.ds(64 * cid + 16 * j, 16)]
                u = el + er
                u = jnp.maximum(u, 0.2 * u)
                els.append(el)
                ts.append(u * att_regs[j])
            svec = jnp.zeros((16,), jnp.float32)
            for hh in range(2):
                sh = _lane_sum(ts[2 * hh] + ts[2 * hh + 1])
                svec = jnp.where(iota == hh, sh, svec)
            wvec = jnp.where(iota < 2, jnp.exp(svec), 0.0)
            d16 = plsc.load_gather(dstv, [jnp.full((16,), e, jnp.int32)])
            evenm = (d16 % 2) == 0
            for hh in range(2):
                wh = _lane_bcast(wvec, hh)
                for j2 in range(2):
                    payload = els[2 * hh + j2] * wh
                    xrv[e, pl.ds(32 * hh + 16 * j2, 16)] = (
                        jnp.where(evenm, payload, 0.0))
                    xrv[e, pl.ds(64 + 32 * hh + 16 * j2, 16)] = (
                        jnp.where(evenm, 0.0, payload))
            dr = d16 // 128
            dc = d16 % 128
            idxr = jnp.where(iota < 2, iota * NPR + dr, 2 * NPR)
            idxc = jnp.where(iota < 2, dc, iota)
            plsc.addupdate_scatter(wsum, [idxr, idxc], wvec)
            return ecarry
        lax.fori_loop(0, CE, edge, 0)
        pltpu.sync_copy(xrv, acc.at[idxv], add=True)
        return carry
    lax.fori_loop(0, NCHUNK1, chunk, 0)
    for k in range(W1R // CE):
        for g in range(CE // 16):
            idxv[pl.ds(16 * g, 16)] = iota + (k * CE + 16 * g)
        pltpu.sync_copy(wsum.at[pl.ds(k * CE, CE)], wacc.at[idxv], add=True)
    plsc.subcore_barrier()

    for k in range(RPT2 // CE):
        pltpu.sync_copy(acc.at[pl.ds(sid * RPT2 + k * CE, CE)], xlv)
        pltpu.sync_copy(xlv, out1_hbm.at[pl.ds(cid * NP2 + sid * RPT2 + k * CE, CE)])

    r1 = sid * (W1R // 16)
    pltpu.sync_copy(wacc.at[pl.ds(r1, W1R // 16)], xlv.at[pl.ds(0, W1R // 16)])
    pltpu.sync_copy(xlv.at[pl.ds(0, W1R // 16)],
                    out2_hbm.at[cid, pl.ds(r1, W1R // 16)])


def _edge2_body(yl_hbm, yr_hbm, src_hbm, dst_hbm, att2_hbm, out_hbm,
                ylv, yrv, srcv, dstv, idxv, tbl, att2v, wacc):
    cid = lax.axis_index("c")
    sid = lax.axis_index("s")
    wid = cid * 16 + sid
    iota = _iota16()

    pltpu.sync_copy(yl_hbm, ylv)
    pltpu.sync_copy(yr_hbm, yrv)
    pltpu.sync_copy(att2_hbm, att2v)
    att2f = att2v[pl.ds(0, 16)]

    def zw(r, carry):
        for j in range(8):
            tbl[r, pl.ds(16 * j, 16)] = jnp.zeros((16,), jnp.float32)
        return carry
    lax.fori_loop(0, W2R, zw, 0)

    @pl.when(sid == 0)
    def _():
        for k in range(W2R // CE):
            pltpu.sync_copy(tbl.at[pl.ds(0, CE)], wacc.at[pl.ds(k * CE, CE)])
    plsc.subcore_barrier()

    def chunk(t, carry):
        base = wid * EPT + t * CE
        pltpu.sync_copy(src_hbm.at[pl.ds(base, CE)], srcv)
        pltpu.sync_copy(dst_hbm.at[pl.ds(base, CE)], dstv)

        def group(g, gcarry):
            s16 = srcv[pl.ds(g * 16, 16)]
            d16 = dstv[pl.ds(g * 16, 16)]
            d16c = jnp.minimum(d16, N - 1)
            ylg = plsc.load_gather(ylv, [s16])
            yrg = plsc.load_gather(yrv, [d16c])
            u = ylg + yrg
            u = jnp.maximum(u, 0.2 * u)
            w = jnp.exp(u * att2f)
            dr = d16 // 128
            dc = d16 % 128
            plsc.addupdate_scatter(tbl, [dr, dc], w * ylg)
            plsc.addupdate_scatter(tbl, [NPR + dr, dc], w)
            return gcarry
        lax.fori_loop(0, CE // 16, group, 0)
        return carry
    lax.fori_loop(0, NCHUNK, chunk, 0)

    for k in range(W2R // CE):
        for g in range(CE // 16):
            idxv[pl.ds(16 * g, 16)] = iota + (k * CE + 16 * g)
        pltpu.sync_copy(tbl.at[pl.ds(k * CE, CE)], wacc.at[idxv], add=True)
    plsc.subcore_barrier()
    r1 = sid * (W2R // 16)
    pltpu.sync_copy(wacc.at[pl.ds(r1, W2R // 16)], tbl.at[pl.ds(0, W2R // 16)])
    pltpu.sync_copy(tbl.at[pl.ds(0, W2R // 16)],
                    out_hbm.at[cid, pl.ds(r1, W2R // 16)])


@functools.cache
def _make_edge_kernels():
    mesh = plsc.VectorSubcoreMesh(core_axis_name="c", subcore_axis_name="s")
    cparams = pltpu.CompilerParams(needs_layout_passes=False)
    edge1 = functools.partial(
        pl.kernel,
        mesh=mesh,
        compiler_params=cparams,
        out_type=[
            pltpu.HBM((2 * NP2, 128), jnp.float32),
            pltpu.HBM((2, W1R, 128), jnp.float32),
        ],
        scratch_types=[
            pltpu.VMEM((CE,), jnp.int32),
            pltpu.VMEM((CE,), jnp.int32),
            pltpu.VMEM((CE,), jnp.int32),
            pltpu.VMEM((CE,), jnp.int32),
            pltpu.VMEM((CE, 128), jnp.float32),
            pltpu.VMEM((CE, 128), jnp.float32),
            pltpu.VMEM((128,), jnp.float32),
            pltpu.VMEM((W1R, 128), jnp.float32),
            pltpu.VMEM_SHARED((NP2, 128), jnp.float32),
            pltpu.VMEM_SHARED((W1R, 128), jnp.float32),
            pltpu.SemaphoreType.DMA,
            pltpu.SemaphoreType.DMA,
        ],
    )(_edge1_body)
    edge2 = functools.partial(
        pl.kernel,
        mesh=mesh,
        compiler_params=cparams,
        out_type=jax.ShapeDtypeStruct((2, W2R, 128), jnp.float32),
        scratch_types=[
            pltpu.VMEM((N,), jnp.float32),
            pltpu.VMEM((N,), jnp.float32),
            pltpu.VMEM((CE,), jnp.int32),
            pltpu.VMEM((CE,), jnp.int32),
            pltpu.VMEM((CE,), jnp.int32),
            pltpu.VMEM((W2R, 128), jnp.float32),
            pltpu.VMEM((16,), jnp.float32),
            pltpu.VMEM_SHARED((W2R, 128), jnp.float32),
        ],
    )(_edge2_body)
    return edge1, edge2



def kernel(x, edge_index, Wl1, bl1, Wr1, br1, att1, bias1,
           Wl2, bl2, Wr2, br2, att2, bias2):
    edge1, edge2 = _make_edge_kernels()
    loop = jnp.arange(N, dtype=edge_index.dtype)
    pad_src = jnp.zeros((EP - ET,), dtype=edge_index.dtype)
    pad_dst = jnp.full((EP - ET,), DUMP, dtype=edge_index.dtype)
    src = jnp.concatenate([edge_index[0], loop, pad_src])
    dst = jnp.concatenate([edge_index[1], loop, pad_dst])

    cidx = jnp.arange(128, dtype=jnp.int32)
    ridx = jnp.arange(4, dtype=jnp.int32)
    rmat = (ridx[:, None] == cidx[None, :] // 32).astype(jnp.float32)
    sidx = jnp.arange(4, dtype=jnp.int32)
    smat = jnp.stack([(sidx % 2 == 0).astype(jnp.float32),
                      (sidx % 2 == 1).astype(jnp.float32)], axis=1)

    xl, xr = _mm1(x, Wl1, bl1, Wr1, br1)
    a, w1 = edge1(xl, xr, src, dst, att1.reshape(-1))
    ws = (w1.reshape(2, W1R * 128)[:, :2 * NP].reshape(2, 2, NP)[..., :N]
          .reshape(4, N).T)
    num = (a.reshape(2, NP2, 2, 2, 32).transpose(1, 2, 0, 3, 4)
           .reshape(2 * NP2, 128)[:N])
    yl, yr = _mid(num, ws, rmat, bias1, Wl2, bl2, Wr2, br2)
    b = edge2(yl.reshape(-1), yr.reshape(-1), src, dst,
              jnp.broadcast_to(att2.reshape(1), (16,)))
    bb = (b.reshape(2, W2R * 128)[:, :2 * NP].reshape(2, 2, NP)
          .transpose(2, 0, 1).reshape(NP, 4)[:N])
    return _final(bb, smat, bias2)

# --- scband reference (transcript-rebuilt; emitter-appended) ---
"""Pipeline reference for scband-gat-17506286698901 (READ-ONLY COPY).

The authoritative reference and input builder live on the scoring server;
editing this copy changes nothing except your own understanding.
"""

import jax, jax.numpy as jnp
import numpy as np

N = 10000
E = 160000
D_IN = 256
H1, C1 = 4, 32
H2, C2 = 1, 1

def _glorot(key, fan_in, fan_out, shape):
    lim = float(np.sqrt(6.0 / (fan_in + fan_out)))
    return jax.random.uniform(key, shape, jnp.float32, -lim, lim)

def setup_inputs(seed: int = 0):
    key = jax.random.key(seed)
    ks = jax.random.split(key, 8)
    x = jax.random.normal(ks[0], (N, D_IN), dtype=jnp.float32)
    edge_index = jax.random.randint(ks[1], (2, E), 0, N, dtype=jnp.int32)
    Wl1 = _glorot(ks[2], D_IN, H1 * C1, (D_IN, H1 * C1))
    Wr1 = _glorot(ks[3], D_IN, H1 * C1, (D_IN, H1 * C1))
    att1 = _glorot(ks[4], C1, C1, (H1, C1))
    bl1 = jnp.zeros((H1 * C1,), jnp.float32)
    br1 = jnp.zeros((H1 * C1,), jnp.float32)
    bias1 = jnp.zeros((H1 * C1,), jnp.float32)
    Wl2 = _glorot(ks[5], H1 * C1, H2 * C2, (H1 * C1, H2 * C2))
    Wr2 = _glorot(ks[6], H1 * C1, H2 * C2, (H1 * C1, H2 * C2))
    att2 = _glorot(ks[7], C2, C2, (H2, C2))
    bl2 = jnp.zeros((H2 * C2,), jnp.float32)
    br2 = jnp.zeros((H2 * C2,), jnp.float32)
    bias2 = jnp.zeros((H2 * C2,), jnp.float32)
    return {'x': x, 'edge_index': edge_index, 'Wl1': Wl1, 'bl1': bl1, 'Wr1': Wr1, 'br1': br1, 'att1': att1, 'bias1': bias1, 'Wl2': Wl2, 'bl2': bl2, 'Wr2': Wr2, 'br2': br2, 'att2': att2, 'bias2': bias2}

def _gatv2_layer(x, src, dst, Wl, bl, Wr, br, att, bias, n_nodes, H, C):
    # GATv2Conv (Brody et al.): score = att . leaky_relu(W_l x_j + W_r x_i)
    xl = (x @ Wl + bl).reshape(-1, H, C)
    xr = (x @ Wr + br).reshape(-1, H, C)
    e = xl[src] + xr[dst]
    e = jax.nn.leaky_relu(e, 0.2)
    alpha = (e * att[None, :, :]).sum(-1)  # [E_tot, H]
    amax = jax.ops.segment_max(alpha, dst, num_segments=n_nodes)
    alpha = jnp.exp(alpha - amax[dst])
    asum = jax.ops.segment_sum(alpha, dst, num_segments=n_nodes)
    alpha = alpha / (asum[dst] + 1e-16)
    out = jax.ops.segment_sum(xl[src] * alpha[:, :, None], dst, num_segments=n_nodes)
    return out.reshape(n_nodes, H * C) + bias

def reference(x, edge_index, Wl1, bl1, Wr1, br1, att1, bias1, Wl2, bl2, Wr2, br2, att2, bias2):
    n = x.shape[0]
    loop = jnp.arange(n, dtype=edge_index.dtype)
    src = jnp.concatenate([edge_index[0], loop])
    dst = jnp.concatenate([edge_index[1], loop])
    h = _gatv2_layer(x, src, dst, Wl1, bl1, Wr1, br1, att1, bias1, n, H1, C1)
    h = jax.nn.elu(h)
    out = _gatv2_layer(h, src, dst, Wl2, bl2, Wr2, br2, att2, bias2, n, H2, C2)
    return out

if __name__ == "__main__":
    import jax
    _d = setup_inputs()
    print(jax.jit(kernel)(*tuple(_d.values())))

</pallas_src>

<mosaic_0001>
#map = affine_map<(d0, d1) -> (0)>
#map1 = affine_map<(d0, d1) -> (0, 0, 0)>
module attributes {stable_mosaic.version = 14 : i64} {
  func.func @_edge2_body(%arg0: i32, %arg1: i32, %arg2: memref<10000xf32, #tpu.memory_space<hbm>>, %arg3: memref<10000xf32, #tpu.memory_space<hbm>>, %arg4: memref<180224xi32, #tpu.memory_space<hbm>>, %arg5: memref<180224xi32, #tpu.memory_space<hbm>>, %arg6: memref<16xf32, #tpu.memory_space<hbm>>, %arg7: memref<2x256x128xf32, #tpu.memory_space<hbm>>, %arg8: memref<10000xf32, #tpu.memory_space<vmem>>, %arg9: memref<10000xf32, #tpu.memory_space<vmem>>, %arg10: memref<128xi32, #tpu.memory_space<vmem>>, %arg11: memref<128xi32, #tpu.memory_space<vmem>>, %arg12: memref<128xi32, #tpu.memory_space<vmem>>, %arg13: memref<256x128xf32, #tpu.memory_space<vmem>>, %arg14: memref<16xf32, #tpu.memory_space<vmem>>, %arg15: memref<256x128xf32, #tpu.memory_space<vmem_shared>>) attributes {dimension_semantics = [#tpu.dimension_semantics<core_parallel>, #tpu.dimension_semantics<subcore_parallel>], iteration_bounds = array<i64: 2, 16>, scalar_prefetch = 0 : i64, scratch_operands = 8 : i64, tpu.core_type = #tpu.core_type<sc_vector_subcore>, window_params = [{transform_indices = #map}, {transform_indices = #map}, {transform_indices = #map}, {transform_indices = #map}, {transform_indices = #map}, {transform_indices = #map1}]} {
    %mul3A = arith.constant 16 : i32
    %mul3A_0 = arith.muli %arg0, %mul3A : i32
    %add3A = arith.addi %mul3A_0, %arg1 : i32
    %iota3A = tpu.iota {dimensions = array<i32: 0>} : vector<16xi32>
    "tpu.region"() ({
      %run_scoped3A = tpu.sem_alloc : memref<!tpu.dma_semaphore, #tpu.memory_space<semaphore_mem>>
      tpu.enqueue_dma source(%arg2 : memref<10000xf32, #tpu.memory_space<hbm>>) target(%arg8 : memref<10000xf32, #tpu.memory_space<vmem>>) target_semaphore(%run_scoped3A : memref<!tpu.dma_semaphore, #tpu.memory_space<semaphore_mem>>)
      tpu.wait_dma2 semaphore(%run_scoped3A : memref<!tpu.dma_semaphore, #tpu.memory_space<semaphore_mem>>) src(%arg2 : memref<10000xf32, #tpu.memory_space<hbm>>) dst(%arg8 : memref<10000xf32, #tpu.memory_space<vmem>>)
      tpu.yield
    }) : () -> ()
    "tpu.region"() ({
      %run_scoped3A = tpu.sem_alloc : memref<!tpu.dma_semaphore, #tpu.memory_space<semaphore_mem>>
      tpu.enqueue_dma source(%arg3 : memref<10000xf32, #tpu.memory_space<hbm>>) target(%arg9 : memref<10000xf32, #tpu.memory_space<vmem>>) target_semaphore(%run_scoped3A : memref<!tpu.dma_semaphore, #tpu.memory_space<semaphore_mem>>)
      tpu.wait_dma2 semaphore(%run_scoped3A : memref<!tpu.dma_semaphore, #tpu.memory_space<semaphore_mem>>) src(%arg3 : memref<10000xf32, #tpu.memory_space<hbm>>) dst(%arg9 : memref<10000xf32, #tpu.memory_space<vmem>>)
      tpu.yield
    }) : () -> ()
    "tpu.region"() ({
      %run_scoped3A = tpu.sem_alloc : memref<!tpu.dma_semaphore, #tpu.memory_space<semaphore_mem>>
      tpu.enqueue_dma source(%arg6 : memref<16xf32, #tpu.memory_space<hbm>>) target(%arg14 : memref<16xf32, #tpu.memory_space<vmem>>) target_semaphore(%run_scoped3A : memref<!tpu.dma_semaphore, #tpu.memory_space<semaphore_mem>>)
      tpu.wait_dma2 semaphore(%run_scoped3A : memref<!tpu.dma_semaphore, #tpu.memory_space<semaphore_mem>>) src(%arg6 : memref<16xf32, #tpu.memory_space<hbm>>) dst(%arg14 : memref<16xf32, #tpu.memory_space<vmem>>)
      tpu.yield
    }) : () -> ()
    %get3A = arith.constant 0 : index
    %get3A_1 = tpu.vector_load %arg14[%get3A] {strides = array<i32>} : memref<16xf32, #tpu.memory_space<vmem>>, vector<16xf32>,
    %scan3A = arith.constant 0 : i32
    %scan3A_2 = arith.constant 0 : i32
    %scan3A_3 = arith.constant 256 : i32
    %scan3A_4 = arith.addi %scan3A_2, %scan3A_3 : i32
    %scan3A_5 = arith.constant 1 : i32
    scf.for %scan3A_97 = %scan3A_2 to %scan3A_4 step %scan3A_5  : i32 {
      %broadcast_in_dim3A = arith.constant 0.000000e+00 : f32
      %broadcast_in_dim3A_98 = vector.broadcast %broadcast_in_dim3A : f32 to vector<16xf32>
      %swap3A_99 = arith.index_cast %scan3A_97 : i32 to index
      %swap3A_100 = arith.constant 0 : index
      %swap3A_101 = tpu.vector_load %arg13[%swap3A_99, %swap3A_100] {strides = array<i32>} : memref<256x128xf32, #tpu.memory_space<vmem>>, vector<16xf32>,
      tpu.vector_store %arg13[%swap3A_99, %swap3A_100], %broadcast_in_dim3A_98 {strides = array<i32>} : memref<256x128xf32, #tpu.memory_space<vmem>>, vector<16xf32>,
      %broadcast_in_dim3A_102 = arith.constant 0.000000e+00 : f32
      %broadcast_in_dim3A_103 = vector.broadcast %broadcast_in_dim3A_102 : f32 to vector<16xf32>
      %swap3A_104 = arith.index_cast %scan3A_97 : i32 to index
      %swap3A_105 = arith.constant 16 : index
      %swap3A_106 = tpu.vector_load %arg13[%swap3A_104, %swap3A_105] {strides = array<i32>} : memref<256x128xf32, #tpu.memory_space<vmem>>, vector<16xf32>,
      tpu.vector_store %arg13[%swap3A_104, %swap3A_105], %broadcast_in_dim3A_103 {strides = array<i32>} : memref<256x128xf32, #tpu.memory_space<vmem>>, vector<16xf32>,
      %broadcast_in_dim3A_107 = arith.constant 0.000000e+00 : f32
      %broadcast_in_dim3A_108 = vector.broadcast %broadcast_in_dim3A_107 : f32 to vector<16xf32>
      %swap3A_109 = arith.index_cast %scan3A_97 : i32 to index
      %swap3A_110 = arith.constant 32 : index
      %swap3A_111 = tpu.vector_load %arg13[%swap3A_109, %swap3A_110] {strides = array<i32>} : memref<256x128xf32, #tpu.memory_space<vmem>>, vector<16xf32>,
      tpu.vector_store %arg13[%swap3A_109, %swap3A_110], %broadcast_in_dim3A_108 {strides = array<i32>} : memref<256x128xf32, #tpu.memory_space<vmem>>, vector<16xf32>,
      %broadcast_in_dim3A_112 = arith.constant 0.000000e+00 : f32
      %broadcast_in_dim3A_113 = vector.broadcast %broadcast_in_dim3A_112 : f32 to vector<16xf32>
      %swap3A_114 = arith.index_cast %scan3A_97 : i32 to index
      %swap3A_115 = arith.constant 48 : index
      %swap3A_116 = tpu.vector_load %arg13[%swap3A_114, %swap3A_115] {strides = array<i32>} : memref<256x128xf32, #tpu.memory_space<vmem>>, vector<16xf32>,
      tpu.vector_store %arg13[%swap3A_114, %swap3A_115], %broadcast_in_dim3A_113 {strides = array<i32>} : memref<256x128xf32, #tpu.memory_space<vmem>>, vector<16xf32>,
      %broadcast_in_dim3A_117 = arith.constant 0.000000e+00 : f32
      %broadcast_in_dim3A_118 = vector.broadcast %broadcast_in_dim3A_117 : f32 to vector<16xf32>
      %swap3A_119 = arith.index_cast %scan3A_97 : i32 to index
      %swap3A_120 = arith.constant 64 : index
      %swap3A_121 = tpu.vector_load %arg13[%swap3A_119, %swap3A_120] {strides = array<i32>} : memref<256x128xf32, #tpu.memory_space<vmem>>, vector<16xf32>,
      tpu.vector_store %arg13[%swap3A_119, %swap3A_120], %broadcast_in_dim3A_118 {strides = array<i32>} : memref<256x128xf32, #tpu.memory_space<vmem>>, vector<16xf32>,
      %broadcast_in_dim3A_122 = arith.constant 0.000000e+00 : f32
      %broadcast_in_dim3A_123 = vector.broadcast %broadcast_in_dim3A_122 : f32 to vector<16xf32>
      %swap3A_124 = arith.index_cast %scan3A_97 : i32 to index
      %swap3A_125 = arith.constant 80 : index
      %swap3A_126 = tpu.vector_load %arg13[%swap3A_124, %swap3A_125] {strides = array<i32>} : memref<256x128xf32, #tpu.memory_space<vmem>>, vector<16xf32>,
      tpu.vector_store %arg13[%swap3A_124, %swap3A_125], %broadcast_in_dim3A_123 {strides = array<i32>} : memref<256x128xf32, #tpu.memory_space<vmem>>, vector<16xf32>,
      %broadcast_in_dim3A_127 = arith.constant 0.000000e+00 : f32
      %broadcast_in_dim3A_128 = vector.broadcast %broadcast_in_dim3A_127 : f32 to vector<16xf32>
      %swap3A_129 = arith.index_cast %scan3A_97 : i32 to index
      %swap3A_130 = arith.constant 96 : index
      %swap3A_131 = tpu.vector_load %arg13[%swap3A_129, %swap3A_130] {strides = array<i32>} : memref<256x128xf32, #tpu.memory_space<vmem>>, vector<16xf32>,
      tpu.vector_store %arg13[%swap3A_129, %swap3A_130], %broadcast_in_dim3A_128 {strides = array<i32>} : memref<256x128xf32, #tpu.memory_space<vmem>>, vector<16xf32>,
      %broadcast_in_dim3A_132 = arith.constant 0.000000e+00 : f32
      %broadcast_in_dim3A_133 = vector.broadcast %broadcast_in_dim3A_132 : f32 to vector<16xf32>
      %swap3A_134 = arith.index_cast %scan3A_97 : i32 to index
      %swap3A_135 = arith.constant 112 : index
      %swap3A_136 = tpu.vector_load %arg13[%swap3A_134, %swap3A_135] {strides = array<i32>} : memref<256x128xf32, #tpu.memory_space<vmem>>, vector<16xf32>,
      tpu.vector_store %arg13[%swap3A_134, %swap3A_135], %broadcast_in_dim3A_133 {strides = array<i32>} : memref<256x128xf32, #tpu.memory_space<vmem>>, vector<16xf32>,
    }
    %scan3A_6 = arith.constant 256 : i32
    %eq3A = arith.constant 0 : i32
    %eq3A_7 = arith.cmpi eq, %arg1, %eq3A : i32
    %convert_element_type3A = arith.extui %eq3A_7 : i1 to i32
    %cond3A = arith.constant 0 : i32
    %cond3A_8 = arith.cmpi ne, %convert_element_type3A, %cond3A : i32
    scf.if %cond3A_8 {
      "tpu.region"() ({
        %run_scoped3A = tpu.sem_alloc : memref<!tpu.dma_semaphore, #tpu.memory_space<semaphore_mem>>
        %dma_start3A = arith.constant 0 : i32
        %dma_start3A_97 = arith.constant 0 : i32
        %dma_start3A_98 = tpu.memref_slice %arg13[%dma_start3A, %dma_start3A_97] : memref<256x128xf32, #tpu.memory_space<vmem>> -> memref<128x128xf32, #tpu.memory_space<vmem>>
        %dma_start3A_99 = arith.constant 0 : i32
        %dma_start3A_100 = arith.constant 0 : i32
        %dma_start3A_101 = tpu.memref_slice %arg15[%dma_start3A_99, %dma_start3A_100] : memref<256x128xf32, #tpu.memory_space<vmem_shared>> -> memref<128x128xf32, #tpu.memory_space<vmem_shared>>
        %dma_start3A_102 = arith.constant 0 : i32
        %dma_start3A_103 = arith.constant 0 : i32
        %dma_start3A_104 = tpu.memref_slice %arg15[%dma_start3A_102, %dma_start3A_103] : memref<256x128xf32, #tpu.memory_space<vmem_shared>> -> memref<128x128xf32, #tpu.memory_space<vmem_shared>>
        %dma_start3A_105 = arith.constant 0 : i32
        %dma_start3A_106 = arith.constant 0 : i32
        %dma_start3A_107 = tpu.memref_slice %arg13[%dma_start3A_105, %dma_start3A_106] : memref<256x128xf32, #tpu.memory_space<vmem>> -> memref<128x128xf32, #tpu.memory_space<vmem>>
        tpu.enqueue_dma source(%dma_start3A_107 : memref<128x128xf32, #tpu.memory_space<vmem>>) target(%dma_start3A_104 : memref<128x128xf32, #tpu.memory_space<vmem_shared>>) target_semaphore(%run_scoped3A : memref<!tpu.dma_semaphore, #tpu.memory_space<semaphore_mem>>)
        %dma_wait3A = arith.constant 0 : i32
        %dma_wait3A_108 = arith.constant 0 : i32
        %dma_wait3A_109 = tpu.memref_slice %arg13[%dma_wait3A, %dma_wait3A_108] : memref<256x128xf32, #tpu.memory_space<vmem>> -> memref<128x128xf32, #tpu.memory_space<vmem>>
        %dma_wait3A_110 = arith.constant 0 : i32
        %dma_wait3A_111 = arith.constant 0 : i32
        %dma_wait3A_112 = tpu.memref_slice %arg15[%dma_wait3A_110, %dma_wait3A_111] : memref<256x128xf32, #tpu.memory_space<vmem_shared>> -> memref<128x128xf32, #tpu.memory_space<vmem_shared>>
        %dma_wait3A_113 = arith.constant 0 : i32
        %dma_wait3A_114 = arith.constant 0 : i32
        %dma_wait3A_115 = tpu.memref_slice %arg15[%dma_wait3A_113, %dma_wait3A_114] : memref<256x128xf32, #tpu.memory_space<vmem_shared>> -> memref<128x128xf32, #tpu.memory_space<vmem_shared>>
        %dma_wait3A_116 = arith.constant 0 : i32
        %dma_wait3A_117 = arith.constant 0 : i32
        %dma_wait3A_118 = tpu.memref_slice %arg13[%dma_wait3A_116, %dma_wait3A_117] : memref<256x128xf32, #tpu.memory_space<vmem>> -> memref<128x128xf32, #tpu.memory_space<vmem>>
        tpu.wait_dma2 semaphore(%run_scoped3A : memref<!tpu.dma_semaphore, #tpu.memory_space<semaphore_mem>>) src(%dma_wait3A_118 : memref<128x128xf32, #tpu.memory_space<vmem>>) dst(%dma_wait3A_115 : memref<128x128xf32, #tpu.memory_space<vmem_shared>>)
        tpu.yield
      }) : () -> ()
      "tpu.region"() ({
        %run_scoped3A = tpu.sem_alloc : memref<!tpu.dma_semaphore, #tpu.memory_space<semaphore_mem>>
        %dma_start3A = arith.constant 0 : i32
        %dma_start3A_97 = arith.constant 0 : i32
        %dma_start3A_98 = tpu.memref_slice %arg13[%dma_start3A, %dma_start3A_97] : memref<256x128xf32, #tpu.memory_space<vmem>> -> memref<128x128xf32, #tpu.memory_space<vmem>>
        %dma_start3A_99 = arith.constant 128 : i32
        %dma_start3A_100 = arith.constant 0 : i32
        %dma_start3A_101 = tpu.memref_slice %arg15[%dma_start3A_99, %dma_start3A_100] : memref<256x128xf32, #tpu.memory_space<vmem_shared>> -> memref<128x128xf32, #tpu.memory_space<vmem_shared>>
        %dma_start3A_102 = arith.constant 128 : i32
        %dma_start3A_103 = arith.constant 0 : i32
        %dma_start3A_104 = tpu.memref_slice %arg15[%dma_start3A_102, %dma_start3A_103] : memref<256x128xf32, #tpu.memory_space<vmem_shared>> -> memref<128x128xf32, #tpu.memory_space<vmem_shared>>
        %dma_start3A_105 = arith.constant 0 : i32
        %dma_start3A_106 = arith.constant 0 : i32
        %dma_start3A_107 = tpu.memref_slice %arg13[%dma_start3A_105, %dma_start3A_106] : memref<256x128xf32, #tpu.memory_space<vmem>> -> memref<128x128xf32, #tpu.memory_space<vmem>>
        tpu.enqueue_dma source(%dma_start3A_107 : memref<128x128xf32, #tpu.memory_space<vmem>>) target(%dma_start3A_104 : memref<128x128xf32, #tpu.memory_space<vmem_shared>>) target_semaphore(%run_scoped3A : memref<!tpu.dma_semaphore, #tpu.memory_space<semaphore_mem>>)
        %dma_wait3A = arith.constant 0 : i32
        %dma_wait3A_108 = arith.constant 0 : i32
        %dma_wait3A_109 = tpu.memref_slice %arg13[%dma_wait3A, %dma_wait3A_108] : memref<256x128xf32, #tpu.memory_space<vmem>> -> memref<128x128xf32, #tpu.memory_space<vmem>>
        %dma_wait3A_110 = arith.constant 128 : i32
        %dma_wait3A_111 = arith.constant 0 : i32
        %dma_wait3A_112 = tpu.memref_slice %arg15[%dma_wait3A_110, %dma_wait3A_111] : memref<256x128xf32, #tpu.memory_space<vmem_shared>> -> memref<128x128xf32, #tpu.memory_space<vmem_shared>>
        %dma_wait3A_113 = arith.constant 128 : i32
        %dma_wait3A_114 = arith.constant 0 : i32
        %dma_wait3A_115 = tpu.memref_slice %arg15[%dma_wait3A_113, %dma_wait3A_114] : memref<256x128xf32, #tpu.memory_space<vmem_shared>> -> memref<128x128xf32, #tpu.memory_space<vmem_shared>>
        %dma_wait3A_116 = arith.constant 0 : i32
        %dma_wait3A_117 = arith.constant 0 : i32
        %dma_wait3A_118 = tpu.memref_slice %arg13[%dma_wait3A_116, %dma_wait3A_117] : memref<256x128xf32, #tpu.memory_space<vmem>> -> memref<128x128xf32, #tpu.memory_space<vmem>>
        tpu.wait_dma2 semaphore(%run_scoped3A : memref<!tpu.dma_semaphore, #tpu.memory_space<semaphore_mem>>) src(%dma_wait3A_118 : memref<128x128xf32, #tpu.memory_space<vmem>>) dst(%dma_wait3A_115 : memref<128x128xf32, #tpu.memory_space<vmem_shared>>)
        tpu.yield
      }) : () -> ()
    } else {
    }
    %barrier3A = arith.constant 0 : index
    tpu.barrier barrier_id(%barrier3A)
    %scan3A_9 = arith.constant 0 : i32
    %scan3A_10 = arith.constant 0 : i32
    %scan3A_11 = arith.constant 44 : i32
    %scan3A_12 = arith.addi %scan3A_10, %scan3A_11 : i32
    %scan3A_13 = arith.constant 1 : i32
    scf.for %scan3A_97 = %scan3A_10 to %scan3A_12 step %scan3A_13  : i32 {
      %mul3A_98 = arith.constant 5632 : i32
      %mul3A_99 = arith.muli %add3A, %mul3A_98 : i32
      %mul3A_100 = arith.constant 128 : i32
      %mul3A_101 = arith.muli %scan3A_97, %mul3A_100 : i32
      %add3A_102 = arith.addi %mul3A_99, %mul3A_101 : i32
      "tpu.region"() ({
        %run_scoped3A = tpu.sem_alloc : memref<!tpu.dma_semaphore, #tpu.memory_space<semaphore_mem>>
        %dma_start3A = tpu.memref_slice %arg4[%add3A_102] : memref<180224xi32, #tpu.memory_space<hbm>> -> memref<128xi32, #tpu.memory_space<hbm>>
        %dma_start3A_109 = tpu.memref_slice %arg4[%add3A_102] : memref<180224xi32, #tpu.memory_space<hbm>> -> memref<128xi32, #tpu.memory_space<hbm>>
        tpu.enqueue_dma source(%dma_start3A_109 : memref<128xi32, #tpu.memory_space<hbm>>) target(%arg10 : memref<128xi32, #tpu.memory_space<vmem>>) target_semaphore(%run_scoped3A : memref<!tpu.dma_semaphore, #tpu.memory_space<semaphore_mem>>)
        %dma_wait3A = tpu.memref_slice %arg4[%add3A_102] : memref<180224xi32, #tpu.memory_space<hbm>> -> memref<128xi32, #tpu.memory_space<hbm>>
        %dma_wait3A_110 = tpu.memref_slice %arg4[%add3A_102] : memref<180224xi32, #tpu.memory_space<hbm>> -> memref<128xi32, #tpu.memory_space<hbm>>
        tpu.wait_dma2 semaphore(%run_scoped3A : memref<!tpu.dma_semaphore, #tpu.memory_space<semaphore_mem>>) src(%dma_wait3A_110 : memref<128xi32, #tpu.memory_space<hbm>>) dst(%arg10 : memref<128xi32, #tpu.memory_space<vmem>>)
        tpu.yield
      }) : () -> ()
      "tpu.region"() ({
        %run_scoped3A = tpu.sem_alloc : memref<!tpu.dma_semaphore, #tpu.memory_space<semaphore_mem>>
        %dma_start3A = tpu.memref_slice %arg5[%add3A_102] : memref<180224xi32, #tpu.memory_space<hbm>> -> memref<128xi32, #tpu.memory_space<hbm>>
        %dma_start3A_109 = tpu.memref_slice %arg5[%add3A_102] : memref<180224xi32, #tpu.memory_space<hbm>> -> memref<128xi32, #tpu.memory_space<hbm>>
        tpu.enqueue_dma source(%dma_start3A_109 : memref<128xi32, #tpu.memory_space<hbm>>) target(%arg11 : memref<128xi32, #tpu.memory_space<vmem>>) target_semaphore(%run_scoped3A : memref<!tpu.dma_semaphore, #tpu.memory_space<semaphore_mem>>)
        %dma_wait3A = tpu.memref_slice %arg5[%add3A_102] : memref<180224xi32, #tpu.memory_space<hbm>> -> memref<128xi32, #tpu.memory_space<hbm>>
        %dma_wait3A_110 = tpu.memref_slice %arg5[%add3A_102] : memref<180224xi32, #tpu.memory_space<hbm>> -> memref<128xi32, #tpu.memory_space<hbm>>
        tpu.wait_dma2 semaphore(%run_scoped3A : memref<!tpu.dma_semaphore, #tpu.memory_space<semaphore_mem>>) src(%dma_wait3A_110 : memref<128xi32, #tpu.memory_space<hbm>>) dst(%arg11 : memref<128xi32, #tpu.memory_space<vmem>>)
        tpu.yield
      }) : () -> ()
      %scan3A_103 = arith.constant 0 : i32
      %scan3A_104 = arith.constant 0 : i32
      %scan3A_105 = arith.constant 8 : i32
      %scan3A_106 = arith.addi %scan3A_104, %scan3A_105 : i32
      %scan3A_107 = arith.constant 1 : i32
      scf.for %scan3A_109 = %scan3A_104 to %scan3A_106 step %scan3A_107  : i32 {
        %mul3A_110 = arith.constant 16 : i32
        %mul3A_111 = arith.muli %scan3A_109, %mul3A_110 : i32
        %get3A_112 = arith.index_cast %mul3A_111 : i32 to index
        %get3A_113 = tpu.vector_load %arg10[%get3A_112] {strides = array<i32>} : memref<128xi32, #tpu.memory_space<vmem>>, vector<16xi32>,
        %mul3A_114 = arith.constant 16 : i32
        %mul3A_115 = arith.muli %scan3A_109, %mul3A_114 : i32
        %get3A_116 = arith.index_cast %mul3A_115 : i32 to index
        %get3A_117 = tpu.vector_load %arg11[%get3A_116] {strides = array<i32>} : memref<128xi32, #tpu.memory_space<vmem>>, vector<16xi32>,
        %min3A = arith.constant 9999 : i32
        %min3A_118 = vector.broadcast %min3A : i32 to vector<16xi32>
        %min3A_119 = arith.minsi %get3A_117, %min3A_118 : vector<16xi32>
        %gather3A = tpu.vector_load_idx %arg8[%get3A_113] : memref<10000xf32, #tpu.memory_space<vmem>>[vector<16xi32>], vector<16xf32>,
        %gather3A_120 = tpu.vector_load_idx %arg9[%min3A_119] : memref<10000xf32, #tpu.memory_space<vmem>>[vector<16xi32>], vector<16xf32>,
        %add3A_121 = arith.addf %gather3A, %gather3A_120 : vector<16xf32>
        %mul3A_122 = arith.constant 2.000000e-01 : f32
        %mul3A_123 = vector.broadcast %mul3A_122 : f32 to vector<16xf32>
        %mul3A_124 = arith.mulf %mul3A_123, %add3A_121 : vector<16xf32>
        %max3A = arith.maximumf %add3A_121, %mul3A_124 : vector<16xf32>
        %mul3A_125 = arith.mulf %max3A, %get3A_1 : vector<16xf32>
        %exp3A = math.exp %mul3A_125 : vector<16xf32>
        %jit3A = arith.constant 128 : i32
        %div3A = vector.broadcast %jit3A : i32 to vector<16xi32>
        %div3A_126 = arith.divsi %get3A_117, %div3A : vector<16xi32>
        %sign3A = arith.constant 0 : i32
        %sign3A_127 = vector.broadcast %sign3A : i32 to vector<16xi32>
        %sign3A_128 = arith.cmpi sgt, %get3A_117, %sign3A_127 : vector<16xi32>
        %sign3A_129 = arith.extui %sign3A_128 : vector<16xi1> to vector<16xi32>
        %sign3A_130 = arith.constant 0 : i32
        %sign3A_131 = vector.broadcast %sign3A_130 : i32 to vector<16xi32>
        %sign3A_132 = arith.cmpi slt, %get3A_117, %sign3A_131 : vector<16xi32>
        %sign3A_133 = arith.extui %sign3A_132 : vector<16xi1> to vector<16xi32>
        %sign3A_134 = arith.subi %sign3A_129, %sign3A_133 : vector<16xi32>
        %sign3A_135 = arith.constant 0 : i32
        %sign3A_136 = arith.cmpi sgt, %jit3A, %sign3A_135 : i32
        %sign3A_137 = arith.extui %sign3A_136 : i1 to i32
        %sign3A_138 = arith.constant 0 : i32
        %sign3A_139 = arith.cmpi slt, %jit3A, %sign3A_138 : i32
        %sign3A_140 = arith.extui %sign3A_139 : i1 to i32
        %sign3A_141 = arith.subi %sign3A_137, %sign3A_140 : i32
        %ne3A = vector.broadcast %sign3A_141 : i32 to vector<16xi32>
        %ne3A_142 = arith.cmpi ne, %sign3A_134, %ne3A : vector<16xi32>
        %rem3A = vector.broadcast %jit3A : i32 to vector<16xi32>
        %rem3A_143 = arith.remsi %get3A_117, %rem3A : vector<16xi32>
        %ne3A_144 = arith.constant 0 : i32
        %ne3A_145 = vector.broadcast %ne3A_144 : i32 to vector<16xi32>
        %ne3A_146 = arith.cmpi ne, %rem3A_143, %ne3A_145 : vector<16xi32>
        %and3A = arith.andi %ne3A_142, %ne3A_146 : vector<16xi1>
        %sub3A = arith.constant 1 : i32
        %sub3A_147 = vector.broadcast %sub3A : i32 to vector<16xi32>
        %sub3A_148 = arith.subi %div3A_126, %sub3A_147 : vector<16xi32>
        %select_n3A = arith.select %and3A, %sub3A_148, %div3A_126 : vector<16xi1>, vector<16xi32>
        %jit3A_149 = arith.constant 128 : i32
        %eq3A_150 = arith.constant 0 : i32
        %eq3A_151 = arith.cmpi eq, %jit3A_149, %eq3A_150 : i32
        %jit3A_152 = arith.constant 1 : i32
        %select_n3A_153 = arith.select %eq3A_151, %jit3A_152, %jit3A_149 : i32
        %rem3A_154 = vector.broadcast %select_n3A_153 : i32 to vector<16xi32>
        %rem3A_155 = arith.remsi %get3A_117, %rem3A_154 : vector<16xi32>
        %ne3A_156 = arith.constant 0 : i32
        %ne3A_157 = vector.broadcast %ne3A_156 : i32 to vector<16xi32>
        %ne3A_158 = arith.cmpi ne, %rem3A_155, %ne3A_157 : vector<16xi32>
        %lt3A = arith.constant 0 : i32
        %lt3A_159 = vector.broadcast %lt3A : i32 to vector<16xi32>
        %lt3A_160 = arith.cmpi slt, %rem3A_155, %lt3A_159 : vector<16xi32>
        %lt3A_161 = arith.constant 0 : i32
        %lt3A_162 = arith.cmpi slt, %select_n3A_153, %lt3A_161 : i32
        %ne3A_163 = vector.broadcast %lt3A_162 : i1 to vector<16xi1>
        %ne3A_164 = vector.broadcast %ne3A_163 : vector<16xi1> to vector<16xi1>
        %ne3A_165 = arith.xori %lt3A_160, %ne3A_164 : vector<16xi1>
        %and3A_166 = arith.andi %ne3A_165, %ne3A_158 : vector<16xi1>
        %add3A_167 = vector.broadcast %select_n3A_153 : i32 to vector<16xi32>
        %add3A_168 = arith.addi %rem3A_155, %add3A_167 : vector<16xi32>
        %select_n3A_169 = arith.select %and3A_166, %add3A_168, %rem3A_155 : vector<16xi1>, vector<16xi32>
        %mul3A_170 = arith.mulf %exp3A, %gather3A : vector<16xf32>
        tpu.vector_store_idx %arg13[%select_n3A, %select_n3A_169], %mul3A_170 {add = true} : memref<256x128xf32, #tpu.memory_space<vmem>>[vector<16xi32>, vector<16xi32>], vector<16xf32>,
        %add3A_171 = arith.constant 80 : i32
        %add3A_172 = vector.broadcast %add3A_171 : i32 to vector<16xi32>
        %add3A_173 = arith.addi %add3A_172, %select_n3A : vector<16xi32>
        tpu.vector_store_idx %arg13[%add3A_173, %select_n3A_169], %exp3A {add = true} : memref<256x128xf32, #tpu.memory_space<vmem>>[vector<16xi32>, vector<16xi32>], vector<16xf32>,
      }
      %scan3A_108 = arith.constant 8 : i32
    }
    %scan3A_14 = arith.constant 44 : i32
    %add3A_15 = arith.constant 0 : i32
    %add3A_16 = vector.broadcast %add3A_15 : i32 to vector<16xi32>
    %add3A_17 = arith.addi %iota3A, %add3A_16 : vector<16xi32>
    %swap3A = arith.constant 0 : index
    %swap3A_18 = tpu.vector_load %arg12[%swap3A] {strides = array<i32>} : memref<128xi32, #tpu.memory_space<vmem>>, vector<16xi32>,
    tpu.vector_store %arg12[%swap3A], %add3A_17 {strides = array<i32>} : memref<128xi32, #tpu.memory_space<vmem>>, vector<16xi32>,
    %add3A_19 = arith.constant 16 : i32
    %add3A_20 = vector.broadcast %add3A_19 : i32 to vector<16xi32>
    %add3A_21 = arith.addi %iota3A, %add3A_20 : vector<16xi32>
    %swap3A_22 = arith.constant 16 : index
    %swap3A_23 = tpu.vector_load %arg12[%swap3A_22] {strides = array<i32>} : memref<128xi32, #tpu.memory_space<vmem>>, vector<16xi32>,
    tpu.vector_store %arg12[%swap3A_22], %add3A_21 {strides = array<i32>} : memref<128xi32, #tpu.memory_space<vmem>>, vector<16xi32>,
    %add3A_24 = arith.constant 32 : i32
    %add3A_25 = vector.broadcast %add3A_24 : i32 to vector<16xi32>
    %add3A_26 = arith.addi %iota3A, %add3A_25 : vector<16xi32>
    %swap3A_27 = arith.constant 32 : index
    %swap3A_28 = tpu.vector_load %arg12[%swap3A_27] {strides = array<i32>} : memref<128xi32, #tpu.memory_space<vmem>>, vector<16xi32>,
    tpu.vector_store %arg12[%swap3A_27], %add3A_26 {strides = array<i32>} : memref<128xi32, #tpu.memory_space<vmem>>, vector<16xi32>,
    %add3A_29 = arith.constant 48 : i32
    %add3A_30 = vector.broadcast %add3A_29 : i32 to vector<16xi32>
    %add3A_31 = arith.addi %iota3A, %add3A_30 : vector<16xi32>
    %swap3A_32 = arith.constant 48 : index
    %swap3A_33 = tpu.vector_load %arg12[%swap3A_32] {strides = array<i32>} : memref<128xi32, #tpu.memory_space<vmem>>, vector<16xi32>,
    tpu.vector_store %arg12[%swap3A_32], %add3A_31 {strides = array<i32>} : memref<128xi32, #tpu.memory_space<vmem>>, vector<16xi32>,
    %add3A_34 = arith.constant 64 : i32
    %add3A_35 = vector.broadcast %add3A_34 : i32 to vector<16xi32>
    %add3A_36 = arith.addi %iota3A, %add3A_35 : vector<16xi32>
    %swap3A_37 = arith.constant 64 : index
    %swap3A_38 = tpu.vector_load %arg12[%swap3A_37] {strides = array<i32>} : memref<128xi32, #tpu.memory_space<vmem>>, vector<16xi32>,
    tpu.vector_store %arg12[%swap3A_37], %add3A_36 {strides = array<i32>} : memref<128xi32, #tpu.memory_space<vmem>>, vector<16xi32>,
    %add3A_39 = arith.constant 80 : i32
    %add3A_40 = vector.broadcast %add3A_39 : i32 to vector<16xi32>
    %add3A_41 = arith.addi %iota3A, %add3A_40 : vector<16xi32>
    %swap3A_42 = arith.constant 80 : index
    %swap3A_43 = tpu.vector_load %arg12[%swap3A_42] {strides = array<i32>} : memref<128xi32, #tpu.memory_space<vmem>>, vector<16xi32>,
    tpu.vector_store %arg12[%swap3A_42], %add3A_41 {strides = array<i32>} : memref<128xi32, #tpu.memory_space<vmem>>, vector<16xi32>,
    %add3A_44 = arith.constant 96 : i32
    %add3A_45 = vector.broadcast %add3A_44 : i32 to vector<16xi32>
    %add3A_46 = arith.addi %iota3A, %add3A_45 : vector<16xi32>
    %swap3A_47 = arith.constant 96 : index
    %swap3A_48 = tpu.vector_load %arg12[%swap3A_47] {strides = array<i32>} : memref<128xi32, #tpu.memory_space<vmem>>, vector<16xi32>,
    tpu.vector_store %arg12[%swap3A_47], %add3A_46 {strides = array<i32>} : memref<128xi32, #tpu.memory_space<vmem>>, vector<16xi32>,
    %add3A_49 = arith.constant 112 : i32
    %add3A_50 = vector.broadcast %add3A_49 : i32 to vector<16xi32>
    %add3A_51 = arith.addi %iota3A, %add3A_50 : vector<16xi32>
    %swap3A_52 = arith.constant 112 : index
    %swap3A_53 = tpu.vector_load %arg12[%swap3A_52] {strides = array<i32>} : memref<128xi32, #tpu.memory_space<vmem>>, vector<16xi32>,
    tpu.vector_store %arg12[%swap3A_52], %add3A_51 {strides = array<i32>} : memref<128xi32, #tpu.memory_space<vmem>>, vector<16xi32>,
    "tpu.region"() ({
      %run_scoped3A = tpu.sem_alloc : memref<!tpu.dma_semaphore, #tpu.memory_space<semaphore_mem>>
      %dma_start3A = arith.constant 0 : i32
      %dma_start3A_97 = arith.constant 0 : i32
      %dma_start3A_98 = tpu.memref_slice %arg13[%dma_start3A, %dma_start3A_97] : memref<256x128xf32, #tpu.memory_space<vmem>> -> memref<128x128xf32, #tpu.memory_space<vmem>>
      %dma_start3A_99 = arith.constant 0 : i32
      %dma_start3A_100 = arith.constant 0 : i32
      %dma_start3A_101 = tpu.memref_slice %arg15[%dma_start3A_99, %dma_start3A_100] : memref<256x128xf32, #tpu.memory_space<vmem_shared>> -> memref<256x128xf32, #tpu.memory_space<vmem_shared>>
      tpu.enqueue_indirect_dma source(%dma_start3A_98 : memref<128x128xf32, #tpu.memory_space<vmem>>) target(%dma_start3A_101 : memref<256x128xf32, #tpu.memory_space<vmem_shared>>) offsets(%arg12 : memref<128xi32, #tpu.memory_space<vmem>>) semaphore(%run_scoped3A : memref<!tpu.dma_semaphore, #tpu.memory_space<semaphore_mem>>) {add = true}
      %dma_wait3A = arith.constant 0 : i32
      %dma_wait3A_102 = arith.constant 0 : i32
      %dma_wait3A_103 = tpu.memref_slice %arg13[%dma_wait3A, %dma_wait3A_102] : memref<256x128xf32, #tpu.memory_space<vmem>> -> memref<128x128xf32, #tpu.memory_space<vmem>>
      %dma_wait3A_104 = arith.constant 0 : i32
      %dma_wait3A_105 = arith.constant 0 : i32
      %dma_wait3A_106 = tpu.memref_slice %arg15[%dma_wait3A_104, %dma_wait3A_105] : memref<256x128xf32, #tpu.memory_space<vmem_shared>> -> memref<256x128xf32, #tpu.memory_space<vmem_shared>>
      tpu.wait_indirect_dma semaphore(%run_scoped3A : memref<!tpu.dma_semaphore, #tpu.memory_space<semaphore_mem>>) src(%dma_wait3A_103 : memref<128x128xf32, #tpu.memory_space<vmem>>) dst(%dma_wait3A_106 : memref<256x128xf32, #tpu.memory_space<vmem_shared>>)
      tpu.yield
    }) : () -> ()
    %add3A_54 = arith.constant 128 : i32
    %add3A_55 = vector.broadcast %add3A_54 : i32 to vector<16xi32>
    %add3A_56 = arith.addi %iota3A, %add3A_55 : vector<16xi32>
    %swap3A_57 = arith.constant 0 : index
    %swap3A_58 = tpu.vector_load %arg12[%swap3A_57] {strides = array<i32>} : memref<128xi32, #tpu.memory_space<vmem>>, vector<16xi32>,
    tpu.vector_store %arg12[%swap3A_57], %add3A_56 {strides = array<i32>} : memref<128xi32, #tpu.memory_space<vmem>>, vector<16xi32>,
    %add3A_59 = arith.constant 144 : i32
    %add3A_60 = vector.broadcast %add3A_59 : i32 to vector<16xi32>
    %add3A_61 = arith.addi %iota3A, %add3A_60 : vector<16xi32>
    %swap3A_62 = arith.constant 16 : index
    %swap3A_63 = tpu.vector_load %arg12[%swap3A_62] {strides = array<i32>} : memref<128xi32, #tpu.memory_space<vmem>>, vector<16xi32>,
    tpu.vector_store %arg12[%swap3A_62], %add3A_61 {strides = array<i32>} : memref<128xi32, #tpu.memory_space<vmem>>, vector<16xi32>,
    %add3A_64 = arith.constant 160 : i32
    %add3A_65 = vector.broadcast %add3A_64 : i32 to vector<16xi32>
    %add3A_66 = arith.addi %iota3A, %add3A_65 : vector<16xi32>
    %swap3A_67 = arith.constant 32 : index
    %swap3A_68 = tpu.vector_load %arg12[%swap3A_67] {strides = array<i32>} : memref<128xi32, #tpu.memory_space<vmem>>, vector<16xi32>,
    tpu.vector_store %arg12[%swap3A_67], %add3A_66 {strides = array<i32>} : memref<128xi32, #tpu.memory_space<vmem>>, vector<16xi32>,
    %add3A_69 = arith.constant 176 : i32
    %add3A_70 = vector.broadcast %add3A_69 : i32 to vector<16xi32>
    %add3A_71 = arith.addi %iota3A, %add3A_70 : vector<16xi32>
    %swap3A_72 = arith.constant 48 : index
    %swap3A_73 = tpu.vector_load %arg12[%swap3A_72] {strides = array<i32>} : memref<128xi32, #tpu.memory_space<vmem>>, vector<16xi32>,
    tpu.vector_store %arg12[%swap3A_72], %add3A_71 {strides = array<i32>} : memref<128xi32, #tpu.memory_space<vmem>>, vector<16xi32>,
    %add3A_74 = arith.constant 192 : i32
    %add3A_75 = vector.broadcast %add3A_74 : i32 to vector<16xi32>
    %add3A_76 = arith.addi %iota3A, %add3A_75 : vector<16xi32>
    %swap3A_77 = arith.constant 64 : index
    %swap3A_78 = tpu.vector_load %arg12[%swap3A_77] {strides = array<i32>} : memref<128xi32, #tpu.memory_space<vmem>>, vector<16xi32>,
    tpu.vector_store %arg12[%swap3A_77], %add3A_76 {strides = array<i32>} : memref<128xi32, #tpu.memory_space<vmem>>, vector<16xi32>,
    %add3A_79 = arith.constant 208 : i32
    %add3A_80 = vector.broadcast %add3A_79 : i32 to vector<16xi32>
    %add3A_81 = arith.addi %iota3A, %add3A_80 : vector<16xi32>
    %swap3A_82 = arith.constant 80 : index
    %swap3A_83 = tpu.vector_load %arg12[%swap3A_82] {strides = array<i32>} : memref<128xi32, #tpu.memory_space<vmem>>, vector<16xi32>,
    tpu.vector_store %arg12[%swap3A_82], %add3A_81 {strides = array<i32>} : memref<128xi32, #tpu.memory_space<vmem>>, vector<16xi32>,
    %add3A_84 = arith.constant 224 : i32
    %add3A_85 = vector.broadcast %add3A_84 : i32 to vector<16xi32>
    %add3A_86 = arith.addi %iota3A, %add3A_85 : vector<16xi32>
    %swap3A_87 = arith.constant 96 : index
    %swap3A_88 = tpu.vector_load %arg12[%swap3A_87] {strides = array<i32>} : memref<128xi32, #tpu.memory_space<vmem>>, vector<16xi32>,
    tpu.vector_store %arg12[%swap3A_87], %add3A_86 {strides = array<i32>} : memref<128xi32, #tpu.memory_space<vmem>>, vector<16xi32>,
    %add3A_89 = arith.constant 240 : i32
    %add3A_90 = vector.broadcast %add3A_89 : i32 to vector<16xi32>
    %add3A_91 = arith.addi %iota3A, %add3A_90 : vector<16xi32>
    %swap3A_92 = arith.constant 112 : index
    %swap3A_93 = tpu.vector_load %arg12[%swap3A_92] {strides = array<i32>} : memref<128xi32, #tpu.memory_space<vmem>>, vector<16xi32>,
    tpu.vector_store %arg12[%swap3A_92], %add3A_91 {strides = array<i32>} : memref<128xi32, #tpu.memory_space<vmem>>, vector<16xi32>,
    "tpu.region"() ({
      %run_scoped3A = tpu.sem_alloc : memref<!tpu.dma_semaphore, #tpu.memory_space<semaphore_mem>>
      %dma_start3A = arith.constant 128 : i32
      %dma_start3A_97 = arith.constant 0 : i32
      %dma_start3A_98 = tpu.memref_slice %arg13[%dma_start3A, %dma_start3A_97] : memref<256x128xf32, #tpu.memory_space<vmem>> -> memref<128x128xf32, #tpu.memory_space<vmem>>
      %dma_start3A_99 = arith.constant 0 : i32
      %dma_start3A_100 = arith.constant 0 : i32
      %dma_start3A_101 = tpu.memref_slice %arg15[%dma_start3A_99, %dma_start3A_100] : memref<256x128xf32, #tpu.memory_space<vmem_shared>> -> memref<256x128xf32, #tpu.memory_space<vmem_shared>>
      tpu.enqueue_indirect_dma source(%dma_start3A_98 : memref<128x128xf32, #tpu.memory_space<vmem>>) target(%dma_start3A_101 : memref<256x128xf32, #tpu.memory_space<vmem_shared>>) offsets(%arg12 : memref<128xi32, #tpu.memory_space<vmem>>) semaphore(%run_scoped3A : memref<!tpu.dma_semaphore, #tpu.memory_space<semaphore_mem>>) {add = true}
      %dma_wait3A = arith.constant 128 : i32
      %dma_wait3A_102 = arith.constant 0 : i32
      %dma_wait3A_103 = tpu.memref_slice %arg13[%dma_wait3A, %dma_wait3A_102] : memref<256x128xf32, #tpu.memory_space<vmem>> -> memref<128x128xf32, #tpu.memory_space<vmem>>
      %dma_wait3A_104 = arith.constant 0 : i32
      %dma_wait3A_105 = arith.constant 0 : i32
      %dma_wait3A_106 = tpu.memref_slice %arg15[%dma_wait3A_104, %dma_wait3A_105] : memref<256x128xf32, #tpu.memory_space<vmem_shared>> -> memref<256x128xf32, #tpu.memory_space<vmem_shared>>
      tpu.wait_indirect_dma semaphore(%run_scoped3A : memref<!tpu.dma_semaphore, #tpu.memory_space<semaphore_mem>>) src(%dma_wait3A_103 : memref<128x128xf32, #tpu.memory_space<vmem>>) dst(%dma_wait3A_106 : memref<256x128xf32, #tpu.memory_space<vmem_shared>>)
      tpu.yield
    }) : () -> ()
    %barrier3A_94 = arith.constant 0 : index
    tpu.barrier barrier_id(%barrier3A_94)
    %mul3A_95 = arith.constant 16 : i32
    %mul3A_96 = arith.muli %arg1, %mul3A_95 : i32
    "tpu.region"() ({
      %run_scoped3A = tpu.sem_alloc : memref<!tpu.dma_semaphore, #tpu.memory_space<semaphore_mem>>
      %dma_start3A = arith.constant 0 : i32
      %dma_start3A_97 = arith.constant 0 : i32
      %dma_start3A_98 = tpu.memref_slice %arg13[%dma_start3A, %dma_start3A_97] : memref<256x128xf32, #tpu.memory_space<vmem>> -> memref<16x128xf32, #tpu.memory_space<vmem>>
      %dma_start3A_99 = arith.constant 0 : i32
      %dma_start3A_100 = tpu.memref_slice %arg15[%mul3A_96, %dma_start3A_99] : memref<256x128xf32, #tpu.memory_space<vmem_shared>> -> memref<16x128xf32, #tpu.memory_space<vmem_shared>>
      %dma_start3A_101 = arith.constant 0 : i32
      %dma_start3A_102 = arith.constant 0 : i32
      %dma_start3A_103 = tpu.memref_slice %arg13[%dma_start3A_101, %dma_start3A_102] : memref<256x128xf32, #tpu.memory_space<vmem>> -> memref<16x128xf32, #tpu.memory_space<vmem>>
      %dma_start3A_104 = arith.constant 0 : i32
      %dma_start3A_105 = tpu.memref_slice %arg15[%mul3A_96, %dma_start3A_104] : memref<256x128xf32, #tpu.memory_space<vmem_shared>> -> memref<16x128xf32, #tpu.memory_space<vmem_shared>>
      tpu.enqueue_dma source(%dma_start3A_105 : memref<16x128xf32, #tpu.memory_space<vmem_shared>>) target(%dma_start3A_103 : memref<16x128xf32, #tpu.memory_space<vmem>>) target_semaphore(%run_scoped3A : memref<!tpu.dma_semaphore, #tpu.memory_space<semaphore_mem>>)
      %dma_wait3A = arith.constant 0 : i32
      %dma_wait3A_106 = arith.constant 0 : i32
      %dma_wait3A_107 = tpu.memref_slice %arg13[%dma_wait3A, %dma_wait3A_106] : memref<256x128xf32, #tpu.memory_space<vmem>> -> memref<16x128xf32, #tpu.memory_space<vmem>>
      %dma_wait3A_108 = arith.constant 0 : i32
      %dma_wait3A_109 = tpu.memref_slice %arg15[%mul3A_96, %dma_wait3A_108] : memref<256x128xf32, #tpu.memory_space<vmem_shared>> -> memref<16x128xf32, #tpu.memory_space<vmem_shared>>
      %dma_wait3A_110 = arith.constant 0 : i32
      %dma_wait3A_111 = arith.constant 0 : i32
      %dma_wait3A_112 = tpu.memref_slice %arg13[%dma_wait3A_110, %dma_wait3A_111] : memref<256x128xf32, #tpu.memory_space<vmem>> -> memref<16x128xf32, #tpu.memory_space<vmem>>
      %dma_wait3A_113 = arith.constant 0 : i32
      %dma_wait3A_114 = tpu.memref_slice %arg15[%mul3A_96, %dma_wait3A_113] : memref<256x128xf32, #tpu.memory_space<vmem_shared>> -> memref<16x128xf32, #tpu.memory_space<vmem_shared>>
      tpu.wait_dma2 semaphore(%run_scoped3A : memref<!tpu.dma_semaphore, #tpu.memory_space<semaphore_mem>>) src(%dma_wait3A_114 : memref<16x128xf32, #tpu.memory_space<vmem_shared>>) dst(%dma_wait3A_112 : memref<16x128xf32, #tpu.memory_space<vmem>>)
      tpu.yield
    }) : () -> ()
    "tpu.region"() ({
      %run_scoped3A = tpu.sem_alloc : memref<!tpu.dma_semaphore, #tpu.memory_space<semaphore_mem>>
      %dma_start3A = arith.constant 0 : i32
      %dma_start3A_97 = arith.constant 0 : i32
      %dma_start3A_98 = tpu.memref_slice %arg13[%dma_start3A, %dma_start3A_97] : memref<256x128xf32, #tpu.memory_space<vmem>> -> memref<16x128xf32, #tpu.memory_space<vmem>>
      %dma_start3A_99 = arith.constant 0 : i32
      %dma_start3A_100 = tpu.memref_slice %arg7[%arg0, %mul3A_96, %dma_start3A_99] : memref<2x256x128xf32, #tpu.memory_space<hbm>> -> memref<1x16x128xf32, #tpu.memory_space<hbm>>
      %dma_start3A_101 = tpu.memref_squeeze %dma_start3A_100 : memref<1x16x128xf32, #tpu.memory_space<hbm>> -> memref<16x128xf32, #tpu.memory_space<hbm>>
      %dma_start3A_102 = arith.constant 0 : i32
      %dma_start3A_103 = tpu.memref_slice %arg7[%arg0, %mul3A_96, %dma_start3A_102] : memref<2x256x128xf32, #tpu.memory_space<hbm>> -> memref<1x16x128xf32, #tpu.memory_space<hbm>>
      %dma_start3A_104 = tpu.memref_squeeze %dma_start3A_103 : memref<1x16x128xf32, #tpu.memory_space<hbm>> -> memref<16x128xf32, #tpu.memory_space<hbm>>
      %dma_start3A_105 = arith.constant 0 : i32
      %dma_start3A_106 = arith.constant 0 : i32
      %dma_start3A_107 = tpu.memref_slice %arg13[%dma_start3A_105, %dma_start3A_106] : memref<256x128xf32, #tpu.memory_space<vmem>> -> memref<16x128xf32, #tpu.memory_space<vmem>>
      tpu.enqueue_dma source(%dma_start3A_107 : memref<16x128xf32, #tpu.memory_space<vmem>>) target(%dma_start3A_104 : memref<16x128xf32, #tpu.memory_space<hbm>>) target_semaphore(%run_scoped3A : memref<!tpu.dma_semaphore, #tpu.memory_space<semaphore_mem>>)
      %dma_wait3A = arith.constant 0 : i32
      %dma_wait3A_108 = arith.constant 0 : i32
      %dma_wait3A_109 = tpu.memref_slice %arg13[%dma_wait3A, %dma_wait3A_108] : memref<256x128xf32, #tpu.memory_space<vmem>> -> memref<16x128xf32, #tpu.memory_space<vmem>>
      %dma_wait3A_110 = arith.constant 0 : i32
      %dma_wait3A_111 = tpu.memref_slice %arg7[%arg0, %mul3A_96, %dma_wait3A_110] : memref<2x256x128xf32, #tpu.memory_space<hbm>> -> memref<1x16x128xf32, #tpu.memory_space<hbm>>
      %dma_wait3A_112 = tpu.memref_squeeze %dma_wait3A_111 : memref<1x16x128xf32, #tpu.memory_space<hbm>> -> memref<16x128xf32, #tpu.memory_space<hbm>>
      %dma_wait3A_113 = arith.constant 0 : i32
      %dma_wait3A_114 = tpu.memref_slice %arg7[%arg0, %mul3A_96, %dma_wait3A_113] : memref<2x256x128xf32, #tpu.memory_space<hbm>> -> memref<1x16x128xf32, #tpu.memory_space<hbm>>
      %dma_wait3A_115 = tpu.memref_squeeze %dma_wait3A_114 : memref<1x16x128xf32, #tpu.memory_space<hbm>> -> memref<16x128xf32, #tpu.memory_space<hbm>>
      %dma_wait3A_116 = arith.constant 0 : i32
      %dma_wait3A_117 = arith.constant 0 : i32
      %dma_wait3A_118 = tpu.memref_slice %arg13[%dma_wait3A_116, %dma_wait3A_117] : memref<256x128xf32, #tpu.memory_space<vmem>> -> memref<16x128xf32, #tpu.memory_space<vmem>>
      tpu.wait_dma2 semaphore(%run_scoped3A : memref<!tpu.dma_semaphore, #tpu.memory_space<semaphore_mem>>) src(%dma_wait3A_118 : memref<16x128xf32, #tpu.memory_space<vmem>>) dst(%dma_wait3A_115 : memref<16x128xf32, #tpu.memory_space<hbm>>)
      tpu.yield
    }) : () -> ()
    return
  }
}

#map = affine_map<(d0, d1) -> (0, 0)>
#map1 = affine_map<(d0, d1) -> (0)>
#map2 = affine_map<(d0, d1) -> (0, 0, 0)>
module attributes {stable_mosaic.version = 14 : i64} {
  func.func @_edge1_body(%arg0: i32, %arg1: i32, %arg2: memref<10000x128xf32, #tpu.memory_space<hbm>>, %arg3: memref<10000x128xf32, #tpu.memory_space<hbm>>, %arg4: memref<180224xi32, #tpu.memory_space<hbm>>, %arg5: memref<180224xi32, #tpu.memory_space<hbm>>, %arg6: memref<128xf32, #tpu.memory_space<hbm>>, %arg7: memref<12288x128xf32, #tpu.memory_space<hbm>>, %arg8: memref<2x256x128xf32, #tpu.memory_space<hbm>>, %arg9: memref<128xi32, #tpu.memory_space<vmem>>, %arg10: memref<128xi32, #tpu.memory_space<vmem>>, %arg11: memref<128xi32, #tpu.memory_space<vmem>>, %arg12: memref<128xi32, #tpu.memory_space<vmem>>, %arg13: memref<128x128xf32, #tpu.memory_space<vmem>>, %arg14: memref<128x128xf32, #tpu.memory_space<vmem>>, %arg15: memref<128xf32, #tpu.memory_space<vmem>>, %arg16: memref<256x128xf32, #tpu.memory_space<vmem>>, %arg17: memref<6144x128xf32, #tpu.memory_space<vmem_shared>>, %arg18: memref<256x128xf32, #tpu.memory_space<vmem_shared>>, %arg19: memref<!tpu.dma_semaphore, #tpu.memory_space<semaphore_mem>>, %arg20: memref<!tpu.dma_semaphore, #tpu.memory_space<semaphore_mem>>) attributes {dimension_semantics = [#tpu.dimension_semantics<core_parallel>, #tpu.dimension_semantics<subcore_parallel>], iteration_bounds = array<i64: 2, 16>, scalar_prefetch = 0 : i64, scratch_operands = 12 : i64, tpu.core_type = #tpu.core_type<sc_vector_subcore>, window_params = [{transform_indices = #map}, {transform_indices = #map}, {transform_indices = #map1}, {transform_indices = #map1}, {transform_indices = #map1}, {transform_indices = #map}, {transform_indices = #map2}]} {
    %iota3A = tpu.iota {dimensions = array<i32: 0>} : vector<16xi32>
    "tpu.region"() ({
      %run_scoped3A = tpu.sem_alloc : memref<!tpu.dma_semaphore, #tpu.memory_space<semaphore_mem>>
      tpu.enqueue_dma source(%arg6 : memref<128xf32, #tpu.memory_space<hbm>>) target(%arg15 : memref<128xf32, #tpu.memory_space<vmem>>) target_semaphore(%run_scoped3A : memref<!tpu.dma_semaphore, #tpu.memory_space<semaphore_mem>>)
      tpu.wait_dma2 semaphore(%run_scoped3A : memref<!tpu.dma_semaphore, #tpu.memory_space<semaphore_mem>>) src(%arg6 : memref<128xf32, #tpu.memory_space<hbm>>) dst(%arg15 : memref<128xf32, #tpu.memory_space<vmem>>)
      tpu.yield
    }) : () -> ()
    %scan3A = arith.constant 0 : i32
    %scan3A_0 = arith.constant 0 : i32
    %scan3A_1 = arith.constant 128 : i32
    %scan3A_2 = arith.addi %scan3A_0, %scan3A_1 : i32
    %scan3A_3 = arith.constant 1 : i32
    scf.for %scan3A_167 = %scan3A_0 to %scan3A_2 step %scan3A_3  : i32 {
      %broadcast_in_dim3A = arith.constant 0.000000e+00 : f32
      %broadcast_in_dim3A_168 = vector.broadcast %broadcast_in_dim3A : f32 to vector<16xf32>
      %swap3A_169 = arith.index_cast %scan3A_167 : i32 to index
      %swap3A_170 = arith.constant 0 : index
      %swap3A_171 = tpu.vector_load %arg13[%swap3A_169, %swap3A_170] {strides = array<i32>} : memref<128x128xf32, #tpu.memory_space<vmem>>, vector<16xf32>,
      tpu.vector_store %arg13[%swap3A_169, %swap3A_170], %broadcast_in_dim3A_168 {strides = array<i32>} : memref<128x128xf32, #tpu.memory_space<vmem>>, vector<16xf32>,
      %broadcast_in_dim3A_172 = arith.constant 0.000000e+00 : f32
      %broadcast_in_dim3A_173 = vector.broadcast %broadcast_in_dim3A_172 : f32 to vector<16xf32>
      %swap3A_174 = arith.index_cast %scan3A_167 : i32 to index
      %swap3A_175 = arith.constant 16 : index
      %swap3A_176 = tpu.vector_load %arg13[%swap3A_174, %swap3A_175] {strides = array<i32>} : memref<128x128xf32, #tpu.memory_space<vmem>>, vector<16xf32>,
      tpu.vector_store %arg13[%swap3A_174, %swap3A_175], %broadcast_in_dim3A_173 {strides = array<i32>} : memref<128x128xf32, #tpu.memory_space<vmem>>, vector<16xf32>,
      %broadcast_in_dim3A_177 = arith.constant 0.000000e+00 : f32
      %broadcast_in_dim3A_178 = vector.broadcast %broadcast_in_dim3A_177 : f32 to vector<16xf32>
      %swap3A_179 = arith.index_cast %scan3A_167 : i32 to index
      %swap3A_180 = arith.constant 32 : index
      %swap3A_181 = tpu.vector_load %arg13[%swap3A_179, %swap3A_180] {strides = array<i32>} : memref<128x128xf32, #tpu.memory_space<vmem>>, vector<16xf32>,
      tpu.vector_store %arg13[%swap3A_179, %swap3A_180], %broadcast_in_dim3A_178 {strides = array<i32>} : memref<128x128xf32, #tpu.memory_space<vmem>>, vector<16xf32>,
      %broadcast_in_dim3A_182 = arith.constant 0.000000e+00 : f32
      %broadcast_in_dim3A_183 = vector.broadcast %broadcast_in_dim3A_182 : f32 to vector<16xf32>
      %swap3A_184 = arith.index_cast %scan3A_167 : i32 to index
      %swap3A_185 = arith.constant 48 : index
      %swap3A_186 = tpu.vector_load %arg13[%swap3A_184, %swap3A_185] {strides = array<i32>} : memref<128x128xf32, #tpu.memory_space<vmem>>, vector<16xf32>,
      tpu.vector_store %arg13[%swap3A_184, %swap3A_185], %broadcast_in_dim3A_183 {strides = array<i32>} : memref<128x128xf32, #tpu.memory_space<vmem>>, vector<16xf32>,
      %broadcast_in_dim3A_187 = arith.constant 0.000000e+00 : f32
      %broadcast_in_dim3A_188 = vector.broadcast %broadcast_in_dim3A_187 : f32 to vector<16xf32>
      %swap3A_189 = arith.index_cast %scan3A_167 : i32 to index
      %swap3A_190 = arith.constant 64 : index
      %swap3A_191 = tpu.vector_load %arg13[%swap3A_189, %swap3A_190] {strides = array<i32>} : memref<128x128xf32, #tpu.memory_space<vmem>>, vector<16xf32>,
      tpu.vector_store %arg13[%swap3A_189, %swap3A_190], %broadcast_in_dim3A_188 {strides = array<i32>} : memref<128x128xf32, #tpu.memory_space<vmem>>, vector<16xf32>,
      %broadcast_in_dim3A_192 = arith.constant 0.000000e+00 : f32
      %broadcast_in_dim3A_193 = vector.broadcast %broadcast_in_dim3A_192 : f32 to vector<16xf32>
      %swap3A_194 = arith.index_cast %scan3A_167 : i32 to index
      %swap3A_195 = arith.constant 80 : index
      %swap3A_196 = tpu.vector_load %arg13[%swap3A_194, %swap3A_195] {strides = array<i32>} : memref<128x128xf32, #tpu.memory_space<vmem>>, vector<16xf32>,
      tpu.vector_store %arg13[%swap3A_194, %swap3A_195], %broadcast_in_dim3A_193 {strides = array<i32>} : memref<128x128xf32, #tpu.memory_space<vmem>>, vector<16xf32>,
      %broadcast_in_dim3A_197 = arith.constant 0.000000e+00 : f32
      %broadcast_in_dim3A_198 = vector.broadcast %broadcast_in_dim3A_197 : f32 to vector<16xf32>
      %swap3A_199 = arith.index_cast %scan3A_167 : i32 to index
      %swap3A_200 = arith.constant 96 : index
      %swap3A_201 = tpu.vector_load %arg13[%swap3A_199, %swap3A_200] {strides = array<i32>} : memref<128x128xf32, #tpu.memory_space<vmem>>, vector<16xf32>,
      tpu.vector_store %arg13[%swap3A_199, %swap3A_200], %broadcast_in_dim3A_198 {strides = array<i32>} : memref<128x128xf32, #tpu.memory_space<vmem>>, vector<16xf32>,
      %broadcast_in_dim3A_202 = arith.constant 0.000000e+00 : f32
      %broadcast_in_dim3A_203 = vector.broadcast %broadcast_in_dim3A_202 : f32 to vector<16xf32>
      %swap3A_204 = arith.index_cast %scan3A_167 : i32 to index
      %swap3A_205 = arith.constant 112 : index
      %swap3A_206 = tpu.vector_load %arg13[%swap3A_204, %swap3A_205] {strides = array<i32>} : memref<128x128xf32, #tpu.memory_space<vmem>>, vector<16xf32>,
      tpu.vector_store %arg13[%swap3A_204, %swap3A_205], %broadcast_in_dim3A_203 {strides = array<i32>} : memref<128x128xf32, #tpu.memory_space<vmem>>, vector<16xf32>,
    }
    %scan3A_4 = arith.constant 128 : i32
    %scan3A_5 = arith.constant 0 : i32
    %scan3A_6 = arith.constant 0 : i32
    %scan3A_7 = arith.constant 256 : i32
    %scan3A_8 = arith.addi %scan3A_6, %scan3A_7 : i32
    %scan3A_9 = arith.constant 1 : i32
    scf.for %scan3A_167 = %scan3A_6 to %scan3A_8 step %scan3A_9  : i32 {
      %broadcast_in_dim3A = arith.constant 0.000000e+00 : f32
      %broadcast_in_dim3A_168 = vector.broadcast %broadcast_in_dim3A : f32 to vector<16xf32>
      %swap3A_169 = arith.index_cast %scan3A_167 : i32 to index
      %swap3A_170 = arith.constant 0 : index
      %swap3A_171 = tpu.vector_load %arg16[%swap3A_169, %swap3A_170] {strides = array<i32>} : memref<256x128xf32, #tpu.memory_space<vmem>>, vector<16xf32>,
      tpu.vector_store %arg16[%swap3A_169, %swap3A_170], %broadcast_in_dim3A_168 {strides = array<i32>} : memref<256x128xf32, #tpu.memory_space<vmem>>, vector<16xf32>,
      %broadcast_in_dim3A_172 = arith.constant 0.000000e+00 : f32
      %broadcast_in_dim3A_173 = vector.broadcast %broadcast_in_dim3A_172 : f32 to vector<16xf32>
      %swap3A_174 = arith.index_cast %scan3A_167 : i32 to index
      %swap3A_175 = arith.constant 16 : index
      %swap3A_176 = tpu.vector_load %arg16[%swap3A_174, %swap3A_175] {strides = array<i32>} : memref<256x128xf32, #tpu.memory_space<vmem>>, vector<16xf32>,
      tpu.vector_store %arg16[%swap3A_174, %swap3A_175], %broadcast_in_dim3A_173 {strides = array<i32>} : memref<256x128xf32, #tpu.memory_space<vmem>>, vector<16xf32>,
      %broadcast_in_dim3A_177 = arith.constant 0.000000e+00 : f32
      %broadcast_in_dim3A_178 = vector.broadcast %broadcast_in_dim3A_177 : f32 to vector<16xf32>
      %swap3A_179 = arith.index_cast %scan3A_167 : i32 to index
      %swap3A_180 = arith.constant 32 : index
      %swap3A_181 = tpu.vector_load %arg16[%swap3A_179, %swap3A_180] {strides = array<i32>} : memref<256x128xf32, #tpu.memory_space<vmem>>, vector<16xf32>,
      tpu.vector_store %arg16[%swap3A_179, %swap3A_180], %broadcast_in_dim3A_178 {strides = array<i32>} : memref<256x128xf32, #tpu.memory_space<vmem>>, vector<16xf32>,
      %broadcast_in_dim3A_182 = arith.constant 0.000000e+00 : f32
      %broadcast_in_dim3A_183 = vector.broadcast %broadcast_in_dim3A_182 : f32 to vector<16xf32>
      %swap3A_184 = arith.index_cast %scan3A_167 : i32 to index
      %swap3A_185 = arith.constant 48 : index
      %swap3A_186 = tpu.vector_load %arg16[%swap3A_184, %swap3A_185] {strides = array<i32>} : memref<256x128xf32, #tpu.memory_space<vmem>>, vector<16xf32>,
      tpu.vector_store %arg16[%swap3A_184, %swap3A_185], %broadcast_in_dim3A_183 {strides = array<i32>} : memref<256x128xf32, #tpu.memory_space<vmem>>, vector<16xf32>,
      %broadcast_in_dim3A_187 = arith.constant 0.000000e+00 : f32
      %broadcast_in_dim3A_188 = vector.broadcast %broadcast_in_dim3A_187 : f32 to vector<16xf32>
      %swap3A_189 = arith.index_cast %scan3A_167 : i32 to index
      %swap3A_190 = arith.constant 64 : index
      %swap3A_191 = tpu.vector_load %arg16[%swap3A_189, %swap3A_190] {strides = array<i32>} : memref<256x128xf32, #tpu.memory_space<vmem>>, vector<16xf32>,
      tpu.vector_store %arg16[%swap3A_189, %swap3A_190], %broadcast_in_dim3A_188 {strides = array<i32>} : memref<256x128xf32, #tpu.memory_space<vmem>>, vector<16xf32>,
      %broadcast_in_dim3A_192 = arith.constant 0.000000e+00 : f32
      %broadcast_in_dim3A_193 = vector.broadcast %broadcast_in_dim3A_192 : f32 to vector<16xf32>
      %swap3A_194 = arith.index_cast %scan3A_167 : i32 to index
      %swap3A_195 = arith.constant 80 : index
      %swap3A_196 = tpu.vector_load %arg16[%swap3A_194, %swap3A_195] {strides = array<i32>} : memref<256x128xf32, #tpu.memory_space<vmem>>, vector<16xf32>,
      tpu.vector_store %arg16[%swap3A_194, %swap3A_195], %broadcast_in_dim3A_193 {strides = array<i32>} : memref<256x128xf32, #tpu.memory_space<vmem>>, vector<16xf32>,
      %broadcast_in_dim3A_197 = arith.constant 0.000000e+00 : f32
      %broadcast_in_dim3A_198 = vector.broadcast %broadcast_in_dim3A_197 : f32 to vector<16xf32>
      %swap3A_199 = arith.index_cast %scan3A_167 : i32 to index
      %swap3A_200 = arith.constant 96 : index
      %swap3A_201 = tpu.vector_load %arg16[%swap3A_199, %swap3A_200] {strides = array<i32>} : memref<256x128xf32, #tpu.memory_space<vmem>>, vector<16xf32>,
      tpu.vector_store %arg16[%swap3A_199, %swap3A_200], %broadcast_in_dim3A_198 {strides = array<i32>} : memref<256x128xf32, #tpu.memory_space<vmem>>, vector<16xf32>,
      %broadcast_in_dim3A_202 = arith.constant 0.000000e+00 : f32
      %broadcast_in_dim3A_203 = vector.broadcast %broadcast_in_dim3A_202 : f32 to vector<16xf32>
      %swap3A_204 = arith.index_cast %scan3A_167 : i32 to index
      %swap3A_205 = arith.constant 112 : index
      %swap3A_206 = tpu.vector_load %arg16[%swap3A_204, %swap3A_205] {strides = array<i32>} : memref<256x128xf32, #tpu.memory_space<vmem>>, vector<16xf32>,
      tpu.vector_store %arg16[%swap3A_204, %swap3A_205], %broadcast_in_dim3A_203 {strides = array<i32>} : memref<256x128xf32, #tpu.memory_space<vmem>>, vector<16xf32>,
    }
    %scan3A_10 = arith.constant 256 : i32
    %mul3A = arith.constant 384 : i32
    %mul3A_11 = arith.muli %arg1, %mul3A : i32
    %add3A = arith.constant 0 : i32
    %add3A_12 = arith.addi %mul3A_11, %add3A : i32
    "tpu.region"() ({
      %run_scoped3A = tpu.sem_alloc : memref<!tpu.dma_semaphore, #tpu.memory_space<semaphore_mem>>
      %dma_start3A = arith.constant 0 : i32
      %dma_start3A_167 = tpu.memref_slice %arg17[%add3A_12, %dma_start3A] : memref<6144x128xf32, #tpu.memory_space<vmem_shared>> -> memref<128x128xf32, #tpu.memory_space<vmem_shared>>
      %dma_start3A_168 = arith.constant 0 : i32
      %dma_start3A_169 = tpu.memref_slice %arg17[%add3A_12, %dma_start3A_168] : memref<6144x128xf32, #tpu.memory_space<vmem_shared>> -> memref<128x128xf32, #tpu.memory_space<vmem_shared>>
      tpu.enqueue_dma source(%arg13 : memref<128x128xf32, #tpu.memory_space<vmem>>) target(%dma_start3A_169 : memref<128x128xf32, #tpu.memory_space<vmem_shared>>) target_semaphore(%run_scoped3A : memref<!tpu.dma_semaphore, #tpu.memory_space<semaphore_mem>>)
      %dma_wait3A = arith.constant 0 : i32
      %dma_wait3A_170 = tpu.memref_slice %arg17[%add3A_12, %dma_wait3A] : memref<6144x128xf32, #tpu.memory_space<vmem_shared>> -> memref<128x128xf32, #tpu.memory_space<vmem_shared>>
      %dma_wait3A_171 = arith.constant 0 : i32
      %dma_wait3A_172 = tpu.memref_slice %arg17[%add3A_12, %dma_wait3A_171] : memref<6144x128xf32, #tpu.memory_space<vmem_shared>> -> memref<128x128xf32, #tpu.memory_space<vmem_shared>>
      tpu.wait_dma2 semaphore(%run_scoped3A : memref<!tpu.dma_semaphore, #tpu.memory_space<semaphore_mem>>) src(%arg13 : memref<128x128xf32, #tpu.memory_space<vmem>>) dst(%dma_wait3A_172 : memref<128x128xf32, #tpu.memory_space<vmem_shared>>)
      tpu.yield
    }) : () -> ()
    %mul3A_13 = arith.constant 384 : i32
    %mul3A_14 = arith.muli %arg1, %mul3A_13 : i32
    %add3A_15 = arith.constant 128 : i32
    %add3A_16 = arith.addi %mul3A_14, %add3A_15 : i32
    "tpu.region"() ({
      %run_scoped3A = tpu.sem_alloc : memref<!tpu.dma_semaphore, #tpu.memory_space<semaphore_mem>>
      %dma_start3A = arith.constant 0 : i32
      %dma_start3A_167 = tpu.memref_slice %arg17[%add3A_16, %dma_start3A] : memref<6144x128xf32, #tpu.memory_space<vmem_shared>> -> memref<128x128xf32, #tpu.memory_space<vmem_shared>>
      %dma_start3A_168 = arith.constant 0 : i32
      %dma_start3A_169 = tpu.memref_slice %arg17[%add3A_16, %dma_start3A_168] : memref<6144x128xf32, #tpu.memory_space<vmem_shared>> -> memref<128x128xf32, #tpu.memory_space<vmem_shared>>
      tpu.enqueue_dma source(%arg13 : memref<128x128xf32, #tpu.memory_space<vmem>>) target(%dma_start3A_169 : memref<128x128xf32, #tpu.memory_space<vmem_shared>>) target_semaphore(%run_scoped3A : memref<!tpu.dma_semaphore, #tpu.memory_space<semaphore_mem>>)
      %dma_wait3A = arith.constant 0 : i32
      %dma_wait3A_170 = tpu.memref_slice %arg17[%add3A_16, %dma_wait3A] : memref<6144x128xf32, #tpu.memory_space<vmem_shared>> -> memref<128x128xf32, #tpu.memory_space<vmem_shared>>
      %dma_wait3A_171 = arith.constant 0 : i32
      %dma_wait3A_172 = tpu.memref_slice %arg17[%add3A_16, %dma_wait3A_171] : memref<6144x128xf32, #tpu.memory_space<vmem_shared>> -> memref<128x128xf32, #tpu.memory_space<vmem_shared>>
      tpu.wait_dma2 semaphore(%run_scoped3A : memref<!tpu.dma_semaphore, #tpu.memory_space<semaphore_mem>>) src(%arg13 : memref<128x128xf32, #tpu.memory_space<vmem>>) dst(%dma_wait3A_172 : memref<128x128xf32, #tpu.memory_space<vmem_shared>>)
      tpu.yield
    }) : () -> ()
    %mul3A_17 = arith.constant 384 : i32
    %mul3A_18 = arith.muli %arg1, %mul3A_17 : i32
    %add3A_19 = arith.constant 256 : i32
    %add3A_20 = arith.addi %mul3A_18, %add3A_19 : i32
    "tpu.region"() ({
      %run_scoped3A = tpu.sem_alloc : memref<!tpu.dma_semaphore, #tpu.memory_space<semaphore_mem>>
      %dma_start3A = arith.constant 0 : i32
      %dma_start3A_167 = tpu.memref_slice %arg17[%add3A_20, %dma_start3A] : memref<6144x128xf32, #tpu.memory_space<vmem_shared>> -> memref<128x128xf32, #tpu.memory_space<vmem_shared>>
      %dma_start3A_168 = arith.constant 0 : i32
      %dma_start3A_169 = tpu.memref_slice %arg17[%add3A_20, %dma_start3A_168] : memref<6144x128xf32, #tpu.memory_space<vmem_shared>> -> memref<128x128xf32, #tpu.memory_space<vmem_shared>>
      tpu.enqueue_dma source(%arg13 : memref<128x128xf32, #tpu.memory_space<vmem>>) target(%dma_start3A_169 : memref<128x128xf32, #tpu.memory_space<vmem_shared>>) target_semaphore(%run_scoped3A : memref<!tpu.dma_semaphore, #tpu.memory_space<semaphore_mem>>)
      %dma_wait3A = arith.constant 0 : i32
      %dma_wait3A_170 = tpu.memref_slice %arg17[%add3A_20, %dma_wait3A] : memref<6144x128xf32, #tpu.memory_space<vmem_shared>> -> memref<128x128xf32, #tpu.memory_space<vmem_shared>>
      %dma_wait3A_171 = arith.constant 0 : i32
      %dma_wait3A_172 = tpu.memref_slice %arg17[%add3A_20, %dma_wait3A_171] : memref<6144x128xf32, #tpu.memory_space<vmem_shared>> -> memref<128x128xf32, #tpu.memory_space<vmem_shared>>
      tpu.wait_dma2 semaphore(%run_scoped3A : memref<!tpu.dma_semaphore, #tpu.memory_space<semaphore_mem>>) src(%arg13 : memref<128x128xf32, #tpu.memory_space<vmem>>) dst(%dma_wait3A_172 : memref<128x128xf32, #tpu.memory_space<vmem_shared>>)
      tpu.yield
    }) : () -> ()
    %eq3A = arith.constant 0 : i32
    %eq3A_21 = arith.cmpi eq, %arg1, %eq3A : i32
    %convert_element_type3A = arith.extui %eq3A_21 : i1 to i32
    %cond3A = arith.constant 0 : i32
    %cond3A_22 = arith.cmpi ne, %convert_element_type3A, %cond3A : i32
    scf.if %cond3A_22 {
      "tpu.region"() ({
        %run_scoped3A = tpu.sem_alloc : memref<!tpu.dma_semaphore, #tpu.memory_space<semaphore_mem>>
        %dma_start3A = arith.constant 0 : i32
        %dma_start3A_167 = arith.constant 0 : i32
        %dma_start3A_168 = tpu.memref_slice %arg18[%dma_start3A, %dma_start3A_167] : memref<256x128xf32, #tpu.memory_space<vmem_shared>> -> memref<128x128xf32, #tpu.memory_space<vmem_shared>>
        %dma_start3A_169 = arith.constant 0 : i32
        %dma_start3A_170 = arith.constant 0 : i32
        %dma_start3A_171 = tpu.memref_slice %arg18[%dma_start3A_169, %dma_start3A_170] : memref<256x128xf32, #tpu.memory_space<vmem_shared>> -> memref<128x128xf32, #tpu.memory_space<vmem_shared>>
        tpu.enqueue_dma source(%arg13 : memref<128x128xf32, #tpu.memory_space<vmem>>) target(%dma_start3A_171 : memref<128x128xf32, #tpu.memory_space<vmem_shared>>) target_semaphore(%run_scoped3A : memref<!tpu.dma_semaphore, #tpu.memory_space<semaphore_mem>>)
        %dma_wait3A = arith.constant 0 : i32
        %dma_wait3A_172 = arith.constant 0 : i32
        %dma_wait3A_173 = tpu.memref_slice %arg18[%dma_wait3A, %dma_wait3A_172] : memref<256x128xf32, #tpu.memory_space<vmem_shared>> -> memref<128x128xf32, #tpu.memory_space<vmem_shared>>
        %dma_wait3A_174 = arith.constant 0 : i32
        %dma_wait3A_175 = arith.constant 0 : i32
        %dma_wait3A_176 = tpu.memref_slice %arg18[%dma_wait3A_174, %dma_wait3A_175] : memref<256x128xf32, #tpu.memory_space<vmem_shared>> -> memref<128x128xf32, #tpu.memory_space<vmem_shared>>
        tpu.wait_dma2 semaphore(%run_scoped3A : memref<!tpu.dma_semaphore, #tpu.memory_space<semaphore_mem>>) src(%arg13 : memref<128x128xf32, #tpu.memory_space<vmem>>) dst(%dma_wait3A_176 : memref<128x128xf32, #tpu.memory_space<vmem_shared>>)
        tpu.yield
      }) : () -> ()
      "tpu.region"() ({
        %run_scoped3A = tpu.sem_alloc : memref<!tpu.dma_semaphore, #tpu.memory_space<semaphore_mem>>
        %dma_start3A = arith.constant 128 : i32
        %dma_start3A_167 = arith.constant 0 : i32
        %dma_start3A_168 = tpu.memref_slice %arg18[%dma_start3A, %dma_start3A_167] : memref<256x128xf32, #tpu.memory_space<vmem_shared>> -> memref<128x128xf32, #tpu.memory_space<vmem_shared>>
        %dma_start3A_169 = arith.constant 128 : i32
        %dma_start3A_170 = arith.constant 0 : i32
        %dma_start3A_171 = tpu.memref_slice %arg18[%dma_start3A_169, %dma_start3A_170] : memref<256x128xf32, #tpu.memory_space<vmem_shared>> -> memref<128x128xf32, #tpu.memory_space<vmem_shared>>
        tpu.enqueue_dma source(%arg13 : memref<128x128xf32, #tpu.memory_space<vmem>>) target(%dma_start3A_171 : memref<128x128xf32, #tpu.memory_space<vmem_shared>>) target_semaphore(%run_scoped3A : memref<!tpu.dma_semaphore, #tpu.memory_space<semaphore_mem>>)
        %dma_wait3A = arith.constant 128 : i32
        %dma_wait3A_172 = arith.constant 0 : i32
        %dma_wait3A_173 = tpu.memref_slice %arg18[%dma_wait3A, %dma_wait3A_172] : memref<256x128xf32, #tpu.memory_space<vmem_shared>> -> memref<128x128xf32, #tpu.memory_space<vmem_shared>>
        %dma_wait3A_174 = arith.constant 128 : i32
        %dma_wait3A_175 = arith.constant 0 : i32
        %dma_wait3A_176 = tpu.memref_slice %arg18[%dma_wait3A_174, %dma_wait3A_175] : memref<256x128xf32, #tpu.memory_space<vmem_shared>> -> memref<128x128xf32, #tpu.memory_space<vmem_shared>>
        tpu.wait_dma2 semaphore(%run_scoped3A : memref<!tpu.dma_semaphore, #tpu.memory_space<semaphore_mem>>) src(%arg13 : memref<128x128xf32, #tpu.memory_space<vmem>>) dst(%dma_wait3A_176 : memref<128x128xf32, #tpu.memory_space<vmem_shared>>)
        tpu.yield
      }) : () -> ()
    } else {
    }
    %barrier3A = arith.constant 0 : index
    tpu.barrier barrier_id(%barrier3A)
    %mul3A_23 = arith.constant 64 : i32
    %mul3A_24 = arith.muli %mul3A_23, %arg0 : i32
    %add3A_25 = arith.constant 0 : i32
    %add3A_26 = arith.addi %mul3A_24, %add3A_25 : i32
    %get3A = arith.index_cast %add3A_26 : i32 to index
    %get3A_27 = tpu.vector_load %arg15[%get3A] {strides = array<i32>} : memref<128xf32, #tpu.memory_space<vmem>>, vector<16xf32>,
    %mul3A_28 = arith.constant 64 : i32
    %mul3A_29 = arith.muli %mul3A_28, %arg0 : i32
    %add3A_30 = arith.constant 16 : i32
    %add3A_31 = arith.addi %mul3A_29, %add3A_30 : i32
    %get3A_32 = arith.index_cast %add3A_31 : i32 to index
    %get3A_33 = tpu.vector_load %arg15[%get3A_32] {strides = array<i32>} : memref<128xf32, #tpu.memory_space<vmem>>, vector<16xf32>,
    %mul3A_34 = arith.constant 64 : i32
    %mul3A_35 = arith.muli %mul3A_34, %arg0 : i32
    %add3A_36 = arith.constant 32 : i32
    %add3A_37 = arith.addi %mul3A_35, %add3A_36 : i32
    %get3A_38 = arith.index_cast %add3A_37 : i32 to index
    %get3A_39 = tpu.vector_load %arg15[%get3A_38] {strides = array<i32>} : memref<128xf32, #tpu.memory_space<vmem>>, vector<16xf32>,
    %mul3A_40 = arith.constant 64 : i32
    %mul3A_41 = arith.muli %mul3A_40, %arg0 : i32
    %add3A_42 = arith.constant 48 : i32
    %add3A_43 = arith.addi %mul3A_41, %add3A_42 : i32
    %get3A_44 = arith.index_cast %add3A_43 : i32 to index
    %get3A_45 = tpu.vector_load %arg15[%get3A_44] {strides = array<i32>} : memref<128xf32, #tpu.memory_space<vmem>>, vector<16xf32>,
    %scan3A_46 = arith.constant 0 : i32
    %scan3A_47 = arith.constant 0 : i32
    %scan3A_48 = arith.constant 88 : i32
    %scan3A_49 = arith.addi %scan3A_47, %scan3A_48 : i32
    %scan3A_50 = arith.constant 1 : i32
    scf.for %scan3A_167 = %scan3A_47 to %scan3A_49 step %scan3A_50  : i32 {
      %mul3A_168 = arith.constant 11264 : i32
      %mul3A_169 = arith.muli %arg1, %mul3A_168 : i32
      %mul3A_170 = arith.constant 128 : i32
      %mul3A_171 = arith.muli %scan3A_167, %mul3A_170 : i32
      %add3A_172 = arith.addi %mul3A_169, %mul3A_171 : i32
      "tpu.region"() ({
        %run_scoped3A = tpu.sem_alloc : memref<!tpu.dma_semaphore, #tpu.memory_space<semaphore_mem>>
        %dma_start3A_195 = tpu.memref_slice %arg4[%add3A_172] : memref<180224xi32, #tpu.memory_space<hbm>> -> memref<128xi32, #tpu.memory_space<hbm>>
        %dma_start3A_196 = tpu.memref_slice %arg4[%add3A_172] : memref<180224xi32, #tpu.memory_space<hbm>> -> memref<128xi32, #tpu.memory_space<hbm>>
        tpu.enqueue_dma source(%dma_start3A_196 : memref<128xi32, #tpu.memory_space<hbm>>) target(%arg9 : memref<128xi32, #tpu.memory_space<vmem>>) target_semaphore(%run_scoped3A : memref<!tpu.dma_semaphore, #tpu.memory_space<semaphore_mem>>)
        %dma_wait3A_197 = tpu.memref_slice %arg4[%add3A_172] : memref<180224xi32, #tpu.memory_space<hbm>> -> memref<128xi32, #tpu.memory_space<hbm>>
        %dma_wait3A_198 = tpu.memref_slice %arg4[%add3A_172] : memref<180224xi32, #tpu.memory_space<hbm>> -> memref<128xi32, #tpu.memory_space<hbm>>
        tpu.wait_dma2 semaphore(%run_scoped3A : memref<!tpu.dma_semaphore, #tpu.memory_space<semaphore_mem>>) src(%dma_wait3A_198 : memref<128xi32, #tpu.memory_space<hbm>>) dst(%arg9 : memref<128xi32, #tpu.memory_space<vmem>>)
        tpu.yield
      }) : () -> ()
      "tpu.region"() ({
        %run_scoped3A = tpu.sem_alloc : memref<!tpu.dma_semaphore, #tpu.memory_space<semaphore_mem>>
        %dma_start3A_195 = tpu.memref_slice %arg5[%add3A_172] : memref<180224xi32, #tpu.memory_space<hbm>> -> memref<128xi32, #tpu.memory_space<hbm>>
        %dma_start3A_196 = tpu.memref_slice %arg5[%add3A_172] : memref<180224xi32, #tpu.memory_space<hbm>> -> memref<128xi32, #tpu.memory_space<hbm>>
        tpu.enqueue_dma source(%dma_start3A_196 : memref<128xi32, #tpu.memory_space<hbm>>) target(%arg10 : memref<128xi32, #tpu.memory_space<vmem>>) target_semaphore(%run_scoped3A : memref<!tpu.dma_semaphore, #tpu.memory_space<semaphore_mem>>)
        %dma_wait3A_197 = tpu.memref_slice %arg5[%add3A_172] : memref<180224xi32, #tpu.memory_space<hbm>> -> memref<128xi32, #tpu.memory_space<hbm>>
        %dma_wait3A_198 = tpu.memref_slice %arg5[%add3A_172] : memref<180224xi32, #tpu.memory_space<hbm>> -> memref<128xi32, #tpu.memory_space<hbm>>
        tpu.wait_dma2 semaphore(%run_scoped3A : memref<!tpu.dma_semaphore, #tpu.memory_space<semaphore_mem>>) src(%dma_wait3A_198 : memref<128xi32, #tpu.memory_space<hbm>>) dst(%arg10 : memref<128xi32, #tpu.memory_space<vmem>>)
        tpu.yield
      }) : () -> ()
      %scan3A_173 = arith.constant 0 : i32
      %scan3A_174 = arith.constant 0 : i32
      %scan3A_175 = arith.constant 8 : i32
      %scan3A_176 = arith.addi %scan3A_174, %scan3A_175 : i32
      %scan3A_177 = arith.constant 1 : i32
      scf.for %scan3A_195 = %scan3A_174 to %scan3A_176 step %scan3A_177  : i32 {
        %mul3A_196 = arith.constant 16 : i32
        %mul3A_197 = arith.muli %scan3A_195, %mul3A_196 : i32
        %get3A_198 = arith.index_cast %mul3A_197 : i32 to index
        %get3A_199 = tpu.vector_load %arg10[%get3A_198] {strides = array<i32>} : memref<128xi32, #tpu.memory_space<vmem>>, vector<16xi32>,
        %min3A = arith.constant 9999 : i32
        %min3A_200 = vector.broadcast %min3A : i32 to vector<16xi32>
        %min3A_201 = arith.minsi %get3A_199, %min3A_200 : vector<16xi32>
        %mul3A_202 = arith.constant 16 : i32
        %mul3A_203 = arith.muli %scan3A_195, %mul3A_202 : i32
        %swap3A_204 = arith.index_cast %mul3A_203 : i32 to index
        %swap3A_205 = tpu.vector_load %arg11[%swap3A_204] {strides = array<i32>} : memref<128xi32, #tpu.memory_space<vmem>>, vector<16xi32>,
        tpu.vector_store %arg11[%swap3A_204], %min3A_201 {strides = array<i32>} : memref<128xi32, #tpu.memory_space<vmem>>, vector<16xi32>,
        %jit3A = arith.constant 2 : i32
        %div3A = vector.broadcast %jit3A : i32 to vector<16xi32>
        %div3A_206 = arith.divsi %get3A_199, %div3A : vector<16xi32>
        %sign3A = arith.constant 0 : i32
        %sign3A_207 = vector.broadcast %sign3A : i32 to vector<16xi32>
        %sign3A_208 = arith.cmpi sgt, %get3A_199, %sign3A_207 : vector<16xi32>
        %sign3A_209 = arith.extui %sign3A_208 : vector<16xi1> to vector<16xi32>
        %sign3A_210 = arith.constant 0 : i32
        %sign3A_211 = vector.broadcast %sign3A_210 : i32 to vector<16xi32>
        %sign3A_212 = arith.cmpi slt, %get3A_199, %sign3A_211 : vector<16xi32>
        %sign3A_213 = arith.extui %sign3A_212 : vector<16xi1> to vector<16xi32>
        %sign3A_214 = arith.subi %sign3A_209, %sign3A_213 : vector<16xi32>
        %sign3A_215 = arith.constant 0 : i32
        %sign3A_216 = arith.cmpi sgt, %jit3A, %sign3A_215 : i32
        %sign3A_217 = arith.extui %sign3A_216 : i1 to i32
        %sign3A_218 = arith.constant 0 : i32
        %sign3A_219 = arith.cmpi slt, %jit3A, %sign3A_218 : i32
        %sign3A_220 = arith.extui %sign3A_219 : i1 to i32
        %sign3A_221 = arith.subi %sign3A_217, %sign3A_220 : i32
        %ne3A = vector.broadcast %sign3A_221 : i32 to vector<16xi32>
        %ne3A_222 = arith.cmpi ne, %sign3A_214, %ne3A : vector<16xi32>
        %rem3A = vector.broadcast %jit3A : i32 to vector<16xi32>
        %rem3A_223 = arith.remsi %get3A_199, %rem3A : vector<16xi32>
        %ne3A_224 = arith.constant 0 : i32
        %ne3A_225 = vector.broadcast %ne3A_224 : i32 to vector<16xi32>
        %ne3A_226 = arith.cmpi ne, %rem3A_223, %ne3A_225 : vector<16xi32>
        %and3A = arith.andi %ne3A_222, %ne3A_226 : vector<16xi1>
        %sub3A = arith.constant 1 : i32
        %sub3A_227 = vector.broadcast %sub3A : i32 to vector<16xi32>
        %sub3A_228 = arith.subi %div3A_206, %sub3A_227 : vector<16xi32>
        %select_n3A = arith.select %and3A, %sub3A_228, %div3A_206 : vector<16xi1>, vector<16xi32>
        %mul3A_229 = arith.constant 16 : i32
        %mul3A_230 = arith.muli %scan3A_195, %mul3A_229 : i32
        %swap3A_231 = arith.index_cast %mul3A_230 : i32 to index
        %swap3A_232 = tpu.vector_load %arg12[%swap3A_231] {strides = array<i32>} : memref<128xi32, #tpu.memory_space<vmem>>, vector<16xi32>,
        tpu.vector_store %arg12[%swap3A_231], %select_n3A {strides = array<i32>} : memref<128xi32, #tpu.memory_space<vmem>>, vector<16xi32>,
      }
      %scan3A_178 = arith.constant 8 : i32
      %dma_start3A = arith.constant 0 : i32
      %dma_start3A_179 = arith.constant 0 : i32
      %dma_start3A_180 = tpu.memref_slice %arg2[%dma_start3A, %dma_start3A_179] : memref<10000x128xf32, #tpu.memory_space<hbm>> -> memref<10000x128xf32, #tpu.memory_space<hbm>>
      tpu.enqueue_indirect_dma source(%dma_start3A_180 : memref<10000x128xf32, #tpu.memory_space<hbm>>) target(%arg13 : memref<128x128xf32, #tpu.memory_space<vmem>>) offsets(%arg9 : memref<128xi32, #tpu.memory_space<vmem>>) semaphore(%arg19 : memref<!tpu.dma_semaphore, #tpu.memory_space<semaphore_mem>>)
      %dma_start3A_181 = arith.constant 0 : i32
      %dma_start3A_182 = arith.constant 0 : i32
      %dma_start3A_183 = tpu.memref_slice %arg3[%dma_start3A_181, %dma_start3A_182] : memref<10000x128xf32, #tpu.memory_space<hbm>> -> memref<10000x128xf32, #tpu.memory_space<hbm>>
      tpu.enqueue_indirect_dma source(%dma_start3A_183 : memref<10000x128xf32, #tpu.memory_space<hbm>>) target(%arg14 : memref<128x128xf32, #tpu.memory_space<vmem>>) offsets(%arg11 : memref<128xi32, #tpu.memory_space<vmem>>) semaphore(%arg20 : memref<!tpu.dma_semaphore, #tpu.memory_space<semaphore_mem>>)
      %dma_wait3A = arith.constant 0 : i32
      %dma_wait3A_184 = arith.constant 0 : i32
      %dma_wait3A_185 = tpu.memref_slice %arg2[%dma_wait3A, %dma_wait3A_184] : memref<10000x128xf32, #tpu.memory_space<hbm>> -> memref<10000x128xf32, #tpu.memory_space<hbm>>
      tpu.wait_indirect_dma semaphore(%arg19 : memref<!tpu.dma_semaphore, #tpu.memory_space<semaphore_mem>>) src(%dma_wait3A_185 : memref<10000x128xf32, #tpu.memory_space<hbm>>) dst(%arg13 : memref<128x128xf32, #tpu.memory_space<vmem>>)
      %dma_wait3A_186 = arith.constant 0 : i32
      %dma_wait3A_187 = arith.constant 0 : i32
      %dma_wait3A_188 = tpu.memref_slice %arg3[%dma_wait3A_186, %dma_wait3A_187] : memref<10000x128xf32, #tpu.memory_space<hbm>> -> memref<10000x128xf32, #tpu.memory_space<hbm>>
      tpu.wait_indirect_dma semaphore(%arg20 : memref<!tpu.dma_semaphore, #tpu.memory_space<semaphore_mem>>) src(%dma_wait3A_188 : memref<10000x128xf32, #tpu.memory_space<hbm>>) dst(%arg14 : memref<128x128xf32, #tpu.memory_space<vmem>>)
      %scan3A_189 = arith.constant 0 : i32
      %scan3A_190 = arith.constant 0 : i32
      %scan3A_191 = arith.constant 128 : i32
      %scan3A_192 = arith.addi %scan3A_190, %scan3A_191 : i32
      %scan3A_193 = arith.constant 1 : i32
      scf.for %scan3A_195 = %scan3A_190 to %scan3A_192 step %scan3A_193  : i32 {
        %mul3A_196 = arith.constant 64 : i32
        %mul3A_197 = arith.muli %mul3A_196, %arg0 : i32
        %add3A_198 = arith.constant 0 : i32
        %add3A_199 = arith.addi %mul3A_197, %add3A_198 : i32
        %get3A_200 = arith.index_cast %scan3A_195 : i32 to index
        %get3A_201 = arith.index_cast %add3A_199 : i32 to index
        %get3A_202 = tpu.vector_load %arg13[%get3A_200, %get3A_201] {strides = array<i32>} : memref<128x128xf32, #tpu.memory_space<vmem>>, vector<16xf32>,
        %mul3A_203 = arith.constant 64 : i32
        %mul3A_204 = arith.muli %mul3A_203, %arg0 : i32
        %add3A_205 = arith.constant 0 : i32
        %add3A_206 = arith.addi %mul3A_204, %add3A_205 : i32
        %get3A_207 = arith.index_cast %scan3A_195 : i32 to index
        %get3A_208 = arith.index_cast %add3A_206 : i32 to index
        %get3A_209 = tpu.vector_load %arg14[%get3A_207, %get3A_208] {strides = array<i32>} : memref<128x128xf32, #tpu.memory_space<vmem>>, vector<16xf32>,
        %add3A_210 = arith.addf %get3A_202, %get3A_209 : vector<16xf32>
        %mul3A_211 = arith.constant 2.000000e-01 : f32
        %mul3A_212 = vector.broadcast %mul3A_211 : f32 to vector<16xf32>
        %mul3A_213 = arith.mulf %mul3A_212, %add3A_210 : vector<16xf32>
        %max3A = arith.maximumf %add3A_210, %mul3A_213 : vector<16xf32>
        %mul3A_214 = arith.mulf %max3A, %get3A_27 : vector<16xf32>
        %mul3A_215 = arith.constant 64 : i32
        %mul3A_216 = arith.muli %mul3A_215, %arg0 : i32
        %add3A_217 = arith.constant 16 : i32
        %add3A_218 = arith.addi %mul3A_216, %add3A_217 : i32
        %get3A_219 = arith.index_cast %scan3A_195 : i32 to index
        %get3A_220 = arith.index_cast %add3A_218 : i32 to index
        %get3A_221 = tpu.vector_load %arg13[%get3A_219, %get3A_220] {strides = array<i32>} : memref<128x128xf32, #tpu.memory_space<vmem>>, vector<16xf32>,
        %mul3A_222 = arith.constant 64 : i32
        %mul3A_223 = arith.muli %mul3A_222, %arg0 : i32
        %add3A_224 = arith.constant 16 : i32
        %add3A_225 = arith.addi %mul3A_223, %add3A_224 : i32
        %get3A_226 = arith.index_cast %scan3A_195 : i32 to index
        %get3A_227 = arith.index_cast %add3A_225 : i32 to index
        %get3A_228 = tpu.vector_load %arg14[%get3A_226, %get3A_227] {strides = array<i32>} : memref<128x128xf32, #tpu.memory_space<vmem>>, vector<16xf32>,
        %add3A_229 = arith.addf %get3A_221, %get3A_228 : vector<16xf32>
        %mul3A_230 = arith.constant 2.000000e-01 : f32
        %mul3A_231 = vector.broadcast %mul3A_230 : f32 to vector<16xf32>
        %mul3A_232 = arith.mulf %mul3A_231, %add3A_229 : vector<16xf32>
        %max3A_233 = arith.maximumf %add3A_229, %mul3A_232 : vector<16xf32>
        %mul3A_234 = arith.mulf %max3A_233, %get3A_33 : vector<16xf32>
        %mul3A_235 = arith.constant 64 : i32
        %mul3A_236 = arith.muli %mul3A_235, %arg0 : i32
        %add3A_237 = arith.constant 32 : i32
        %add3A_238 = arith.addi %mul3A_236, %add3A_237 : i32
        %get3A_239 = arith.index_cast %scan3A_195 : i32 to index
        %get3A_240 = arith.index_cast %add3A_238 : i32 to index
        %get3A_241 = tpu.vector_load %arg13[%get3A_239, %get3A_240] {strides = array<i32>} : memref<128x128xf32, #tpu.memory_space<vmem>>, vector<16xf32>,
        %mul3A_242 = arith.constant 64 : i32
        %mul3A_243 = arith.muli %mul3A_242, %arg0 : i32
        %add3A_244 = arith.constant 32 : i32
        %add3A_245 = arith.addi %mul3A_243, %add3A_244 : i32
        %get3A_246 = arith.index_cast %scan3A_195 : i32 to index
        %get3A_247 = arith.index_cast %add3A_245 : i32 to index
        %get3A_248 = tpu.vector_load %arg14[%get3A_246, %get3A_247] {strides = array<i32>} : memref<128x128xf32, #tpu.memory_space<vmem>>, vector<16xf32>,
        %add3A_249 = arith.addf %get3A_241, %get3A_248 : vector<16xf32>
        %mul3A_250 = arith.constant 2.000000e-01 : f32
        %mul3A_251 = vector.broadcast %mul3A_250 : f32 to vector<16xf32>
        %mul3A_252 = arith.mulf %mul3A_251, %add3A_249 : vector<16xf32>
        %max3A_253 = arith.maximumf %add3A_249, %mul3A_252 : vector<16xf32>
        %mul3A_254 = arith.mulf %max3A_253, %get3A_39 : vector<16xf32>
        %mul3A_255 = arith.constant 64 : i32
        %mul3A_256 = arith.muli %mul3A_255, %arg0 : i32
        %add3A_257 = arith.constant 48 : i32
        %add3A_258 = arith.addi %mul3A_256, %add3A_257 : i32
        %get3A_259 = arith.index_cast %scan3A_195 : i32 to index
        %get3A_260 = arith.index_cast %add3A_258 : i32 to index
        %get3A_261 = tpu.vector_load %arg13[%get3A_259, %get3A_260] {strides = array<i32>} : memref<128x128xf32, #tpu.memory_space<vmem>>, vector<16xf32>,
        %mul3A_262 = arith.constant 64 : i32
        %mul3A_263 = arith.muli %mul3A_262, %arg0 : i32
        %add3A_264 = arith.constant 48 : i32
        %add3A_265 = arith.addi %mul3A_263, %add3A_264 : i32
        %get3A_266 = arith.index_cast %scan3A_195 : i32 to index
        %get3A_267 = arith.index_cast %add3A_265 : i32 to index
        %get3A_268 = tpu.vector_load %arg14[%get3A_266, %get3A_267] {strides = array<i32>} : memref<128x128xf32, #tpu.memory_space<vmem>>, vector<16xf32>,
        %add3A_269 = arith.addf %get3A_261, %get3A_268 : vector<16xf32>
        %mul3A_270 = arith.constant 2.000000e-01 : f32
        %mul3A_271 = vector.broadcast %mul3A_270 : f32 to vector<16xf32>
        %mul3A_272 = arith.mulf %mul3A_271, %add3A_269 : vector<16xf32>
        %max3A_273 = arith.maximumf %add3A_269, %mul3A_272 : vector<16xf32>
        %mul3A_274 = arith.mulf %max3A_273, %get3A_45 : vector<16xf32>
        %broadcast_in_dim3A = arith.constant 0.000000e+00 : f32
        %broadcast_in_dim3A_275 = vector.broadcast %broadcast_in_dim3A : f32 to vector<16xf32>
        %add3A_276 = arith.addf %mul3A_214, %mul3A_234 : vector<16xf32>
        %iota3A_277 = tpu.iota {dimensions = array<i32: 0>} : vector<16xi32>
        %xor3A = arith.constant 8 : i32
        %xor3A_278 = vector.broadcast %xor3A : i32 to vector<16xi32>
        %xor3A_279 = arith.xori %iota3A_277, %xor3A_278 : vector<16xi32>
        %lt3A = arith.constant 0 : i32
        %lt3A_280 = vector.broadcast %lt3A : i32 to vector<16xi32>
        %lt3A_281 = arith.cmpi slt, %xor3A_279, %lt3A_280 : vector<16xi32>
        %add3A_282 = arith.constant 16 : i32
        %add3A_283 = vector.broadcast %add3A_282 : i32 to vector<16xi32>
        %add3A_284 = arith.addi %xor3A_279, %add3A_283 : vector<16xi32>
        %select_n3A = arith.select %lt3A_281, %add3A_284, %xor3A_279 : vector<16xi1>, vector<16xi32>
        %broadcast_in_dim3A_285 = vector.shape_cast %select_n3A : vector<16xi32> to vector<16x1xi32>
        %gather3A = vector.shape_cast %broadcast_in_dim3A_285 : vector<16x1xi32> to vector<16xi32>
        %gather3A_286 = tpu.dynamic_gather %add3A_276[%gather3A] in [0] : vector<16xf32>, vector<16xi32> -> vector<16xf32>
        %add3A_287 = arith.addf %add3A_276, %gather3A_286 : vector<16xf32>
        %xor3A_288 = arith.constant 4 : i32
        %xor3A_289 = vector.broadcast %xor3A_288 : i32 to vector<16xi32>
        %xor3A_290 = arith.xori %iota3A_277, %xor3A_289 : vector<16xi32>
        %lt3A_291 = arith.constant 0 : i32
        %lt3A_292 = vector.broadcast %lt3A_291 : i32 to vector<16xi32>
        %lt3A_293 = arith.cmpi slt, %xor3A_290, %lt3A_292 : vector<16xi32>
        %add3A_294 = arith.constant 16 : i32
        %add3A_295 = vector.broadcast %add3A_294 : i32 to vector<16xi32>
        %add3A_296 = arith.addi %xor3A_290, %add3A_295 : vector<16xi32>
        %select_n3A_297 = arith.select %lt3A_293, %add3A_296, %xor3A_290 : vector<16xi1>, vector<16xi32>
        %broadcast_in_dim3A_298 = vector.shape_cast %select_n3A_297 : vector<16xi32> to vector<16x1xi32>
        %gather3A_299 = vector.shape_cast %broadcast_in_dim3A_298 : vector<16x1xi32> to vector<16xi32>
        %gather3A_300 = tpu.dynamic_gather %add3A_287[%gather3A_299] in [0] : vector<16xf32>, vector<16xi32> -> vector<16xf32>
        %add3A_301 = arith.addf %add3A_287, %gather3A_300 : vector<16xf32>
        %xor3A_302 = arith.constant 2 : i32
        %xor3A_303 = vector.broadcast %xor3A_302 : i32 to vector<16xi32>
        %xor3A_304 = arith.xori %iota3A_277, %xor3A_303 : vector<16xi32>
        %lt3A_305 = arith.constant 0 : i32
        %lt3A_306 = vector.broadcast %lt3A_305 : i32 to vector<16xi32>
        %lt3A_307 = arith.cmpi slt, %xor3A_304, %lt3A_306 : vector<16xi32>
        %add3A_308 = arith.constant 16 : i32
        %add3A_309 = vector.broadcast %add3A_308 : i32 to vector<16xi32>
        %add3A_310 = arith.addi %xor3A_304, %add3A_309 : vector<16xi32>
        %select_n3A_311 = arith.select %lt3A_307, %add3A_310, %xor3A_304 : vector<16xi1>, vector<16xi32>
        %broadcast_in_dim3A_312 = vector.shape_cast %select_n3A_311 : vector<16xi32> to vector<16x1xi32>
        %gather3A_313 = vector.shape_cast %broadcast_in_dim3A_312 : vector<16x1xi32> to vector<16xi32>
        %gather3A_314 = tpu.dynamic_gather %add3A_301[%gather3A_313] in [0] : vector<16xf32>, vector<16xi32> -> vector<16xf32>
        %add3A_315 = arith.addf %add3A_301, %gather3A_314 : vector<16xf32>
        %xor3A_316 = arith.constant 1 : i32
        %xor3A_317 = vector.broadcast %xor3A_316 : i32 to vector<16xi32>
        %xor3A_318 = arith.xori %iota3A_277, %xor3A_317 : vector<16xi32>
        %lt3A_319 = arith.constant 0 : i32
        %lt3A_320 = vector.broadcast %lt3A_319 : i32 to vector<16xi32>
        %lt3A_321 = arith.cmpi slt, %xor3A_318, %lt3A_320 : vector<16xi32>
        %add3A_322 = arith.constant 16 : i32
        %add3A_323 = vector.broadcast %add3A_322 : i32 to vector<16xi32>
        %add3A_324 = arith.addi %xor3A_318, %add3A_323 : vector<16xi32>
        %select_n3A_325 = arith.select %lt3A_321, %add3A_324, %xor3A_318 : vector<16xi1>, vector<16xi32>
        %broadcast_in_dim3A_326 = vector.shape_cast %select_n3A_325 : vector<16xi32> to vector<16x1xi32>
        %gather3A_327 = vector.shape_cast %broadcast_in_dim3A_326 : vector<16x1xi32> to vector<16xi32>
        %gather3A_328 = tpu.dynamic_gather %add3A_315[%gather3A_327] in [0] : vector<16xf32>, vector<16xi32> -> vector<16xf32>
        %add3A_329 = arith.addf %add3A_315, %gather3A_328 : vector<16xf32>
        %eq3A_330 = arith.constant 0 : i32
        %eq3A_331 = vector.broadcast %eq3A_330 : i32 to vector<16xi32>
        %eq3A_332 = arith.cmpi eq, %iota3A, %eq3A_331 : vector<16xi32>
        %select_n3A_333 = arith.select %eq3A_332, %add3A_329, %broadcast_in_dim3A_275 : vector<16xi1>, vector<16xf32>
        %add3A_334 = arith.addf %mul3A_254, %mul3A_274 : vector<16xf32>
        %iota3A_335 = tpu.iota {dimensions = array<i32: 0>} : vector<16xi32>
        %xor3A_336 = arith.constant 8 : i32
        %xor3A_337 = vector.broadcast %xor3A_336 : i32 to vector<16xi32>
        %xor3A_338 = arith.xori %iota3A_335, %xor3A_337 : vector<16xi32>
        %lt3A_339 = arith.constant 0 : i32
        %lt3A_340 = vector.broadcast %lt3A_339 : i32 to vector<16xi32>
        %lt3A_341 = arith.cmpi slt, %xor3A_338, %lt3A_340 : vector<16xi32>
        %add3A_342 = arith.constant 16 : i32
        %add3A_343 = vector.broadcast %add3A_342 : i32 to vector<16xi32>
        %add3A_344 = arith.addi %xor3A_338, %add3A_343 : vector<16xi32>
        %select_n3A_345 = arith.select %lt3A_341, %add3A_344, %xor3A_338 : vector<16xi1>, vector<16xi32>
        %broadcast_in_dim3A_346 = vector.shape_cast %select_n3A_345 : vector<16xi32> to vector<16x1xi32>
        %gather3A_347 = vector.shape_cast %broadcast_in_dim3A_346 : vector<16x1xi32> to vector<16xi32>
        %gather3A_348 = tpu.dynamic_gather %add3A_334[%gather3A_347] in [0] : vector<16xf32>, vector<16xi32> -> vector<16xf32>
        %add3A_349 = arith.addf %add3A_334, %gather3A_348 : vector<16xf32>
        %xor3A_350 = arith.constant 4 : i32
        %xor3A_351 = vector.broadcast %xor3A_350 : i32 to vector<16xi32>
        %xor3A_352 = arith.xori %iota3A_335, %xor3A_351 : vector<16xi32>
        %lt3A_353 = arith.constant 0 : i32
        %lt3A_354 = vector.broadcast %lt3A_353 : i32 to vector<16xi32>
        %lt3A_355 = arith.cmpi slt, %xor3A_352, %lt3A_354 : vector<16xi32>
        %add3A_356 = arith.constant 16 : i32
        %add3A_357 = vector.broadcast %add3A_356 : i32 to vector<16xi32>
        %add3A_358 = arith.addi %xor3A_352, %add3A_357 : vector<16xi32>
        %select_n3A_359 = arith.select %lt3A_355, %add3A_358, %xor3A_352 : vector<16xi1>, vector<16xi32>
        %broadcast_in_dim3A_360 = vector.shape_cast %select_n3A_359 : vector<16xi32> to vector<16x1xi32>
        %gather3A_361 = vector.shape_cast %broadcast_in_dim3A_360 : vector<16x1xi32> to vector<16xi32>
        %gather3A_362 = tpu.dynamic_gather %add3A_349[%gather3A_361] in [0] : vector<16xf32>, vector<16xi32> -> vector<16xf32>
        %add3A_363 = arith.addf %add3A_349, %gather3A_362 : vector<16xf32>
        %xor3A_364 = arith.constant 2 : i32
        %xor3A_365 = vector.broadcast %xor3A_364 : i32 to vector<16xi32>
        %xor3A_366 = arith.xori %iota3A_335, %xor3A_365 : vector<16xi32>
        %lt3A_367 = arith.constant 0 : i32
        %lt3A_368 = vector.broadcast %lt3A_367 : i32 to vector<16xi32>
        %lt3A_369 = arith.cmpi slt, %xor3A_366, %lt3A_368 : vector<16xi32>
        %add3A_370 = arith.constant 16 : i32
        %add3A_371 = vector.broadcast %add3A_370 : i32 to vector<16xi32>
        %add3A_372 = arith.addi %xor3A_366, %add3A_371 : vector<16xi32>
        %select_n3A_373 = arith.select %lt3A_369, %add3A_372, %xor3A_366 : vector<16xi1>, vector<16xi32>
        %broadcast_in_dim3A_374 = vector.shape_cast %select_n3A_373 : vector<16xi32> to vector<16x1xi32>
        %gather3A_375 = vector.shape_cast %broadcast_in_dim3A_374 : vector<16x1xi32> to vector<16xi32>
        %gather3A_376 = tpu.dynamic_gather %add3A_363[%gather3A_375] in [0] : vector<16xf32>, vector<16xi32> -> vector<16xf32>
        %add3A_377 = arith.addf %add3A_363, %gather3A_376 : vector<16xf32>
        %xor3A_378 = arith.constant 1 : i32
        %xor3A_379 = vector.broadcast %xor3A_378 : i32 to vector<16xi32>
        %xor3A_380 = arith.xori %iota3A_335, %xor3A_379 : vector<16xi32>
        %lt3A_381 = arith.constant 0 : i32
        %lt3A_382 = vector.broadcast %lt3A_381 : i32 to vector<16xi32>
        %lt3A_383 = arith.cmpi slt, %xor3A_380, %lt3A_382 : vector<16xi32>
        %add3A_384 = arith.constant 16 : i32
        %add3A_385 = vector.broadcast %add3A_384 : i32 to vector<16xi32>
        %add3A_386 = arith.addi %xor3A_380, %add3A_385 : vector<16xi32>
        %select_n3A_387 = arith.select %lt3A_383, %add3A_386, %xor3A_380 : vector<16xi1>, vector<16xi32>
        %broadcast_in_dim3A_388 = vector.shape_cast %select_n3A_387 : vector<16xi32> to vector<16x1xi32>
        %gather3A_389 = vector.shape_cast %broadcast_in_dim3A_388 : vector<16x1xi32> to vector<16xi32>
        %gather3A_390 = tpu.dynamic_gather %add3A_377[%gather3A_389] in [0] : vector<16xf32>, vector<16xi32> -> vector<16xf32>
        %add3A_391 = arith.addf %add3A_377, %gather3A_390 : vector<16xf32>
        %eq3A_392 = arith.constant 1 : i32
        %eq3A_393 = vector.broadcast %eq3A_392 : i32 to vector<16xi32>
        %eq3A_394 = arith.cmpi eq, %iota3A, %eq3A_393 : vector<16xi32>
        %select_n3A_395 = arith.select %eq3A_394, %add3A_391, %select_n3A_333 : vector<16xi1>, vector<16xf32>
        %lt3A_396 = arith.constant 2 : i32
        %lt3A_397 = vector.broadcast %lt3A_396 : i32 to vector<16xi32>
        %lt3A_398 = arith.cmpi slt, %iota3A, %lt3A_397 : vector<16xi32>
        %exp3A = math.exp %select_n3A_395 : vector<16xf32>
        %jit3A = arith.constant 0.000000e+00 : f32
        %broadcast_in_dim3A_399 = vector.broadcast %jit3A : f32 to vector<16xf32>
        %select_n3A_400 = arith.select %lt3A_398, %exp3A, %broadcast_in_dim3A_399 : vector<16xi1>, vector<16xf32>
        %broadcast_in_dim3A_401 = vector.broadcast %scan3A_195 : i32 to vector<16xi32>
        %gather3A_402 = tpu.vector_load_idx %arg10[%broadcast_in_dim3A_401] : memref<128xi32, #tpu.memory_space<vmem>>[vector<16xi32>], vector<16xi32>,
        %jit3A_403 = arith.constant 2 : i32
        %eq3A_404 = arith.constant 0 : i32
        %eq3A_405 = arith.cmpi eq, %jit3A_403, %eq3A_404 : i32
        %jit3A_406 = arith.constant 1 : i32
        %select_n3A_407 = arith.select %eq3A_405, %jit3A_406, %jit3A_403 : i32
        %rem3A = vector.broadcast %select_n3A_407 : i32 to vector<16xi32>
        %rem3A_408 = arith.remsi %gather3A_402, %rem3A : vector<16xi32>
        %ne3A = arith.constant 0 : i32
        %ne3A_409 = vector.broadcast %ne3A : i32 to vector<16xi32>
        %ne3A_410 = arith.cmpi ne, %rem3A_408, %ne3A_409 : vector<16xi32>
        %lt3A_411 = arith.constant 0 : i32
        %lt3A_412 = vector.broadcast %lt3A_411 : i32 to vector<16xi32>
        %lt3A_413 = arith.cmpi slt, %rem3A_408, %lt3A_412 : vector<16xi32>
        %lt3A_414 = arith.constant 0 : i32
        %lt3A_415 = arith.cmpi slt, %select_n3A_407, %lt3A_414 : i32
        %ne3A_416 = vector.broadcast %lt3A_415 : i1 to vector<16xi1>
        %ne3A_417 = vector.broadcast %ne3A_416 : vector<16xi1> to vector<16xi1>
        %ne3A_418 = arith.xori %lt3A_413, %ne3A_417 : vector<16xi1>
        %and3A = arith.andi %ne3A_418, %ne3A_410 : vector<16xi1>
        %add3A_419 = vector.broadcast %select_n3A_407 : i32 to vector<16xi32>
        %add3A_420 = arith.addi %rem3A_408, %add3A_419 : vector<16xi32>
        %select_n3A_421 = arith.select %and3A, %add3A_420, %rem3A_408 : vector<16xi1>, vector<16xi32>
        %eq3A_422 = arith.constant 0 : i32
        %eq3A_423 = vector.broadcast %eq3A_422 : i32 to vector<16xi32>
        %eq3A_424 = arith.cmpi eq, %select_n3A_421, %eq3A_423 : vector<16xi32>
        %broadcast_in_dim3A_425 = arith.constant 0 : i32
        %broadcast_in_dim3A_426 = vector.broadcast %broadcast_in_dim3A_425 : i32 to vector<16xi32>
        %lt3A_427 = arith.constant 0 : i32
        %lt3A_428 = vector.broadcast %lt3A_427 : i32 to vector<16xi32>
        %lt3A_429 = arith.cmpi slt, %broadcast_in_dim3A_426, %lt3A_428 : vector<16xi32>
        %add3A_430 = arith.constant 16 : i32
        %add3A_431 = vector.broadcast %add3A_430 : i32 to vector<16xi32>
        %add3A_432 = arith.addi %broadcast_in_dim3A_426, %add3A_431 : vector<16xi32>
        %select_n3A_433 = arith.select %lt3A_429, %add3A_432, %broadcast_in_dim3A_426 : vector<16xi1>, vector<16xi32>
        %broadcast_in_dim3A_434 = vector.shape_cast %select_n3A_433 : vector<16xi32> to vector<16x1xi32>
        %gather3A_435 = vector.shape_cast %broadcast_in_dim3A_434 : vector<16x1xi32> to vector<16xi32>
        %gather3A_436 = tpu.dynamic_gather %select_n3A_400[%gather3A_435] in [0] : vector<16xf32>, vector<16xi32> -> vector<16xf32>
        %mul3A_437 = arith.mulf %get3A_202, %gather3A_436 : vector<16xf32>
        %jit3A_438 = arith.constant 0.000000e+00 : f32
        %broadcast_in_dim3A_439 = vector.broadcast %jit3A_438 : f32 to vector<16xf32>
        %select_n3A_440 = arith.select %eq3A_424, %mul3A_437, %broadcast_in_dim3A_439 : vector<16xi1>, vector<16xf32>
        %swap3A_441 = arith.index_cast %scan3A_195 : i32 to index
        %swap3A_442 = arith.constant 0 : index
        %swap3A_443 = tpu.vector_load %arg14[%swap3A_441, %swap3A_442] {strides = array<i32>} : memref<128x128xf32, #tpu.memory_space<vmem>>, vector<16xf32>,
        tpu.vector_store %arg14[%swap3A_441, %swap3A_442], %select_n3A_440 {strides = array<i32>} : memref<128x128xf32, #tpu.memory_space<vmem>>, vector<16xf32>,
        %jit3A_444 = arith.constant 0.000000e+00 : f32
        %broadcast_in_dim3A_445 = vector.broadcast %jit3A_444 : f32 to vector<16xf32>
        %select_n3A_446 = arith.select %eq3A_424, %broadcast_in_dim3A_445, %mul3A_437 : vector<16xi1>, vector<16xf32>
        %swap3A_447 = arith.index_cast %scan3A_195 : i32 to index
        %swap3A_448 = arith.constant 64 : index
        %swap3A_449 = tpu.vector_load %arg14[%swap3A_447, %swap3A_448] {strides = array<i32>} : memref<128x128xf32, #tpu.memory_space<vmem>>, vector<16xf32>,
        tpu.vector_store %arg14[%swap3A_447, %swap3A_448], %select_n3A_446 {strides = array<i32>} : memref<128x128xf32, #tpu.memory_space<vmem>>, vector<16xf32>,
        %mul3A_450 = arith.mulf %get3A_221, %gather3A_436 : vector<16xf32>
        %jit3A_451 = arith.constant 0.000000e+00 : f32
        %broadcast_in_dim3A_452 = vector.broadcast %jit3A_451 : f32 to vector<16xf32>
        %select_n3A_453 = arith.select %eq3A_424, %mul3A_450, %broadcast_in_dim3A_452 : vector<16xi1>, vector<16xf32>
        %swap3A_454 = arith.index_cast %scan3A_195 : i32 to index
        %swap3A_455 = arith.constant 16 : index
        %swap3A_456 = tpu.vector_load %arg14[%swap3A_454, %swap3A_455] {strides = array<i32>} : memref<128x128xf32, #tpu.memory_space<vmem>>, vector<16xf32>,
        tpu.vector_store %arg14[%swap3A_454, %swap3A_455], %select_n3A_453 {strides = array<i32>} : memref<128x128xf32, #tpu.memory_space<vmem>>, vector<16xf32>,
        %jit3A_457 = arith.constant 0.000000e+00 : f32
        %broadcast_in_dim3A_458 = vector.broadcast %jit3A_457 : f32 to vector<16xf32>
        %select_n3A_459 = arith.select %eq3A_424, %broadcast_in_dim3A_458, %mul3A_450 : vector<16xi1>, vector<16xf32>
        %swap3A_460 = arith.index_cast %scan3A_195 : i32 to index
        %swap3A_461 = arith.constant 80 : index
        %swap3A_462 = tpu.vector_load %arg14[%swap3A_460, %swap3A_461] {strides = array<i32>} : memref<128x128xf32, #tpu.memory_space<vmem>>, vector<16xf32>,
        tpu.vector_store %arg14[%swap3A_460, %swap3A_461], %select_n3A_459 {strides = array<i32>} : memref<128x128xf32, #tpu.memory_space<vmem>>, vector<16xf32>,
        %broadcast_in_dim3A_463 = arith.constant 1 : i32
        %broadcast_in_dim3A_464 = vector.broadcast %broadcast_in_dim3A_463 : i32 to vector<16xi32>
        %lt3A_465 = arith.constant 0 : i32
        %lt3A_466 = vector.broadcast %lt3A_465 : i32 to vector<16xi32>
        %lt3A_467 = arith.cmpi slt, %broadcast_in_dim3A_464, %lt3A_466 : vector<16xi32>
        %add3A_468 = arith.constant 16 : i32
        %add3A_469 = vector.broadcast %add3A_468 : i32 to vector<16xi32>
        %add3A_470 = arith.addi %broadcast_in_dim3A_464, %add3A_469 : vector<16xi32>
        %select_n3A_471 = arith.select %lt3A_467, %add3A_470, %broadcast_in_dim3A_464 : vector<16xi1>, vector<16xi32>
        %broadcast_in_dim3A_472 = vector.shape_cast %select_n3A_471 : vector<16xi32> to vector<16x1xi32>
        %gather3A_473 = vector.shape_cast %broadcast_in_dim3A_472 : vector<16x1xi32> to vector<16xi32>
        %gather3A_474 = tpu.dynamic_gather %select_n3A_400[%gather3A_473] in [0] : vector<16xf32>, vector<16xi32> -> vector<16xf32>
        %mul3A_475 = arith.mulf %get3A_241, %gather3A_474 : vector<16xf32>
        %jit3A_476 = arith.constant 0.000000e+00 : f32
        %broadcast_in_dim3A_477 = vector.broadcast %jit3A_476 : f32 to vector<16xf32>
        %select_n3A_478 = arith.select %eq3A_424, %mul3A_475, %broadcast_in_dim3A_477 : vector<16xi1>, vector<16xf32>
        %swap3A_479 = arith.index_cast %scan3A_195 : i32 to index
        %swap3A_480 = arith.constant 32 : index
        %swap3A_481 = tpu.vector_load %arg14[%swap3A_479, %swap3A_480] {strides = array<i32>} : memref<128x128xf32, #tpu.memory_space<vmem>>, vector<16xf32>,
        tpu.vector_store %arg14[%swap3A_479, %swap3A_480], %select_n3A_478 {strides = array<i32>} : memref<128x128xf32, #tpu.memory_space<vmem>>, vector<16xf32>,
        %jit3A_482 = arith.constant 0.000000e+00 : f32
        %broadcast_in_dim3A_483 = vector.broadcast %jit3A_482 : f32 to vector<16xf32>
        %select_n3A_484 = arith.select %eq3A_424, %broadcast_in_dim3A_483, %mul3A_475 : vector<16xi1>, vector<16xf32>
        %swap3A_485 = arith.index_cast %scan3A_195 : i32 to index
        %swap3A_486 = arith.constant 96 : index
        %swap3A_487 = tpu.vector_load %arg14[%swap3A_485, %swap3A_486] {strides = array<i32>} : memref<128x128xf32, #tpu.memory_space<vmem>>, vector<16xf32>,
        tpu.vector_store %arg14[%swap3A_485, %swap3A_486], %select_n3A_484 {strides = array<i32>} : memref<128x128xf32, #tpu.memory_space<vmem>>, vector<16xf32>,
        %mul3A_488 = arith.mulf %get3A_261, %gather3A_474 : vector<16xf32>
        %jit3A_489 = arith.constant 0.000000e+00 : f32
        %broadcast_in_dim3A_490 = vector.broadcast %jit3A_489 : f32 to vector<16xf32>
        %select_n3A_491 = arith.select %eq3A_424, %mul3A_488, %broadcast_in_dim3A_490 : vector<16xi1>, vector<16xf32>
        %swap3A_492 = arith.index_cast %scan3A_195 : i32 to index
        %swap3A_493 = arith.constant 48 : index
        %swap3A_494 = tpu.vector_load %arg14[%swap3A_492, %swap3A_493] {strides = array<i32>} : memref<128x128xf32, #tpu.memory_space<vmem>>, vector<16xf32>,
        tpu.vector_store %arg14[%swap3A_492, %swap3A_493], %select_n3A_491 {strides = array<i32>} : memref<128x128xf32, #tpu.memory_space<vmem>>, vector<16xf32>,
        %jit3A_495 = arith.constant 0.000000e+00 : f32
        %broadcast_in_dim3A_496 = vector.broadcast %jit3A_495 : f32 to vector<16xf32>
        %select_n3A_497 = arith.select %eq3A_424, %broadcast_in_dim3A_496, %mul3A_488 : vector<16xi1>, vector<16xf32>
        %swap3A_498 = arith.index_cast %scan3A_195 : i32 to index
        %swap3A_499 = arith.constant 112 : index
        %swap3A_500 = tpu.vector_load %arg14[%swap3A_498, %swap3A_499] {strides = array<i32>} : memref<128x128xf32, #tpu.memory_space<vmem>>, vector<16xf32>,
        tpu.vector_store %arg14[%swap3A_498, %swap3A_499], %select_n3A_497 {strides = array<i32>} : memref<128x128xf32, #tpu.memory_space<vmem>>, vector<16xf32>,
        %jit3A_501 = arith.constant 128 : i32
        %div3A = vector.broadcast %jit3A_501 : i32 to vector<16xi32>
        %div3A_502 = arith.divsi %gather3A_402, %div3A : vector<16xi32>
        %sign3A = arith.constant 0 : i32
        %sign3A_503 = vector.broadcast %sign3A : i32 to vector<16xi32>
        %sign3A_504 = arith.cmpi sgt, %gather3A_402, %sign3A_503 : vector<16xi32>
        %sign3A_505 = arith.extui %sign3A_504 : vector<16xi1> to vector<16xi32>
        %sign3A_506 = arith.constant 0 : i32
        %sign3A_507 = vector.broadcast %sign3A_506 : i32 to vector<16xi32>
        %sign3A_508 = arith.cmpi slt, %gather3A_402, %sign3A_507 : vector<16xi32>
        %sign3A_509 = arith.extui %sign3A_508 : vector<16xi1> to vector<16xi32>
        %sign3A_510 = arith.subi %sign3A_505, %sign3A_509 : vector<16xi32>
        %sign3A_511 = arith.constant 0 : i32
        %sign3A_512 = arith.cmpi sgt, %jit3A_501, %sign3A_511 : i32
        %sign3A_513 = arith.extui %sign3A_512 : i1 to i32
        %sign3A_514 = arith.constant 0 : i32
        %sign3A_515 = arith.cmpi slt, %jit3A_501, %sign3A_514 : i32
        %sign3A_516 = arith.extui %sign3A_515 : i1 to i32
        %sign3A_517 = arith.subi %sign3A_513, %sign3A_516 : i32
        %ne3A_518 = vector.broadcast %sign3A_517 : i32 to vector<16xi32>
        %ne3A_519 = arith.cmpi ne, %sign3A_510, %ne3A_518 : vector<16xi32>
        %rem3A_520 = vector.broadcast %jit3A_501 : i32 to vector<16xi32>
        %rem3A_521 = arith.remsi %gather3A_402, %rem3A_520 : vector<16xi32>
        %ne3A_522 = arith.constant 0 : i32
        %ne3A_523 = vector.broadcast %ne3A_522 : i32 to vector<16xi32>
        %ne3A_524 = arith.cmpi ne, %rem3A_521, %ne3A_523 : vector<16xi32>
        %and3A_525 = arith.andi %ne3A_519, %ne3A_524 : vector<16xi1>
        %sub3A = arith.constant 1 : i32
        %sub3A_526 = vector.broadcast %sub3A : i32 to vector<16xi32>
        %sub3A_527 = arith.subi %div3A_502, %sub3A_526 : vector<16xi32>
        %select_n3A_528 = arith.select %and3A_525, %sub3A_527, %div3A_502 : vector<16xi1>, vector<16xi32>
        %jit3A_529 = arith.constant 128 : i32
        %eq3A_530 = arith.constant 0 : i32
        %eq3A_531 = arith.cmpi eq, %jit3A_529, %eq3A_530 : i32
        %jit3A_532 = arith.constant 1 : i32
        %select_n3A_533 = arith.select %eq3A_531, %jit3A_532, %jit3A_529 : i32
        %rem3A_534 = vector.broadcast %select_n3A_533 : i32 to vector<16xi32>
        %rem3A_535 = arith.remsi %gather3A_402, %rem3A_534 : vector<16xi32>
        %ne3A_536 = arith.constant 0 : i32
        %ne3A_537 = vector.broadcast %ne3A_536 : i32 to vector<16xi32>
        %ne3A_538 = arith.cmpi ne, %rem3A_535, %ne3A_537 : vector<16xi32>
        %lt3A_539 = arith.constant 0 : i32
        %lt3A_540 = vector.broadcast %lt3A_539 : i32 to vector<16xi32>
        %lt3A_541 = arith.cmpi slt, %rem3A_535, %lt3A_540 : vector<16xi32>
        %lt3A_542 = arith.constant 0 : i32
        %lt3A_543 = arith.cmpi slt, %select_n3A_533, %lt3A_542 : i32
        %ne3A_544 = vector.broadcast %lt3A_543 : i1 to vector<16xi1>
        %ne3A_545 = vector.broadcast %ne3A_544 : vector<16xi1> to vector<16xi1>
        %ne3A_546 = arith.xori %lt3A_541, %ne3A_545 : vector<16xi1>
        %and3A_547 = arith.andi %ne3A_546, %ne3A_538 : vector<16xi1>
        %add3A_548 = vector.broadcast %select_n3A_533 : i32 to vector<16xi32>
        %add3A_549 = arith.addi %rem3A_535, %add3A_548 : vector<16xi32>
        %select_n3A_550 = arith.select %and3A_547, %add3A_549, %rem3A_535 : vector<16xi1>, vector<16xi32>
        %lt3A_551 = arith.constant 2 : i32
        %lt3A_552 = vector.broadcast %lt3A_551 : i32 to vector<16xi32>
        %lt3A_553 = arith.cmpi slt, %iota3A, %lt3A_552 : vector<16xi32>
        %mul3A_554 = arith.constant 80 : i32
        %mul3A_555 = vector.broadcast %mul3A_554 : i32 to vector<16xi32>
        %mul3A_556 = arith.muli %iota3A, %mul3A_555 : vector<16xi32>
        %add3A_557 = arith.addi %mul3A_556, %select_n3A_528 : vector<16xi32>
        %jit3A_558 = arith.constant 160 : i32
        %broadcast_in_dim3A_559 = vector.broadcast %jit3A_558 : i32 to vector<16xi32>
        %select_n3A_560 = arith.select %lt3A_553, %add3A_557, %broadcast_in_dim3A_559 : vector<16xi1>, vector<16xi32>
        %lt3A_561 = arith.constant 2 : i32
        %lt3A_562 = vector.broadcast %lt3A_561 : i32 to vector<16xi32>
        %lt3A_563 = arith.cmpi slt, %iota3A, %lt3A_562 : vector<16xi32>
        %select_n3A_564 = arith.select %lt3A_563, %select_n3A_550, %iota3A : vector<16xi1>, vector<16xi32>
        tpu.vector_store_idx %arg16[%select_n3A_560, %select_n3A_564], %select_n3A_400 {add = true} : memref<256x128xf32, #tpu.memory_space<vmem>>[vector<16xi32>, vector<16xi32>], vector<16xf32>,
      }
      %scan3A_194 = arith.constant 128 : i32
      "tpu.region"() ({
        %run_scoped3A = tpu.sem_alloc : memref<!tpu.dma_semaphore, #tpu.memory_space<semaphore_mem>>
        %dma_start3A_195 = arith.constant 0 : i32
        %dma_start3A_196 = arith.constant 0 : i32
        %dma_start3A_197 = tpu.memref_slice %arg17[%dma_start3A_195, %dma_start3A_196] : memref<6144x128xf32, #tpu.memory_space<vmem_shared>> -> memref<6144x128xf32, #tpu.memory_space<vmem_shared>>
        tpu.enqueue_indirect_dma source(%arg14 : memref<128x128xf32, #tpu.memory_space<vmem>>) target(%dma_start3A_197 : memref<6144x128xf32, #tpu.memory_space<vmem_shared>>) offsets(%arg12 : memref<128xi32, #tpu.memory_space<vmem>>) semaphore(%run_scoped3A : memref<!tpu.dma_semaphore, #tpu.memory_space<semaphore_mem>>) {add = true}
        %dma_wait3A_198 = arith.constant 0 : i32
        %dma_wait3A_199 = arith.constant 0 : i32
        %dma_wait3A_200 = tpu.memref_slice %arg17[%dma_wait3A_198, %dma_wait3A_199] : memref<6144x128xf32, #tpu.memory_space<vmem_shared>> -> memref<6144x128xf32, #tpu.memory_space<vmem_shared>>
        tpu.wait_indirect_dma semaphore(%run_scoped3A : memref<!tpu.dma_semaphore, #tpu.memory_space<semaphore_mem>>) src(%arg14 : memref<128x128xf32, #tpu.memory_space<vmem>>) dst(%dma_wait3A_200 : memref<6144x128xf32, #tpu.memory_space<vmem_shared>>)
        tpu.yield
      }) : () -> ()
    }
    %scan3A_51 = arith.constant 88 : i32
    %add3A_52 = arith.constant 0 : i32
    %add3A_53 = vector.broadcast %add3A_52 : i32 to vector<16xi32>
    %add3A_54 = arith.addi %iota3A, %add3A_53 : vector<16xi32>
    %swap3A = arith.constant 0 : index
    %swap3A_55 = tpu.vector_load %arg12[%swap3A] {strides = array<i32>} : memref<128xi32, #tpu.memory_space<vmem>>, vector<16xi32>,
    tpu.vector_store %arg12[%swap3A], %add3A_54 {strides = array<i32>} : memref<128xi32, #tpu.memory_space<vmem>>, vector<16xi32>,
    %add3A_56 = arith.constant 16 : i32
    %add3A_57 = vector.broadcast %add3A_56 : i32 to vector<16xi32>
    %add3A_58 = arith.addi %iota3A, %add3A_57 : vector<16xi32>
    %swap3A_59 = arith.constant 16 : index
    %swap3A_60 = tpu.vector_load %arg12[%swap3A_59] {strides = array<i32>} : memref<128xi32, #tpu.memory_space<vmem>>, vector<16xi32>,
    tpu.vector_store %arg12[%swap3A_59], %add3A_58 {strides = array<i32>} : memref<128xi32, #tpu.memory_space<vmem>>, vector<16xi32>,
    %add3A_61 = arith.constant 32 : i32
    %add3A_62 = vector.broadcast %add3A_61 : i32 to vector<16xi32>
    %add3A_63 = arith.addi %iota3A, %add3A_62 : vector<16xi32>
    %swap3A_64 = arith.constant 32 : index
    %swap3A_65 = tpu.vector_load %arg12[%swap3A_64] {strides = array<i32>} : memref<128xi32, #tpu.memory_space<vmem>>, vector<16xi32>,
    tpu.vector_store %arg12[%swap3A_64], %add3A_63 {strides = array<i32>} : memref<128xi32, #tpu.memory_space<vmem>>, vector<16xi32>,
    %add3A_66 = arith.constant 48 : i32
    %add3A_67 = vector.broadcast %add3A_66 : i32 to vector<16xi32>
    %add3A_68 = arith.addi %iota3A, %add3A_67 : vector<16xi32>
    %swap3A_69 = arith.constant 48 : index
    %swap3A_70 = tpu.vector_load %arg12[%swap3A_69] {strides = array<i32>} : memref<128xi32, #tpu.memory_space<vmem>>, vector<16xi32>,
    tpu.vector_store %arg12[%swap3A_69], %add3A_68 {strides = array<i32>} : memref<128xi32, #tpu.memory_space<vmem>>, vector<16xi32>,
    %add3A_71 = arith.constant 64 : i32
    %add3A_72 = vector.broadcast %add3A_71 : i32 to vector<16xi32>
    %add3A_73 = arith.addi %iota3A, %add3A_72 : vector<16xi32>
    %swap3A_74 = arith.constant 64 : index
    %swap3A_75 = tpu.vector_load %arg12[%swap3A_74] {strides = array<i32>} : memref<128xi32, #tpu.memory_space<vmem>>, vector<16xi32>,
    tpu.vector_store %arg12[%swap3A_74], %add3A_73 {strides = array<i32>} : memref<128xi32, #tpu.memory_space<vmem>>, vector<16xi32>,
    %add3A_76 = arith.constant 80 : i32
    %add3A_77 = vector.broadcast %add3A_76 : i32 to vector<16xi32>
    %add3A_78 = arith.addi %iota3A, %add3A_77 : vector<16xi32>
    %swap3A_79 = arith.constant 80 : index
    %swap3A_80 = tpu.vector_load %arg12[%swap3A_79] {strides = array<i32>} : memref<128xi32, #tpu.memory_space<vmem>>, vector<16xi32>,
    tpu.vector_store %arg12[%swap3A_79], %add3A_78 {strides = array<i32>} : memref<128xi32, #tpu.memory_space<vmem>>, vector<16xi32>,
    %add3A_81 = arith.constant 96 : i32
    %add3A_82 = vector.broadcast %add3A_81 : i32 to vector<16xi32>
    %add3A_83 = arith.addi %iota3A, %add3A_82 : vector<16xi32>
    %swap3A_84 = arith.constant 96 : index
    %swap3A_85 = tpu.vector_load %arg12[%swap3A_84] {strides = array<i32>} : memref<128xi32, #tpu.memory_space<vmem>>, vector<16xi32>,
    tpu.vector_store %arg12[%swap3A_84], %add3A_83 {strides = array<i32>} : memref<128xi32, #tpu.memory_space<vmem>>, vector<16xi32>,
    %add3A_86 = arith.constant 112 : i32
    %add3A_87 = vector.broadcast %add3A_86 : i32 to vector<16xi32>
    %add3A_88 = arith.addi %iota3A, %add3A_87 : vector<16xi32>
    %swap3A_89 = arith.constant 112 : index
    %swap3A_90 = tpu.vector_load %arg12[%swap3A_89] {strides = array<i32>} : memref<128xi32, #tpu.memory_space<vmem>>, vector<16xi32>,
    tpu.vector_store %arg12[%swap3A_89], %add3A_88 {strides = array<i32>} : memref<128xi32, #tpu.memory_space<vmem>>, vector<16xi32>,
    "tpu.region"() ({
      %run_scoped3A = tpu.sem_alloc : memref<!tpu.dma_semaphore, #tpu.memory_space<semaphore_mem>>
      %dma_start3A = arith.constant 0 : i32
      %dma_start3A_167 = arith.constant 0 : i32
      %dma_start3A_168 = tpu.memref_slice %arg16[%dma_start3A, %dma_start3A_167] : memref<256x128xf32, #tpu.memory_space<vmem>> -> memref<128x128xf32, #tpu.memory_space<vmem>>
      %dma_start3A_169 = arith.constant 0 : i32
      %dma_start3A_170 = arith.constant 0 : i32
      %dma_start3A_171 = tpu.memref_slice %arg18[%dma_start3A_169, %dma_start3A_170] : memref<256x128xf32, #tpu.memory_space<vmem_shared>> -> memref<256x128xf32, #tpu.memory_space<vmem_shared>>
      tpu.enqueue_indirect_dma source(%dma_start3A_168 : memref<128x128xf32, #tpu.memory_space<vmem>>) target(%dma_start3A_171 : memref<256x128xf32, #tpu.memory_space<vmem_shared>>) offsets(%arg12 : memref<128xi32, #tpu.memory_space<vmem>>) semaphore(%run_scoped3A : memref<!tpu.dma_semaphore, #tpu.memory_space<semaphore_mem>>) {add = true}
      %dma_wait3A = arith.constant 0 : i32
      %dma_wait3A_172 = arith.constant 0 : i32
      %dma_wait3A_173 = tpu.memref_slice %arg16[%dma_wait3A, %dma_wait3A_172] : memref<256x128xf32, #tpu.memory_space<vmem>> -> memref<128x128xf32, #tpu.memory_space<vmem>>
      %dma_wait3A_174 = arith.constant 0 : i32
      %dma_wait3A_175 = arith.constant 0 : i32
      %dma_wait3A_176 = tpu.memref_slice %arg18[%dma_wait3A_174, %dma_wait3A_175] : memref<256x128xf32, #tpu.memory_space<vmem_shared>> -> memref<256x128xf32, #tpu.memory_space<vmem_shared>>
      tpu.wait_indirect_dma semaphore(%run_scoped3A : memref<!tpu.dma_semaphore, #tpu.memory_space<semaphore_mem>>) src(%dma_wait3A_173 : memref<128x128xf32, #tpu.memory_space<vmem>>) dst(%dma_wait3A_176 : memref<256x128xf32, #tpu.memory_space<vmem_shared>>)
      tpu.yield
    }) : () -> ()
    %add3A_91 = arith.constant 128 : i32
    %add3A_92 = vector.broadcast %add3A_91 : i32 to vector<16xi32>
    %add3A_93 = arith.addi %iota3A, %add3A_92 : vector<16xi32>
    %swap3A_94 = arith.constant 0 : index
    %swap3A_95 = tpu.vector_load %arg12[%swap3A_94] {strides = array<i32>} : memref<128xi32, #tpu.memory_space<vmem>>, vector<16xi32>,
    tpu.vector_store %arg12[%swap3A_94], %add3A_93 {strides = array<i32>} : memref<128xi32, #tpu.memory_space<vmem>>, vector<16xi32>,
    %add3A_96 = arith.constant 144 : i32
    %add3A_97 = vector.broadcast %add3A_96 : i32 to vector<16xi32>
    %add3A_98 = arith.addi %iota3A, %add3A_97 : vector<16xi32>
    %swap3A_99 = arith.constant 16 : index
    %swap3A_100 = tpu.vector_load %arg12[%swap3A_99] {strides = array<i32>} : memref<128xi32, #tpu.memory_space<vmem>>, vector<16xi32>,
    tpu.vector_store %arg12[%swap3A_99], %add3A_98 {strides = array<i32>} : memref<128xi32, #tpu.memory_space<vmem>>, vector<16xi32>,
    %add3A_101 = arith.constant 160 : i32
    %add3A_102 = vector.broadcast %add3A_101 : i32 to vector<16xi32>
    %add3A_103 = arith.addi %iota3A, %add3A_102 : vector<16xi32>
    %swap3A_104 = arith.constant 32 : index
    %swap3A_105 = tpu.vector_load %arg12[%swap3A_104] {strides = array<i32>} : memref<128xi32, #tpu.memory_space<vmem>>, vector<16xi32>,
    tpu.vector_store %arg12[%swap3A_104], %add3A_103 {strides = array<i32>} : memref<128xi32, #tpu.memory_space<vmem>>, vector<16xi32>,
    %add3A_106 = arith.constant 176 : i32
    %add3A_107 = vector.broadcast %add3A_106 : i32 to vector<16xi32>
    %add3A_108 = arith.addi %iota3A, %add3A_107 : vector<16xi32>
    %swap3A_109 = arith.constant 48 : index
    %swap3A_110 = tpu.vector_load %arg12[%swap3A_109] {strides = array<i32>} : memref<128xi32, #tpu.memory_space<vmem>>, vector<16xi32>,
    tpu.vector_store %arg12[%swap3A_109], %add3A_108 {strides = array<i32>} : memref<128xi32, #tpu.memory_space<vmem>>, vector<16xi32>,
    %add3A_111 = arith.constant 192 : i32
    %add3A_112 = vector.broadcast %add3A_111 : i32 to vector<16xi32>
    %add3A_113 = arith.addi %iota3A, %add3A_112 : vector<16xi32>
    %swap3A_114 = arith.constant 64 : index
    %swap3A_115 = tpu.vector_load %arg12[%swap3A_114] {strides = array<i32>} : memref<128xi32, #tpu.memory_space<vmem>>, vector<16xi32>,
    tpu.vector_store %arg12[%swap3A_114], %add3A_113 {strides = array<i32>} : memref<128xi32, #tpu.memory_space<vmem>>, vector<16xi32>,
    %add3A_116 = arith.constant 208 : i32
    %add3A_117 = vector.broadcast %add3A_116 : i32 to vector<16xi32>
    %add3A_118 = arith.addi %iota3A, %add3A_117 : vector<16xi32>
    %swap3A_119 = arith.constant 80 : index
    %swap3A_120 = tpu.vector_load %arg12[%swap3A_119] {strides = array<i32>} : memref<128xi32, #tpu.memory_space<vmem>>, vector<16xi32>,
    tpu.vector_store %arg12[%swap3A_119], %add3A_118 {strides = array<i32>} : memref<128xi32, #tpu.memory_space<vmem>>, vector<16xi32>,
    %add3A_121 = arith.constant 224 : i32
    %add3A_122 = vector.broadcast %add3A_121 : i32 to vector<16xi32>
    %add3A_123 = arith.addi %iota3A, %add3A_122 : vector<16xi32>
    %swap3A_124 = arith.constant 96 : index
    %swap3A_125 = tpu.vector_load %arg12[%swap3A_124] {strides = array<i32>} : memref<128xi32, #tpu.memory_space<vmem>>, vector<16xi32>,
    tpu.vector_store %arg12[%swap3A_124], %add3A_123 {strides = array<i32>} : memref<128xi32, #tpu.memory_space<vmem>>, vector<16xi32>,
    %add3A_126 = arith.constant 240 : i32
    %add3A_127 = vector.broadcast %add3A_126 : i32 to vector<16xi32>
    %add3A_128 = arith.addi %iota3A, %add3A_127 : vector<16xi32>
    %swap3A_129 = arith.constant 112 : index
    %swap3A_130 = tpu.vector_load %arg12[%swap3A_129] {strides = array<i32>} : memref<128xi32, #tpu.memory_space<vmem>>, vector<16xi32>,
    tpu.vector_store %arg12[%swap3A_129], %add3A_128 {strides = array<i32>} : memref<128xi32, #tpu.memory_space<vmem>>, vector<16xi32>,
    "tpu.region"() ({
      %run_scoped3A = tpu.sem_alloc : memref<!tpu.dma_semaphore, #tpu.memory_space<semaphore_mem>>
      %dma_start3A = arith.constant 128 : i32
      %dma_start3A_167 = arith.constant 0 : i32
      %dma_start3A_168 = tpu.memref_slice %arg16[%dma_start3A, %dma_start3A_167] : memref<256x128xf32, #tpu.memory_space<vmem>> -> memref<128x128xf32, #tpu.memory_space<vmem>>
      %dma_start3A_169 = arith.constant 0 : i32
      %dma_start3A_170 = arith.constant 0 : i32
      %dma_start3A_171 = tpu.memref_slice %arg18[%dma_start3A_169, %dma_start3A_170] : memref<256x128xf32, #tpu.memory_space<vmem_shared>> -> memref<256x128xf32, #tpu.memory_space<vmem_shared>>
      tpu.enqueue_indirect_dma source(%dma_start3A_168 : memref<128x128xf32, #tpu.memory_space<vmem>>) target(%dma_start3A_171 : memref<256x128xf32, #tpu.memory_space<vmem_shared>>) offsets(%arg12 : memref<128xi32, #tpu.memory_space<vmem>>) semaphore(%run_scoped3A : memref<!tpu.dma_semaphore, #tpu.memory_space<semaphore_mem>>) {add = true}
      %dma_wait3A = arith.constant 128 : i32
      %dma_wait3A_172 = arith.constant 0 : i32
      %dma_wait3A_173 = tpu.memref_slice %arg16[%dma_wait3A, %dma_wait3A_172] : memref<256x128xf32, #tpu.memory_space<vmem>> -> memref<128x128xf32, #tpu.memory_space<vmem>>
      %dma_wait3A_174 = arith.constant 0 : i32
      %dma_wait3A_175 = arith.constant 0 : i32
      %dma_wait3A_176 = tpu.memref_slice %arg18[%dma_wait3A_174, %dma_wait3A_175] : memref<256x128xf32, #tpu.memory_space<vmem_shared>> -> memref<256x128xf32, #tpu.memory_space<vmem_shared>>
      tpu.wait_indirect_dma semaphore(%run_scoped3A : memref<!tpu.dma_semaphore, #tpu.memory_space<semaphore_mem>>) src(%dma_wait3A_173 : memref<128x128xf32, #tpu.memory_space<vmem>>) dst(%dma_wait3A_176 : memref<256x128xf32, #tpu.memory_space<vmem_shared>>)
      tpu.yield
    }) : () -> ()
    %barrier3A_131 = arith.constant 0 : index
    tpu.barrier barrier_id(%barrier3A_131)
    %mul3A_132 = arith.constant 384 : i32
    %mul3A_133 = arith.muli %arg1, %mul3A_132 : i32
    %add3A_134 = arith.constant 0 : i32
    %add3A_135 = arith.addi %mul3A_133, %add3A_134 : i32
    "tpu.region"() ({
      %run_scoped3A = tpu.sem_alloc : memref<!tpu.dma_semaphore, #tpu.memory_space<semaphore_mem>>
      %dma_start3A = arith.constant 0 : i32
      %dma_start3A_167 = tpu.memref_slice %arg17[%add3A_135, %dma_start3A] : memref<6144x128xf32, #tpu.memory_space<vmem_shared>> -> memref<128x128xf32, #tpu.memory_space<vmem_shared>>
      %dma_start3A_168 = arith.constant 0 : i32
      %dma_start3A_169 = tpu.memref_slice %arg17[%add3A_135, %dma_start3A_168] : memref<6144x128xf32, #tpu.memory_space<vmem_shared>> -> memref<128x128xf32, #tpu.memory_space<vmem_shared>>
      tpu.enqueue_dma source(%dma_start3A_169 : memref<128x128xf32, #tpu.memory_space<vmem_shared>>) target(%arg13 : memref<128x128xf32, #tpu.memory_space<vmem>>) target_semaphore(%run_scoped3A : memref<!tpu.dma_semaphore, #tpu.memory_space<semaphore_mem>>)
      %dma_wait3A = arith.constant 0 : i32
      %dma_wait3A_170 = tpu.memref_slice %arg17[%add3A_135, %dma_wait3A] : memref<6144x128xf32, #tpu.memory_space<vmem_shared>> -> memref<128x128xf32, #tpu.memory_space<vmem_shared>>
      %dma_wait3A_171 = arith.constant 0 : i32
      %dma_wait3A_172 = tpu.memref_slice %arg17[%add3A_135, %dma_wait3A_171] : memref<6144x128xf32, #tpu.memory_space<vmem_shared>> -> memref<128x128xf32, #tpu.memory_space<vmem_shared>>
      tpu.wait_dma2 semaphore(%run_scoped3A : memref<!tpu.dma_semaphore, #tpu.memory_space<semaphore_mem>>) src(%dma_wait3A_172 : memref<128x128xf32, #tpu.memory_space<vmem_shared>>) dst(%arg13 : memref<128x128xf32, #tpu.memory_space<vmem>>)
      tpu.yield
    }) : () -> ()
    %mul3A_136 = arith.constant 6144 : i32
    %mul3A_137 = arith.muli %arg0, %mul3A_136 : i32
    %mul3A_138 = arith.constant 384 : i32
    %mul3A_139 = arith.muli %arg1, %mul3A_138 : i32
    %add3A_140 = arith.addi %mul3A_137, %mul3A_139 : i32
    %add3A_141 = arith.constant 0 : i32
    %add3A_142 = arith.addi %add3A_140, %add3A_141 : i32
    "tpu.region"() ({
      %run_scoped3A = tpu.sem_alloc : memref<!tpu.dma_semaphore, #tpu.memory_space<semaphore_mem>>
      %dma_start3A = arith.constant 0 : i32
      %dma_start3A_167 = tpu.memref_slice %arg7[%add3A_142, %dma_start3A] : memref<12288x128xf32, #tpu.memory_space<hbm>> -> memref<128x128xf32, #tpu.memory_space<hbm>>
      %dma_start3A_168 = arith.constant 0 : i32
      %dma_start3A_169 = tpu.memref_slice %arg7[%add3A_142, %dma_start3A_168] : memref<12288x128xf32, #tpu.memory_space<hbm>> -> memref<128x128xf32, #tpu.memory_space<hbm>>
      tpu.enqueue_dma source(%arg13 : memref<128x128xf32, #tpu.memory_space<vmem>>) target(%dma_start3A_169 : memref<128x128xf32, #tpu.memory_space<hbm>>) target_semaphore(%run_scoped3A : memref<!tpu.dma_semaphore, #tpu.memory_space<semaphore_mem>>)
      %dma_wait3A = arith.constant 0 : i32
      %dma_wait3A_170 = tpu.memref_slice %arg7[%add3A_142, %dma_wait3A] : memref<12288x128xf32, #tpu.memory_space<hbm>> -> memref<128x128xf32, #tpu.memory_space<hbm>>
      %dma_wait3A_171 = arith.constant 0 : i32
      %dma_wait3A_172 = tpu.memref_slice %arg7[%add3A_142, %dma_wait3A_171] : memref<12288x128xf32, #tpu.memory_space<hbm>> -> memref<128x128xf32, #tpu.memory_space<hbm>>
      tpu.wait_dma2 semaphore(%run_scoped3A : memref<!tpu.dma_semaphore, #tpu.memory_space<semaphore_mem>>) src(%arg13 : memref<128x128xf32, #tpu.memory_space<vmem>>) dst(%dma_wait3A_172 : memref<128x128xf32, #tpu.memory_space<hbm>>)
      tpu.yield
    }) : () -> ()
    %mul3A_143 = arith.constant 384 : i32
    %mul3A_144 = arith.muli %arg1, %mul3A_143 : i32
    %add3A_145 = arith.constant 128 : i32
    %add3A_146 = arith.addi %mul3A_144, %add3A_145 : i32
    "tpu.region"() ({
      %run_scoped3A = tpu.sem_alloc : memref<!tpu.dma_semaphore, #tpu.memory_space<semaphore_mem>>
      %dma_start3A = arith.constant 0 : i32
      %dma_start3A_167 = tpu.memref_slice %arg17[%add3A_146, %dma_start3A] : memref<6144x128xf32, #tpu.memory_space<vmem_shared>> -> memref<128x128xf32, #tpu.memory_space<vmem_shared>>
      %dma_start3A_168 = arith.constant 0 : i32
      %dma_start3A_169 = tpu.memref_slice %arg17[%add3A_146, %dma_start3A_168] : memref<6144x128xf32, #tpu.memory_space<vmem_shared>> -> memref<128x128xf32, #tpu.memory_space<vmem_shared>>
      tpu.enqueue_dma source(%dma_start3A_169 : memref<128x128xf32, #tpu.memory_space<vmem_shared>>) target(%arg13 : memref<128x128xf32, #tpu.memory_space<vmem>>) target_semaphore(%run_scoped3A : memref<!tpu.dma_semaphore, #tpu.memory_space<semaphore_mem>>)
      %dma_wait3A = arith.constant 0 : i32
      %dma_wait3A_170 = tpu.memref_slice %arg17[%add3A_146, %dma_wait3A] : memref<6144x128xf32, #tpu.memory_space<vmem_shared>> -> memref<128x128xf32, #tpu.memory_space<vmem_shared>>
      %dma_wait3A_171 = arith.constant 0 : i32
      %dma_wait3A_172 = tpu.memref_slice %arg17[%add3A_146, %dma_wait3A_171] : memref<6144x128xf32, #tpu.memory_space<vmem_shared>> -> memref<128x128xf32, #tpu.memory_space<vmem_shared>>
      tpu.wait_dma2 semaphore(%run_scoped3A : memref<!tpu.dma_semaphore, #tpu.memory_space<semaphore_mem>>) src(%dma_wait3A_172 : memref<128x128xf32, #tpu.memory_space<vmem_shared>>) dst(%arg13 : memref<128x128xf32, #tpu.memory_space<vmem>>)
      tpu.yield
    }) : () -> ()
    %mul3A_147 = arith.constant 6144 : i32
    %mul3A_148 = arith.muli %arg0, %mul3A_147 : i32
    %mul3A_149 = arith.constant 384 : i32
    %mul3A_150 = arith.muli %arg1, %mul3A_149 : i32
    %add3A_151 = arith.addi %mul3A_148, %mul3A_150 : i32
    %add3A_152 = arith.constant 128 : i32
    %add3A_153 = arith.addi %add3A_151, %add3A_152 : i32
    "tpu.region"() ({
      %run_scoped3A = tpu.sem_alloc : memref<!tpu.dma_semaphore, #tpu.memory_space<semaphore_mem>>
      %dma_start3A = arith.constant 0 : i32
      %dma_start3A_167 = tpu.memref_slice %arg7[%add3A_153, %dma_start3A] : memref<12288x128xf32, #tpu.memory_space<hbm>> -> memref<128x128xf32, #tpu.memory_space<hbm>>
      %dma_start3A_168 = arith.constant 0 : i32
      %dma_start3A_169 = tpu.memref_slice %arg7[%add3A_153, %dma_start3A_168] : memref<12288x128xf32, #tpu.memory_space<hbm>> -> memref<128x128xf32, #tpu.memory_space<hbm>>
      tpu.enqueue_dma source(%arg13 : memref<128x128xf32, #tpu.memory_space<vmem>>) target(%dma_start3A_169 : memref<128x128xf32, #tpu.memory_space<hbm>>) target_semaphore(%run_scoped3A : memref<!tpu.dma_semaphore, #tpu.memory_space<semaphore_mem>>)
      %dma_wait3A = arith.constant 0 : i32
      %dma_wait3A_170 = tpu.memref_slice %arg7[%add3A_153, %dma_wait3A] : memref<12288x128xf32, #tpu.memory_space<hbm>> -> memref<128x128xf32, #tpu.memory_space<hbm>>
      %dma_wait3A_171 = arith.constant 0 : i32
      %dma_wait3A_172 = tpu.memref_slice %arg7[%add3A_153, %dma_wait3A_171] : memref<12288x128xf32, #tpu.memory_space<hbm>> -> memref<128x128xf32, #tpu.memory_space<hbm>>
      tpu.wait_dma2 semaphore(%run_scoped3A : memref<!tpu.dma_semaphore, #tpu.memory_space<semaphore_mem>>) src(%arg13 : memref<128x128xf32, #tpu.memory_space<vmem>>) dst(%dma_wait3A_172 : memref<128x128xf32, #tpu.memory_space<hbm>>)
      tpu.yield
    }) : () -> ()
    %mul3A_154 = arith.constant 384 : i32
    %mul3A_155 = arith.muli %arg1, %mul3A_154 : i32
    %add3A_156 = arith.constant 256 : i32
    %add3A_157 = arith.addi %mul3A_155, %add3A_156 : i32
    "tpu.region"() ({
      %run_scoped3A = tpu.sem_alloc : memref<!tpu.dma_semaphore, #tpu.memory_space<semaphore_mem>>
      %dma_start3A = arith.constant 0 : i32
      %dma_start3A_167 = tpu.memref_slice %arg17[%add3A_157, %dma_start3A] : memref<6144x128xf32, #tpu.memory_space<vmem_shared>> -> memref<128x128xf32, #tpu.memory_space<vmem_shared>>
      %dma_start3A_168 = arith.constant 0 : i32
      %dma_start3A_169 = tpu.memref_slice %arg17[%add3A_157, %dma_start3A_168] : memref<6144x128xf32, #tpu.memory_space<vmem_shared>> -> memref<128x128xf32, #tpu.memory_space<vmem_shared>>
      tpu.enqueue_dma source(%dma_start3A_169 : memref<128x128xf32, #tpu.memory_space<vmem_shared>>) target(%arg13 : memref<128x128xf32, #tpu.memory_space<vmem>>) target_semaphore(%run_scoped3A : memref<!tpu.dma_semaphore, #tpu.memory_space<semaphore_mem>>)
      %dma_wait3A = arith.constant 0 : i32
      %dma_wait3A_170 = tpu.memref_slice %arg17[%add3A_157, %dma_wait3A] : memref<6144x128xf32, #tpu.memory_space<vmem_shared>> -> memref<128x128xf32, #tpu.memory_space<vmem_shared>>
      %dma_wait3A_171 = arith.constant 0 : i32
      %dma_wait3A_172 = tpu.memref_slice %arg17[%add3A_157, %dma_wait3A_171] : memref<6144x128xf32, #tpu.memory_space<vmem_shared>> -> memref<128x128xf32, #tpu.memory_space<vmem_shared>>
      tpu.wait_dma2 semaphore(%run_scoped3A : memref<!tpu.dma_semaphore, #tpu.memory_space<semaphore_mem>>) src(%dma_wait3A_172 : memref<128x128xf32, #tpu.memory_space<vmem_shared>>) dst(%arg13 : memref<128x128xf32, #tpu.memory_space<vmem>>)
      tpu.yield
    }) : () -> ()
    %mul3A_158 = arith.constant 6144 : i32
    %mul3A_159 = arith.muli %arg0, %mul3A_158 : i32
    %mul3A_160 = arith.constant 384 : i32
    %mul3A_161 = arith.muli %arg1, %mul3A_160 : i32
    %add3A_162 = arith.addi %mul3A_159, %mul3A_161 : i32
    %add3A_163 = arith.constant 256 : i32
    %add3A_164 = arith.addi %add3A_162, %add3A_163 : i32
    "tpu.region"() ({
      %run_scoped3A = tpu.sem_alloc : memref<!tpu.dma_semaphore, #tpu.memory_space<semaphore_mem>>
      %dma_start3A = arith.constant 0 : i32
      %dma_start3A_167 = tpu.memref_slice %arg7[%add3A_164, %dma_start3A] : memref<12288x128xf32, #tpu.memory_space<hbm>> -> memref<128x128xf32, #tpu.memory_space<hbm>>
      %dma_start3A_168 = arith.constant 0 : i32
      %dma_start3A_169 = tpu.memref_slice %arg7[%add3A_164, %dma_start3A_168] : memref<12288x128xf32, #tpu.memory_space<hbm>> -> memref<128x128xf32, #tpu.memory_space<hbm>>
      tpu.enqueue_dma source(%arg13 : memref<128x128xf32, #tpu.memory_space<vmem>>) target(%dma_start3A_169 : memref<128x128xf32, #tpu.memory_space<hbm>>) target_semaphore(%run_scoped3A : memref<!tpu.dma_semaphore, #tpu.memory_space<semaphore_mem>>)
      %dma_wait3A = arith.constant 0 : i32
      %dma_wait3A_170 = tpu.memref_slice %arg7[%add3A_164, %dma_wait3A] : memref<12288x128xf32, #tpu.memory_space<hbm>> -> memref<128x128xf32, #tpu.memory_space<hbm>>
      %dma_wait3A_171 = arith.constant 0 : i32
      %dma_wait3A_172 = tpu.memref_slice %arg7[%add3A_164, %dma_wait3A_171] : memref<12288x128xf32, #tpu.memory_space<hbm>> -> memref<128x128xf32, #tpu.memory_space<hbm>>
      tpu.wait_dma2 semaphore(%run_scoped3A : memref<!tpu.dma_semaphore, #tpu.memory_space<semaphore_mem>>) src(%arg13 : memref<128x128xf32, #tpu.memory_space<vmem>>) dst(%dma_wait3A_172 : memref<128x128xf32, #tpu.memory_space<hbm>>)
      tpu.yield
    }) : () -> ()
    %mul3A_165 = arith.constant 16 : i32
    %mul3A_166 = arith.muli %arg1, %mul3A_165 : i32
    "tpu.region"() ({
      %run_scoped3A = tpu.sem_alloc : memref<!tpu.dma_semaphore, #tpu.memory_space<semaphore_mem>>
      %dma_start3A = arith.constant 0 : i32
      %dma_start3A_167 = arith.constant 0 : i32
      %dma_start3A_168 = tpu.memref_slice %arg13[%dma_start3A, %dma_start3A_167] : memref<128x128xf32, #tpu.memory_space<vmem>> -> memref<16x128xf32, #tpu.memory_space<vmem>>
      %dma_start3A_169 = arith.constant 0 : i32
      %dma_start3A_170 = tpu.memref_slice %arg18[%mul3A_166, %dma_start3A_169] : memref<256x128xf32, #tpu.memory_space<vmem_shared>> -> memref<16x128xf32, #tpu.memory_space<vmem_shared>>
      %dma_start3A_171 = arith.constant 0 : i32
      %dma_start3A_172 = arith.constant 0 : i32
      %dma_start3A_173 = tpu.memref_slice %arg13[%dma_start3A_171, %dma_start3A_172] : memref<128x128xf32, #tpu.memory_space<vmem>> -> memref<16x128xf32, #tpu.memory_space<vmem>>
      %dma_start3A_174 = arith.constant 0 : i32
      %dma_start3A_175 = tpu.memref_slice %arg18[%mul3A_166, %dma_start3A_174] : memref<256x128xf32, #tpu.memory_space<vmem_shared>> -> memref<16x128xf32, #tpu.memory_space<vmem_shared>>
      tpu.enqueue_dma source(%dma_start3A_175 : memref<16x128xf32, #tpu.memory_space<vmem_shared>>) target(%dma_start3A_173 : memref<16x128xf32, #tpu.memory_space<vmem>>) target_semaphore(%run_scoped3A : memref<!tpu.dma_semaphore, #tpu.memory_space<semaphore_mem>>)
      %dma_wait3A = arith.constant 0 : i32
      %dma_wait3A_176 = arith.constant 0 : i32
      %dma_wait3A_177 = tpu.memref_slice %arg13[%dma_wait3A, %dma_wait3A_176] : memref<128x128xf32, #tpu.memory_space<vmem>> -> memref<16x128xf32, #tpu.memory_space<vmem>>
      %dma_wait3A_178 = arith.constant 0 : i32
      %dma_wait3A_179 = tpu.memref_slice %arg18[%mul3A_166, %dma_wait3A_178] : memref<256x128xf32, #tpu.memory_space<vmem_shared>> -> memref<16x128xf32, #tpu.memory_space<vmem_shared>>
      %dma_wait3A_180 = arith.constant 0 : i32
      %dma_wait3A_181 = arith.constant 0 : i32
      %dma_wait3A_182 = tpu.memref_slice %arg13[%dma_wait3A_180, %dma_wait3A_181] : memref<128x128xf32, #tpu.memory_space<vmem>> -> memref<16x128xf32, #tpu.memory_space<vmem>>
      %dma_wait3A_183 = arith.constant 0 : i32
      %dma_wait3A_184 = tpu.memref_slice %arg18[%mul3A_166, %dma_wait3A_183] : memref<256x128xf32, #tpu.memory_space<vmem_shared>> -> memref<16x128xf32, #tpu.memory_space<vmem_shared>>
      tpu.wait_dma2 semaphore(%run_scoped3A : memref<!tpu.dma_semaphore, #tpu.memory_space<semaphore_mem>>) src(%dma_wait3A_184 : memref<16x128xf32, #tpu.memory_space<vmem_shared>>) dst(%dma_wait3A_182 : memref<16x128xf32, #tpu.memory_space<vmem>>)
      tpu.yield
    }) : () -> ()
    "tpu.region"() ({
      %run_scoped3A = tpu.sem_alloc : memref<!tpu.dma_semaphore, #tpu.memory_space<semaphore_mem>>
      %dma_start3A = arith.constant 0 : i32
      %dma_start3A_167 = arith.constant 0 : i32
      %dma_start3A_168 = tpu.memref_slice %arg13[%dma_start3A, %dma_start3A_167] : memref<128x128xf32, #tpu.memory_space<vmem>> -> memref<16x128xf32, #tpu.memory_space<vmem>>
      %dma_start3A_169 = arith.constant 0 : i32
      %dma_start3A_170 = tpu.memref_slice %arg8[%arg0, %mul3A_166, %dma_start3A_169] : memref<2x256x128xf32, #tpu.memory_space<hbm>> -> memref<1x16x128xf32, #tpu.memory_space<hbm>>
      %dma_start3A_171 = tpu.memref_squeeze %dma_start3A_170 : memref<1x16x128xf32, #tpu.memory_space<hbm>> -> memref<16x128xf32, #tpu.memory_space<hbm>>
      %dma_start3A_172 = arith.constant 0 : i32
      %dma_start3A_173 = tpu.memref_slice %arg8[%arg0, %mul3A_166, %dma_start3A_172] : memref<2x256x128xf32, #tpu.memory_space<hbm>> -> memref<1x16x128xf32, #tpu.memory_space<hbm>>
      %dma_start3A_174 = tpu.memref_squeeze %dma_start3A_173 : memref<1x16x128xf32, #tpu.memory_space<hbm>> -> memref<16x128xf32, #tpu.memory_space<hbm>>
      %dma_start3A_175 = arith.constant 0 : i32
      %dma_start3A_176 = arith.constant 0 : i32
      %dma_start3A_177 = tpu.memref_slice %arg13[%dma_start3A_175, %dma_start3A_176] : memref<128x128xf32, #tpu.memory_space<vmem>> -> memref<16x128xf32, #tpu.memory_space<vmem>>
      tpu.enqueue_dma source(%dma_start3A_177 : memref<16x128xf32, #tpu.memory_space<vmem>>) target(%dma_start3A_174 : memref<16x128xf32, #tpu.memory_space<hbm>>) target_semaphore(%run_scoped3A : memref<!tpu.dma_semaphore, #tpu.memory_space<semaphore_mem>>)
      %dma_wait3A = arith.constant 0 : i32
      %dma_wait3A_178 = arith.constant 0 : i32
      %dma_wait3A_179 = tpu.memref_slice %arg13[%dma_wait3A, %dma_wait3A_178] : memref<128x128xf32, #tpu.memory_space<vmem>> -> memref<16x128xf32, #tpu.memory_space<vmem>>
      %dma_wait3A_180 = arith.constant 0 : i32
      %dma_wait3A_181 = tpu.memref_slice %arg8[%arg0, %mul3A_166, %dma_wait3A_180] : memref<2x256x128xf32, #tpu.memory_space<hbm>> -> memref<1x16x128xf32, #tpu.memory_space<hbm>>
      %dma_wait3A_182 = tpu.memref_squeeze %dma_wait3A_181 : memref<1x16x128xf32, #tpu.memory_space<hbm>> -> memref<16x128xf32, #tpu.memory_space<hbm>>
      %dma_wait3A_183 = arith.constant 0 : i32
      %dma_wait3A_184 = tpu.memref_slice %arg8[%arg0, %mul3A_166, %dma_wait3A_183] : memref<2x256x128xf32, #tpu.memory_space<hbm>> -> memref<1x16x128xf32, #tpu.memory_space<hbm>>
      %dma_wait3A_185 = tpu.memref_squeeze %dma_wait3A_184 : memref<1x16x128xf32, #tpu.memory_space<hbm>> -> memref<16x128xf32, #tpu.memory_space<hbm>>
      %dma_wait3A_186 = arith.constant 0 : i32
      %dma_wait3A_187 = arith.constant 0 : i32
      %dma_wait3A_188 = tpu.memref_slice %arg13[%dma_wait3A_186, %dma_wait3A_187] : memref<128x128xf32, #tpu.memory_space<vmem>> -> memref<16x128xf32, #tpu.memory_space<vmem>>
      tpu.wait_dma2 semaphore(%run_scoped3A : memref<!tpu.dma_semaphore, #tpu.memory_space<semaphore_mem>>) src(%dma_wait3A_188 : memref<16x128xf32, #tpu.memory_space<vmem>>) dst(%dma_wait3A_185 : memref<16x128xf32, #tpu.memory_space<hbm>>)
      tpu.yield
    }) : () -> ()
    return
  }
}

module attributes {stable_mosaic.version = 14 : i64} {
  func.func @_mm1_body(%arg0: i32, %arg1: memref<1000x256xf32, #tpu.memory_space<vmem>>, %arg2: memref<256x128xf32, #tpu.memory_space<vmem>>, %arg3: memref<1x128xf32, #tpu.memory_space<vmem>>, %arg4: memref<256x128xf32, #tpu.memory_space<vmem>>, %arg5: memref<1x128xf32, #tpu.memory_space<vmem>>, %arg6: memref<1000x128xf32, #tpu.memory_space<vmem>>, %arg7: memref<1000x128xf32, #tpu.memory_space<vmem>>) attributes {dimension_semantics = [#tpu.dimension_semantics<arbitrary>], iteration_bounds = array<i64: 10>, scalar_prefetch = 0 : i64, scratch_operands = 0 : i64, tpu.core_type = #tpu.core_type<tc>, window_params = [{transform_indices = @transform_0, window_bounds = array<i64: 1000, 256>}, {pipeline_mode = #tpu.pipeline_mode<synchronous>, transform_indices = @transform_1, window_bounds = array<i64: 256, 128>}, {pipeline_mode = #tpu.pipeline_mode<synchronous>, transform_indices = @transform_2, window_bounds = array<i64: 1, 128>}, {pipeline_mode = #tpu.pipeline_mode<synchronous>, transform_indices = @transform_3, window_bounds = array<i64: 256, 128>}, {pipeline_mode = #tpu.pipeline_mode<synchronous>, transform_indices = @transform_4, window_bounds = array<i64: 1, 128>}, {transform_indices = @transform_5, window_bounds = array<i64: 1000, 128>}, {transform_indices = @transform_6, window_bounds = array<i64: 1000, 128>}]} {
    %get3A = arith.constant 0 : index
    %get3A_0 = arith.constant 0 : index
    %get3A_1 = vector.load %arg1[%get3A, %get3A_0] : memref<1000x256xf32, #tpu.memory_space<vmem>>, vector<1000x256xf32>
    %get3A_2 = arith.constant 0 : index
    %get3A_3 = arith.constant 0 : index
    %get3A_4 = vector.load %arg2[%get3A_2, %get3A_3] : memref<256x128xf32, #tpu.memory_space<vmem>>, vector<256x128xf32>
    %dot_general3A = arith.constant dense<0.000000e+00> : vector<1000x128xf32>
    %dot_general3A_5 = tpu.matmul %get3A_1, %get3A_4, %dot_general3A {dimension_numbers = #tpu.dot_dimension_numbers<[1], [0], [0], [1], [0, 0, 1, 1], [], []>, transpose_lhs_hint = false} : vector<1000x256xf32>, vector<256x128xf32>, vector<1000x128xf32> -> vector<1000x128xf32>
    %get3A_6 = arith.constant 0 : index
    %get3A_7 = arith.constant 0 : index
    %get3A_8 = vector.load %arg3[%get3A_6, %get3A_7] : memref<1x128xf32, #tpu.memory_space<vmem>>, vector<1x128xf32>
    %add3A = vector.broadcast %get3A_8 : vector<1x128xf32> to vector<1000x128xf32>
    %add3A_9 = arith.addf %dot_general3A_5, %add3A : vector<1000x128xf32>
    %swap3A = arith.constant 0 : index
    %swap3A_10 = arith.constant 0 : index
    %swap3A_11 = vector.load %arg6[%swap3A, %swap3A_10] : memref<1000x128xf32, #tpu.memory_space<vmem>>, vector<1000x128xf32>
    tpu.vector_store %arg6[%swap3A, %swap3A_10], %add3A_9 {strides = array<i32>} : memref<1000x128xf32, #tpu.memory_space<vmem>>, vector<1000x128xf32>,
    %get3A_12 = arith.constant 0 : index
    %get3A_13 = arith.constant 0 : index
    %get3A_14 = vector.load %arg4[%get3A_12, %get3A_13] : memref<256x128xf32, #tpu.memory_space<vmem>>, vector<256x128xf32>
    %dot_general3A_15 = arith.constant dense<0.000000e+00> : vector<1000x128xf32>
    %dot_general3A_16 = tpu.matmul %get3A_1, %get3A_14, %dot_general3A_15 {dimension_numbers = #tpu.dot_dimension_numbers<[1], [0], [0], [1], [0, 0, 1, 1], [], []>, transpose_lhs_hint = false} : vector<1000x256xf32>, vector<256x128xf32>, vector<1000x128xf32> -> vector<1000x128xf32>
    %get3A_17 = arith.constant 0 : index
    %get3A_18 = arith.constant 0 : index
    %get3A_19 = vector.load %arg5[%get3A_17, %get3A_18] : memref<1x128xf32, #tpu.memory_space<vmem>>, vector<1x128xf32>
    %add3A_20 = vector.broadcast %get3A_19 : vector<1x128xf32> to vector<1000x128xf32>
    %add3A_21 = arith.addf %dot_general3A_16, %add3A_20 : vector<1000x128xf32>
    %swap3A_22 = arith.constant 0 : index
    %swap3A_23 = arith.constant 0 : index
    %swap3A_24 = vector.load %arg7[%swap3A_22, %swap3A_23] : memref<1000x128xf32, #tpu.memory_space<vmem>>, vector<1000x128xf32>
    tpu.vector_store %arg7[%swap3A_22, %swap3A_23], %add3A_21 {strides = array<i32>} : memref<1000x128xf32, #tpu.memory_space<vmem>>, vector<1000x128xf32>,
    return
  }
  func.func @transform_0(%arg0: i32) -> (i32, i32) {
    %c0_i32 = arith.constant 0 : i32
    %c0_i32_0 = arith.constant 0 : i32
    return %arg0, %c0_i32 : i32, i32
  }
  func.func @transform_1(%arg0: i32) -> (i32, i32) {
    %c0_i32 = arith.constant 0 : i32
    %c0_i32_0 = arith.constant 0 : i32
    %c0_i32_1 = arith.constant 0 : i32
    return %c0_i32, %c0_i32_0 : i32, i32
  }
  func.func @transform_2(%arg0: i32) -> (i32, i32) {
    %c0_i32 = arith.constant 0 : i32
    %c0_i32_0 = arith.constant 0 : i32
    %c0_i32_1 = arith.constant 0 : i32
    return %c0_i32, %c0_i32_0 : i32, i32
  }
  func.func @transform_3(%arg0: i32) -> (i32, i32) {
    %c0_i32 = arith.constant 0 : i32
    %c0_i32_0 = arith.constant 0 : i32
    %c0_i32_1 = arith.constant 0 : i32
    return %c0_i32, %c0_i32_0 : i32, i32
  }
  func.func @transform_4(%arg0: i32) -> (i32, i32) {
    %c0_i32 = arith.constant 0 : i32
    %c0_i32_0 = arith.constant 0 : i32
    %c0_i32_1 = arith.constant 0 : i32
    return %c0_i32, %c0_i32_0 : i32, i32
  }
  func.func @transform_5(%arg0: i32) -> (i32, i32) {
    %c0_i32 = arith.constant 0 : i32
    %c0_i32_0 = arith.constant 0 : i32
    return %arg0, %c0_i32 : i32, i32
  }
  func.func @transform_6(%arg0: i32) -> (i32, i32) {
    %c0_i32 = arith.constant 0 : i32
    %c0_i32_0 = arith.constant 0 : i32
    return %arg0, %c0_i32 : i32, i32
  }
}

module attributes {stable_mosaic.version = 14 : i64} {
  func.func @_mid_body(%arg0: i32, %arg1: memref<1000x128xf32, #tpu.memory_space<vmem>>, %arg2: memref<1000x4xf32, #tpu.memory_space<vmem>>, %arg3: memref<4x128xf32, #tpu.memory_space<vmem>>, %arg4: memref<1x128xf32, #tpu.memory_space<vmem>>, %arg5: memref<128x1xf32, #tpu.memory_space<vmem>>, %arg6: memref<1x1xf32, #tpu.memory_space<vmem>>, %arg7: memref<128x1xf32, #tpu.memory_space<vmem>>, %arg8: memref<1x1xf32, #tpu.memory_space<vmem>>, %arg9: memref<1000x1xf32, #tpu.memory_space<vmem>>, %arg10: memref<1000x1xf32, #tpu.memory_space<vmem>>) attributes {dimension_semantics = [#tpu.dimension_semantics<arbitrary>], iteration_bounds = array<i64: 10>, scalar_prefetch = 0 : i64, scratch_operands = 0 : i64, tpu.core_type = #tpu.core_type<tc>, window_params = [{transform_indices = @transform_0, window_bounds = array<i64: 1000, 128>}, {transform_indices = @transform_1, window_bounds = array<i64: 1000, 4>}, {pipeline_mode = #tpu.pipeline_mode<synchronous>, transform_indices = @transform_2, window_bounds = array<i64: 4, 128>}, {pipeline_mode = #tpu.pipeline_mode<synchronous>, transform_indices = @transform_3, window_bounds = array<i64: 1, 128>}, {pipeline_mode = #tpu.pipeline_mode<synchronous>, transform_indices = @transform_4, window_bounds = array<i64: 128, 1>}, {pipeline_mode = #tpu.pipeline_mode<synchronous>, transform_indices = @transform_5, window_bounds = array<i64: 1, 1>}, {pipeline_mode = #tpu.pipeline_mode<synchronous>, transform_indices = @transform_6, window_bounds = array<i64: 128, 1>}, {pipeline_mode = #tpu.pipeline_mode<synchronous>, transform_indices = @transform_7, window_bounds = array<i64: 1, 1>}, {transform_indices = @transform_8, window_bounds = array<i64: 1000, 1>}, {transform_indices = @transform_9, window_bounds = array<i64: 1000, 1>}]} {
    %get3A = arith.constant 0 : index
    %get3A_0 = arith.constant 0 : index
    %get3A_1 = vector.load %arg1[%get3A, %get3A_0] : memref<1000x128xf32, #tpu.memory_space<vmem>>, vector<1000x128xf32>
    %get3A_2 = arith.constant 0 : index
    %get3A_3 = arith.constant 0 : index
    %get3A_4 = vector.load %arg2[%get3A_2, %get3A_3] : memref<1000x4xf32, #tpu.memory_space<vmem>>, vector<1000x4xf32>
    %get3A_5 = arith.constant 0 : index
    %get3A_6 = arith.constant 0 : index
    %get3A_7 = vector.load %arg3[%get3A_5, %get3A_6] : memref<4x128xf32, #tpu.memory_space<vmem>>, vector<4x128xf32>
    %dot_general3A = arith.constant dense<0.000000e+00> : vector<1000x128xf32>
    %dot_general3A_8 = tpu.matmul %get3A_4, %get3A_7, %dot_general3A {dimension_numbers = #tpu.dot_dimension_numbers<[1], [0], [0], [1], [0, 0, 1, 1], [], []>, transpose_lhs_hint = false} : vector<1000x4xf32>, vector<4x128xf32>, vector<1000x128xf32> -> vector<1000x128xf32>
    %add3A = arith.constant 1.000000e-16 : f32
    %add3A_9 = vector.broadcast %add3A : f32 to vector<1000x128xf32>
    %add3A_10 = arith.addf %dot_general3A_8, %add3A_9 : vector<1000x128xf32>
    %div3A = arith.divf %get3A_1, %add3A_10 : vector<1000x128xf32>
    %get3A_11 = arith.constant 0 : index
    %get3A_12 = arith.constant 0 : index
    %get3A_13 = vector.load %arg4[%get3A_11, %get3A_12] : memref<1x128xf32, #tpu.memory_space<vmem>>, vector<1x128xf32>
    %add3A_14 = vector.broadcast %get3A_13 : vector<1x128xf32> to vector<1000x128xf32>
    %add3A_15 = arith.addf %div3A, %add3A_14 : vector<1000x128xf32>
    %gt3A = arith.constant 0.000000e+00 : f32
    %gt3A_16 = vector.broadcast %gt3A : f32 to vector<1000x128xf32>
    %gt3A_17 = arith.cmpf ogt, %add3A_15, %gt3A_16 : vector<1000x128xf32>
    %min3A = arith.constant 0.000000e+00 : f32
    %min3A_18 = vector.broadcast %min3A : f32 to vector<1000x128xf32>
    %min3A_19 = arith.minimumf %add3A_15, %min3A_18 : vector<1000x128xf32>
    %exp3A = math.exp %min3A_19 : vector<1000x128xf32>
    %sub3A = arith.constant 1.000000e+00 : f32
    %sub3A_20 = vector.broadcast %sub3A : f32 to vector<1000x128xf32>
    %sub3A_21 = arith.subf %exp3A, %sub3A_20 : vector<1000x128xf32>
    %select_n3A = arith.select %gt3A_17, %add3A_15, %sub3A_21 : vector<1000x128xi1>, vector<1000x128xf32>
    %get3A_22 = arith.constant 0 : index
    %get3A_23 = arith.constant 0 : index
    %get3A_24 = vector.load %arg5[%get3A_22, %get3A_23] : memref<128x1xf32, #tpu.memory_space<vmem>>, vector<128x1xf32>
    %dot_general3A_25 = arith.constant dense<0.000000e+00> : vector<1000x1xf32>
    %dot_general3A_26 = tpu.matmul %select_n3A, %get3A_24, %dot_general3A_25 {dimension_numbers = #tpu.dot_dimension_numbers<[1], [0], [0], [1], [0, 0, 1, 1], [], []>, transpose_lhs_hint = false} : vector<1000x128xf32>, vector<128x1xf32>, vector<1000x1xf32> -> vector<1000x1xf32>
    %get3A_27 = arith.constant 0 : index
    %get3A_28 = arith.constant 0 : index
    %get3A_29 = vector.load %arg6[%get3A_27, %get3A_28] : memref<1x1xf32, #tpu.memory_space<vmem>>, vector<1x1xf32>
    %add3A_30 = vector.broadcast %get3A_29 : vector<1x1xf32> to vector<1000x1xf32>
    %add3A_31 = arith.addf %dot_general3A_26, %add3A_30 : vector<1000x1xf32>
    %swap3A = arith.constant 0 : index
    %swap3A_32 = arith.constant 0 : index
    %swap3A_33 = vector.load %arg9[%swap3A, %swap3A_32] : memref<1000x1xf32, #tpu.memory_space<vmem>>, vector<1000x1xf32>
    tpu.vector_store %arg9[%swap3A, %swap3A_32], %add3A_31 {strides = array<i32>} : memref<1000x1xf32, #tpu.memory_space<vmem>>, vector<1000x1xf32>,
    %get3A_34 = arith.constant 0 : index
    %get3A_35 = arith.constant 0 : index
    %get3A_36 = vector.load %arg7[%get3A_34, %get3A_35] : memref<128x1xf32, #tpu.memory_space<vmem>>, vector<128x1xf32>
    %dot_general3A_37 = arith.constant dense<0.000000e+00> : vector<1000x1xf32>
    %dot_general3A_38 = tpu.matmul %select_n3A, %get3A_36, %dot_general3A_37 {dimension_numbers = #tpu.dot_dimension_numbers<[1], [0], [0], [1], [0, 0, 1, 1], [], []>, transpose_lhs_hint = false} : vector<1000x128xf32>, vector<128x1xf32>, vector<1000x1xf32> -> vector<1000x1xf32>
    %get3A_39 = arith.constant 0 : index
    %get3A_40 = arith.constant 0 : index
    %get3A_41 = vector.load %arg8[%get3A_39, %get3A_40] : memref<1x1xf32, #tpu.memory_space<vmem>>, vector<1x1xf32>
    %add3A_42 = vector.broadcast %get3A_41 : vector<1x1xf32> to vector<1000x1xf32>
    %add3A_43 = arith.addf %dot_general3A_38, %add3A_42 : vector<1000x1xf32>
    %swap3A_44 = arith.constant 0 : index
    %swap3A_45 = arith.constant 0 : index
    %swap3A_46 = vector.load %arg10[%swap3A_44, %swap3A_45] : memref<1000x1xf32, #tpu.memory_space<vmem>>, vector<1000x1xf32>
    tpu.vector_store %arg10[%swap3A_44, %swap3A_45], %add3A_43 {strides = array<i32>} : memref<1000x1xf32, #tpu.memory_space<vmem>>, vector<1000x1xf32>,
    return
  }
  func.func @transform_0(%arg0: i32) -> (i32, i32) {
    %c0_i32 = arith.constant 0 : i32
    %c0_i32_0 = arith.constant 0 : i32
    return %arg0, %c0_i32 : i32, i32
  }
  func.func @transform_1(%arg0: i32) -> (i32, i32) {
    %c0_i32 = arith.constant 0 : i32
    %c0_i32_0 = arith.constant 0 : i32
    return %arg0, %c0_i32 : i32, i32
  }
  func.func @transform_2(%arg0: i32) -> (i32, i32) {
    %c0_i32 = arith.constant 0 : i32
    %c0_i32_0 = arith.constant 0 : i32
    %c0_i32_1 = arith.constant 0 : i32
    return %c0_i32, %c0_i32_0 : i32, i32
  }
  func.func @transform_3(%arg0: i32) -> (i32, i32) {
    %c0_i32 = arith.constant 0 : i32
    %c0_i32_0 = arith.constant 0 : i32
    %c0_i32_1 = arith.constant 0 : i32
    return %c0_i32, %c0_i32_0 : i32, i32
  }
  func.func @transform_4(%arg0: i32) -> (i32, i32) {
    %c0_i32 = arith.constant 0 : i32
    %c0_i32_0 = arith.constant 0 : i32
    %c0_i32_1 = arith.constant 0 : i32
    return %c0_i32, %c0_i32_0 : i32, i32
  }
  func.func @transform_5(%arg0: i32) -> (i32, i32) {
    %c0_i32 = arith.constant 0 : i32
    %c0_i32_0 = arith.constant 0 : i32
    %c0_i32_1 = arith.constant 0 : i32
    return %c0_i32, %c0_i32_0 : i32, i32
  }
  func.func @transform_6(%arg0: i32) -> (i32, i32) {
    %c0_i32 = arith.constant 0 : i32
    %c0_i32_0 = arith.constant 0 : i32
    %c0_i32_1 = arith.constant 0 : i32
    return %c0_i32, %c0_i32_0 : i32, i32
  }
  func.func @transform_7(%arg0: i32) -> (i32, i32) {
    %c0_i32 = arith.constant 0 : i32
    %c0_i32_0 = arith.constant 0 : i32
    %c0_i32_1 = arith.constant 0 : i32
    return %c0_i32, %c0_i32_0 : i32, i32
  }
  func.func @transform_8(%arg0: i32) -> (i32, i32) {
    %c0_i32 = arith.constant 0 : i32
    %c0_i32_0 = arith.constant 0 : i32
    return %arg0, %c0_i32 : i32, i32
  }
  func.func @transform_9(%arg0: i32) -> (i32, i32) {
    %c0_i32 = arith.constant 0 : i32
    %c0_i32_0 = arith.constant 0 : i32
    return %arg0, %c0_i32 : i32, i32
  }
}

module attributes {stable_mosaic.version = 14 : i64} {
  func.func @_final_body(%arg0: i32, %arg1: memref<1000x4xf32, #tpu.memory_space<vmem>>, %arg2: memref<4x2xf32, #tpu.memory_space<vmem>>, %arg3: memref<1x1xf32, #tpu.memory_space<vmem>>, %arg4: memref<1000x1xf32, #tpu.memory_space<vmem>>) attributes {dimension_semantics = [#tpu.dimension_semantics<arbitrary>], iteration_bounds = array<i64: 10>, scalar_prefetch = 0 : i64, scratch_operands = 0 : i64, tpu.core_type = #tpu.core_type<tc>, window_params = [{transform_indices = @transform_0, window_bounds = array<i64: 1000, 4>}, {pipeline_mode = #tpu.pipeline_mode<synchronous>, transform_indices = @transform_1, window_bounds = array<i64: 4, 2>}, {pipeline_mode = #tpu.pipeline_mode<synchronous>, transform_indices = @transform_2, window_bounds = array<i64: 1, 1>}, {transform_indices = @transform_3, window_bounds = array<i64: 1000, 1>}]} {
    %get3A = arith.constant 0 : index
    %get3A_0 = arith.constant 0 : index
    %get3A_1 = vector.load %arg1[%get3A, %get3A_0] : memref<1000x4xf32, #tpu.memory_space<vmem>>, vector<1000x4xf32>
    %get3A_2 = arith.constant 0 : index
    %get3A_3 = arith.constant 0 : index
    %get3A_4 = vector.load %arg2[%get3A_2, %get3A_3] : memref<4x2xf32, #tpu.memory_space<vmem>>, vector<4x2xf32>
    %dot_general3A = arith.constant dense<0.000000e+00> : vector<1000x2xf32>
    %dot_general3A_5 = tpu.matmul %get3A_1, %get3A_4, %dot_general3A {dimension_numbers = #tpu.dot_dimension_numbers<[1], [0], [0], [1], [0, 0, 1, 1], [], []>, transpose_lhs_hint = false} : vector<1000x4xf32>, vector<4x2xf32>, vector<1000x2xf32> -> vector<1000x2xf32>
    %slice3A = vector.extract_strided_slice %dot_general3A_5 {offsets = [0, 0], sizes = [1000, 1], strides = [1, 1]} : vector<1000x2xf32> to vector<1000x1xf32>
    %slice3A_6 = vector.extract_strided_slice %dot_general3A_5 {offsets = [0, 1], sizes = [1000, 1], strides = [1, 1]} : vector<1000x2xf32> to vector<1000x1xf32>
    %add3A = arith.constant 1.000000e-16 : f32
    %add3A_7 = vector.broadcast %add3A : f32 to vector<1000x1xf32>
    %add3A_8 = arith.addf %slice3A_6, %add3A_7 : vector<1000x1xf32>
    %div3A = arith.divf %slice3A, %add3A_8 : vector<1000x1xf32>
    %get3A_9 = arith.constant 0 : index
    %get3A_10 = arith.constant 0 : index
    %get3A_11 = vector.load %arg3[%get3A_9, %get3A_10] : memref<1x1xf32, #tpu.memory_space<vmem>>, vector<1x1xf32>
    %add3A_12 = vector.broadcast %get3A_11 : vector<1x1xf32> to vector<1000x1xf32>
    %add3A_13 = arith.addf %div3A, %add3A_12 : vector<1000x1xf32>
    %swap3A = arith.constant 0 : index
    %swap3A_14 = arith.constant 0 : index
    %swap3A_15 = vector.load %arg4[%swap3A, %swap3A_14] : memref<1000x1xf32, #tpu.memory_space<vmem>>, vector<1000x1xf32>
    tpu.vector_store %arg4[%swap3A, %swap3A_14], %add3A_13 {strides = array<i32>} : memref<1000x1xf32, #tpu.memory_space<vmem>>, vector<1000x1xf32>,
    return
  }
  func.func @transform_0(%arg0: i32) -> (i32, i32) {
    %c0_i32 = arith.constant 0 : i32
    %c0_i32_0 = arith.constant 0 : i32
    return %arg0, %c0_i32 : i32, i32
  }
  func.func @transform_1(%arg0: i32) -> (i32, i32) {
    %c0_i32 = arith.constant 0 : i32
    %c0_i32_0 = arith.constant 0 : i32
    %c0_i32_1 = arith.constant 0 : i32
    return %c0_i32, %c0_i32_0 : i32, i32
  }
  func.func @transform_2(%arg0: i32) -> (i32, i32) {
    %c0_i32 = arith.constant 0 : i32
    %c0_i32_0 = arith.constant 0 : i32
    %c0_i32_1 = arith.constant 0 : i32
    return %c0_i32, %c0_i32_0 : i32, i32
  }
  func.func @transform_3(%arg0: i32) -> (i32, i32) {
    %c0_i32 = arith.constant 0 : i32
    %c0_i32_0 = arith.constant 0 : i32
    return %arg0, %c0_i32 : i32, i32
  }
}

</mosaic_0001>

<sc_bundles>
// kernel: kernel.10.cloned.1.call-start
scs
__scs_entry_jumppad:
0x0: {  	(pc) =	sbr.rel $0x88, $3  }
0x1: {  	(tag) =	ssettag $0x0;
	lr =	simm.s32 $0x1  }
0x2: {  	[smem:$0x3F93] =	sst lr;
	_ =	strace $0xD0000000  }
0x3: {  	_ = 	snop  }
0x4: {  	_ = 	snop  }
0x5: {  	_ = 	snop  }
0x6: {  	_ = 	snop  }
0x7: {  	_ = 	snop  }
__scs_overlays_trampoline_lowered:
0x8: {  	[smem:$0x3FA2] =	sst s0  }
0x9: {  	[smem:$0x3FA3] =	sst s1  }
0xa: {  	[smem:$0x3FA4] =	sst s2  }
0xb: {  	[smem:$0x3FA5] =	sst s3  }
0xc: {  	[smem:$0x3FA6] =	sst s4  }
0xd: {  	[smem:$0x3FA7] =	sst s5  }
0xe: {  	[smem:$0x3FA8] =	sst s6  }
0xf: {  	[smem:$0x3FA9] =	sst s7  }
0x10: {  	[smem:$0x3FAA] =	sst s8  }
0x11: {  	[smem:$0x3FAB] =	sst s9;
	s0 =	simm.s32 @!p0 $0x0  }
0x12: {  	s1 =	sld [smem:$0x3F91];
	s0 =	simm.s32 @p0 $0x1  }
0x13: {  	[smem:$0x3FAC] =	sst s0;
	s0 =	simm.s32 @!p1 $0x0  }
0x14: {  	s2 =	sld [smem:$0x3F90];
	s0 =	simm.s32 @p1 $0x1  }
0x15: {  	[smem:$0x3FAD] =	sst s0;
	s0 =	simm.s32 @!p2 $0x0  }
0x16: {  	s3 =	sld [smem:$0x3FDB];
	s0 =	simm.s32 @p2 $0x1  }
0x17: {  	s4 =	simm.s32 $0x1BF5;
	[smem:$0x3FAF] =	sst s0  }
0x18: {  	s0 =	sld [smem:$0x3F92];
	_ =	swait.ge [sflag:s4], $0x0  }
0x19: {  	s7 =	sld [smem:$0x3F93]  }
0x1a: {  	s8 =	sadd.s32 $0xFFFFE003, lr  }
0x1b: {  	s9 =	sadd.s32 $0xFFFFFEF7, lr;
	s5 =	simm.s32 $0xFFFFFFFF;
	p2 =	slt.u32 s8, $0xFFFFF086  }
0x1c: {  	p1 =	slt.u32 s9, $0xF7A;
	s5 =	simm.s32 @!p2 $0x0  }
0x1d: {  	s5 =	simm.s32 @p1 $0x1;
	p0 =	seq.s32 s7, s2  }
0x1e: {  	s7 =	smul.u32 @!p0 $0xF7A, s2;
	p2 =	seq.s32 @!p0 s5, $0x0  }
0x1f: {  	s9 =	smul.u32 $0xF7A, s1;
	s8 =	simm.s32 @!p0 $0x1BF5;
	p2 =	por !p2, p0  }
0x20: {  	[sflag:s8] =	ssyncset.s32 @!p0 $0xFFFFF086;
	s6 =	sadd.s32 @!p0 s3, s7;
	s7 =	simm.s32 @!p0 $0x108  }
0x21: {  	s3 =	sadd.s32 s3, s9;
	s6 =	sadd.s32 @!p0 $0x88, s6;
	s7 =	simm.s32 @p2 $0x1082  }
0x22: {  	[simem:s7], [sflag:s8] =	dma.local @!p0 [hbm:s6], $0xF7A  }
0x23: {  	s9 =	sor.u32 $0xD0000000, s2;
	s6 =	simm.s32 $0x108;
	_ =	swait.ge @!p0 [sflag:s8], $0x0  }
0x24: {  	s3 =	sadd.s32 $0x88, s3;
	s6 =	simm.s32 @!p1 $0x1082;
	[sflag:s4] =	ssyncset.s32 $0xFFFFF086  }
0x25: {  	[simem:s6], [sflag:s4] =	dma.local [hbm:s3], $0xF7A  }
0x26: {  	[smem:$0x3F93] =	sst s1;
	(tag) =	ssettag s2;
	_ =	strace s9  }
0x27: {  	s1 =	sld [smem:$0x3FA3]  }
0x28: {  	s2 =	sld [smem:$0x3FA4]  }
0x29: {  	s4 =	sld [smem:$0x3FA6]  }
0x2a: {  	p0 =	seq.s32 s5, $0x0;
	s5 =	sld [smem:$0x3FA7]  }
0x2b: {  	s6 =	sld [smem:$0x3FA8]  }
0x2c: {  	s7 =	sld [smem:$0x3FA9]  }
0x2d: {  	s3 =	simm.s32 $0x108;
	s8 =	sld [smem:$0x3FAA]  }
0x2e: {  	s3 =	simm.s32 @!p0 $0x1082;
	s9 =	sld [smem:$0x3FAB]  }
0x2f: {  	lr =	sadd.s32 s0, s3;
	s0 =	sld [smem:$0x3FA2]  }
0x30: {  	s3 =	sld [smem:$0x3FA5]  }
0x31: {  	[smem:$0x3FAE] =	sst s10  }
0x32: {  	s10 =	sld [smem:$0x3FAC];
	_ =	sdelay $0x3  }
0x33: {  	p0 =	seq.s32 s10, $0x1;
	s10 =	sld [smem:$0x3FAE];
	_ =	sdelay $0x3  }
0x34: {  	[smem:$0x3FAE] =	sst s10  }
0x35: {  	s10 =	sld [smem:$0x3FAD];
	_ =	sdelay $0x3  }
0x36: {  	p1 =	seq.s32 s10, $0x1;
	s10 =	sld [smem:$0x3FAE];
	_ =	sdelay $0x3  }
0x37: {  	[smem:$0x3FAE] =	sst s10  }
0x38: {  	s10 =	sld [smem:$0x3FAF]  }
0x39: {  	_ = 	snop;
	(pc) =	sbr.ind lr, $3  }
0x3a: {  	_ = 	snop  }
0x3b: {  	_ = 	snop  }
0x3c: {  	p2 =	seq.s32 s10, $0x1;
	s10 =	sld [smem:$0x3FAE]  }
0x3d: {  	_ =	shalt  }
0x3e: {  	_ =	shalt  }
0x3f: {  	_ =	shalt  }
0x40: {  	_ =	shalt  }
0x41: {  	_ =	shalt  }
0x42: {  	_ =	shalt  }
0x43: {  	_ =	shalt  }
0x44: {  	_ =	shalt  }
0x45: {  	_ =	shalt  }
0x46: {  	_ =	shalt  }
0x47: {  	_ =	shalt  }
0x48: {  	_ =	shalt  }
0x49: {  	_ =	shalt  }
0x4a: {  	_ =	shalt  }
0x4b: {  	_ =	shalt  }
0x4c: {  	_ =	shalt  }
0x4d: {  	_ =	shalt  }
0x4e: {  	_ =	shalt  }
0x4f: {  	_ =	shalt  }
0x50: {  	_ =	shalt  }
0x51: {  	_ =	shalt  }
0x52: {  	_ =	shalt  }
0x53: {  	_ =	shalt  }
0x54: {  	_ =	shalt  }
0x55: {  	_ =	shalt  }
0x56: {  	_ =	shalt  }
0x57: {  	_ =	shalt  }
0x58: {  	_ =	shalt  }
0x59: {  	_ =	shalt  }
0x5a: {  	_ =	shalt  }
0x5b: {  	_ =	shalt  }
0x5c: {  	_ =	shalt  }
0x5d: {  	_ =	shalt  }
0x5e: {  	_ =	shalt  }
0x5f: {  	_ =	shalt  }
0x60: {  	_ =	shalt  }
0x61: {  	_ =	shalt  }
0x62: {  	_ =	shalt  }
0x63: {  	_ =	shalt  }
0x64: {  	_ =	shalt  }
0x65: {  	_ =	shalt  }
0x66: {  	_ =	shalt  }
0x67: {  	_ =	shalt  }
0x68: {  	_ =	shalt  }
0x69: {  	_ =	shalt  }
0x6a: {  	_ =	shalt  }
0x6b: {  	_ =	shalt  }
0x6c: {  	_ =	shalt  }
0x6d: {  	_ =	shalt  }
0x6e: {  	_ =	shalt  }
0x6f: {  	_ =	shalt  }
0x70: {  	_ =	shalt  }
0x71: {  	_ =	shalt  }
0x72: {  	_ =	shalt  }
0x73: {  	_ =	shalt  }
0x74: {  	_ =	shalt  }
0x75: {  	_ =	shalt  }
0x76: {  	_ =	shalt  }
0x77: {  	_ =	shalt  }
0x78: {  	_ =	shalt  }
0x79: {  	_ =	shalt  }
0x7a: {  	_ =	shalt  }
0x7b: {  	_ =	shalt  }
0x7c: {  	_ =	shalt  }
0x7d: {  	_ =	shalt  }
0x7e: {  	_ =	shalt  }
0x7f: {  	_ =	shalt  }
0x80: {  	_ =	shalt  }
0x81: {  	_ =	shalt  }
0x82: {  	_ =	shalt  }
0x83: {  	_ =	shalt  }
0x84: {  	_ =	shalt  }
0x85: {  	_ =	shalt  }
0x86: {  	_ =	shalt  }
0x87: {  	_ =	shalt  }
.Lfunc_end0:
.L_simem_size_0:
called_computation.1_lowered:
.L_overlay_start_0:
0x88: {  	s2 =	sld [smem:$0x3FD9]  }
0x89: {  	s3 =	sld [smem:$0x3FFE];
	_ =	sdelay $0x1  }
0x8a: {  	s1 =	srdreg.scid  }
0x8b: {  	s0 =	sand.u32 $0x1, s1  }
0x8c: {  	s17 =	sshll.u32 s0, $0xA;
	s2 =	sadd.s32 s3, s2  }
0x8d: {  	s2 =	sadd.s32 s2, s17  }
0x8e: {  	[smem:$0x3FBA] =	sst s2  }
0x8f: {  	_ = 	snop  }
0x90: {  	s2 =	sld [smem:$0x3FD0];
	(tm) =	ssettm $0x1  }
0x91: {  	s18 =	sld [smem:$0x3FFB];
	_ =	sdelay $0x3  }
0x92: {  	_ =	strace s18  }
0x93: {  	s3 =	sld [smem:$0x3FFC];
	_ =	sdelay $0x3  }
0x94: {  	_ =	strace s3  }
0x95: {  	s3 =	sld [smem:$0x3FFD];
	_ =	sdelay $0x3  }
0x96: {  	_ =	strace s3  }
0x97: {  	_ =	strace $0x8FFFFFFF  }
0x98: {  	s19 =	sld [smem:$0x3FDB];
	_ =	sdelay $0x1  }
0x99: {  	s4 =	simm.s32 $_scs_section_size  }
0x9a: {  	s5 =	simm.s32 $_size__tile_overlayer_lowered;
	s6 =	simm.s32 $_tile_overlayer_lowered  }
0x9b: {  	s22 =	simm.s32 $0x1BFF;
	s21 =	sshll.u32 s6, $0x1;
	s3 =	sadd.s32 s4, s19  }
0x9c: {  	s7 =	simm.s32 $0x0;
	s20 =	sshll.u32 s5, $0x1;
	s5 =	sadd.s32 s21, s3  }
0x9d: {  	[timem:s7], [sflag:s22] =	dma.local [hbm:s5], s20  }
0x9e: {  	_ =	swait.ge [sflag:s22], s20  }
0x9f: {  	s4 =	ssub.s32 $0x0, s20;
	[sflag:s22] =	ssyncset.done $0x0  }
0xa0: {  	[sflag:s22] =	ssyncadd.s32 s4;
	_ =	sdelay $0x1  }
0xa1: {  	s23 =	simm.s32 $0x1B8B  }
0xa2: {  	_ =	swait.ge [sflag:s23], $0x1  }
0xa3: {  	[sflag:s23] =	ssyncset.done $0x0  }
0xa4: {  	s25 =	simm.s32 $0x1B8E;
	s24 =	sld [smem:$0x3FFE];
	[sflag:s23] =	ssyncadd.s32 $0xFFFFFFFF  }
0xa5: {  	s26 =	simm.s32 $execute0_lowered;
	[smem:$0x3FD2] =	sst s25  }
0xa6: {  	s5 =	sshll.u32 s26, $0x1;
	_ =	strace $0x80000049;
	[dreg:$0x1] =	wrdreg $0xFFFFFFFF  }
0xa7: {  	s28 =	simm.s32 $_size_execute0_lowered;
	s3 =	sadd.s32 s3, s5;
	[dreg:$0x0] =	wrdreg $0x0  }
0xa8: {  	s5 =	sshll.u32 s28, $0x1;
	[dreg:$0x2] =	wrdreg s3  }
0xa9: {  	[dreg:$0x3] =	wrdreg s5  }
0xaa: {  	[dreg:$0x4] =	wrdreg $0xC0  }
0xab: {  	_ =	task [dreg:s7], $0x5FFFF  }
0xac: {  	[dreg:$0x1] =	wrdreg $0xFFFFFFFF  }
0xad: {  	[dreg:$0x0] =	wrdreg $0x60  }
0xae: {  	[dreg:$0x2] =	wrdreg s24  }
0xaf: {  	[dreg:$0x3] =	wrdreg s2  }
0xb0: {  	[dreg:$0x4] =	wrdreg $0xD1000  }
0xb1: {  	[dreg:$0x5] =	wrdreg $0x9  }
0xb2: {  	_ =	task.clear_ibuf [dreg:s7], $0x6FFFF;
	_ =	strace $0x90000049  }
0xb3: {  	s29 =	simm.s32 $0x9;
	_ =	strace $0x8000004B  }
0xb4: {  	_ =	swait.ge [sflag:s29], $0x1  }
0xb5: {  	[sflag:s29] =	ssyncadd.s32 $0xFFFFFFFF  }
0xb6: {  	_ =	strace $0x9000004B  }
0xb7: {  	_ =	sfence  }
0xb8: {  	s30 =	sld [smem:$0x0];
	_ =	sdelay $0x2  }
0xb9: {  	s31 =	sshll.u32 s1, $0xD;
	s1 =	sshrl.u32 s1, $0x2  }
0xba: {  	s3 =	sand.u32 $0x4000, s31;
	s1 =	sadd.s32 s1, s30  }
0xbb: {  	s0 =	sor.u32 s3, s0;
	s1 =	sshll.u32 s1, $0x11  }
0xbc: {  	s0 =	sor.u32 s1, s0  }
0xbd: {  	s0 =	sadd.s32 $0x8F2B, s0  }
0xbe: {  	[sflag:s0] =	ssyncadd.remote.s32 $0x1  }
0xbf: {  	_ =	sfence.sel $0xFFFF  }
0xc0: {  	[dreg:$0x0] =	wrdreg $0xFFFFFFFF;
	(pc) =	sbr.abs _section_cstart, $3  }
0xc1: {  	[dreg:$0x1] =	wrdreg $0xFFFFFFFF  }
0xc2: {  	_ =	task.clear_ibuf [dreg:s7], $0x2FFFF;
	_ =	strace $0x9FFFFFFF  }
0xc3: {  	(tm) =	ssettm $0x7FFFFFFF  }
tec
execute0_lowered:
.L_overlay_start_1:
0x0: {  	(tag) =	ssettag $0x1  }
0x1: {  	s8 =	rddreg [dreg:$0x0]  }
0x2: {  	s1 =	rddreg [dreg:$0x1]  }
0x3: {  	s2 =	rddreg [dreg:$0x2]  }
0x4: {  	s0 =	rddreg [dreg:$0x3]  }
0x5: {  	s3 =	simm.s32 $0x0;
	s7 =	srdreg.scid;
	s16 =	stileid.u32  }
0x6: {  	s15 =	simm.s32 $0xD080;
	s17 =	simm.s32 $0x4F80;
	s18 =	simm.s32 $0x5080  }
0x7: {  	s19 =	simm.s32 $0x80;
	s20 =	simm.s32 $0x5000;
	s21 =	simm.s32 $0x9080  }
0x8: {  	s22 =	simm.s32 $0x0;
	[smem:$0x7FF] =	sst s3;
	s4 =	sadd.s32 $0xC400, s8  }
0x9: {  	s5 =	sadd.s32 $0xCA00, s8;
	s6 =	sadd.s32 $0x1400, s8;
	s9 =	sand.u32 $0x1, s7  }
0xa: {  	s7 =	sadd.s32 $0x6C00, s8;
	s10 =	sshll.u32 s16, $0x8;
	s31 =	sshll.u32 s16, $0xB  }
0xb: {  	v0 =	vimm.f32 $0.0e+00;
	v1 =	vimm.s32 $0x0;
	v2 =	vlaneseq.u32;
	p0 =	sne.s32 s16, $0x0;
	_ =	strace $0x8000004A;
	s11 =	ssub.s32 $0x2, s9  }
0xc: {  	v3 =	vor.u32 $0x10, v2;
	v4 =	vor.u32 $0x20, v2;
	v5 =	vor.u32 $0x30, v2;
	s10 =	sadd.s32 s10, s8;
	s12 =	sshll.u32 s9, $0x4;
	s9 =	sshll.u32 s9, $0xC  }
0xd: {  	v6 =	vor.u32 $0x40, v2;
	v7 =	vor.u32 $0x50, v2;
	v8 =	vor.u32 $0x60, v2;
	s8 =	sadd.s32 $0x4000, s2;
	s29 =	sshrl.u32 s11, $0x1;
	s30 =	sor.u32 s16, s12  }
0xe: {  	v9 =	vor.u32 $0x70, v2;
	v10 =	vor.u32 $0x80, v2;
	v11 =	vor.u32 $0x90, v2;
	s14 =	sadd.s32 s9, s10;
	s10 =	sadd.s32 s31, s2;
	s16 =	simm.s32 $0x4F00  }
0xf: {  	v12 =	vor.u32 $0xA0, v2;
	v13 =	vor.u32 $0xB0, v2;
	v14 =	vor.u32 $0xC0, v2;
	s13 =	ssub.s32 s11, s29;
	s9 =	smul.u32 $0x2C, s30;
	s11 =	sadd.s32 $0xD000, s14  }
0x10: {  	v15 =	vor.u32 $0xD0, v2;
	v16 =	vor.u32 $0xE0, v2;
	v17 =	vor.u32 $0xF0, v2;
	s14 =	simm.s32 $0x2780;
	s12 =	smax.u32 s13, $0x1;
	s13 =	simm.s32 $0x1  }
.LBB2_1:
0x11: {  	[tilespmem:s3], [sflag:$0x1] =	stream.linear.gather [hbm4b:s4+s3], $0x2780, $0x38;
	[tilespmem:$0xD900] =	vst v63  }
0x12: {  	_ =	swait.ge [sflag:s13], $0x2780  }
0x13: {  	[sflag:s13] =	ssyncset.done $0x0  }
0x14: {  	[sflag:s13] =	ssyncadd.s32 $0xFFFFD880  }
0x15: {  	[tilespmem:s14], [sflag:$0x1] =	stream.linear.gather [hbm4b:s5+s3], $0x2780, $0x38;
	[tilespmem:$0xD900] =	vst v63  }
0x16: {  	_ =	swait.ge [sflag:s13], $0x2780  }
0x17: {  	[sflag:s13] =	ssyncset.done $0x0  }
0x18: {  	[sflag:s13] =	ssyncadd.s32 $0xFFFFD880  }
0x19: {  	[tilespmem:s15], [sflag:$0x1] =	stream.linear.gather [hbm4b:s1+s3], $0x80, $0x38;
	[tilespmem:$0xD900] =	vst v63  }
0x1a: {  	_ =	swait.ge [sflag:s13], $0x80  }
0x1b: {  	[sflag:s13] =	ssyncset.done $0x0  }
0x1c: {  	[sflag:s13] =	ssyncadd.s32 $0xFFFFFF80  }
0x1d: {  	s23 =	simm.s32 $0x0;
	s24 =	simm.s32 $0x200;
	v18 =	vld [tilespmem:$0xD080]  }
.LBB2_2:
0x1e: {  	p1 =	sne.s32 s24, $0x1FE00;
	[tilespmem:s23+$0x50F0] =	vst v0  }
0x1f: {  	[tilespmem:s23+$0x5080] =	vst v0  }
0x20: {  	[tilespmem:s23+$0x5090] =	vst v0  }
.Ltmp0:
0x21: {  	[tilespmem:s23+$0x50A0] =	vst v0;
	(pc) =	sbr.rel @p1 .LBB2_2-.Ltmp0, $4  }
0x22: {  	[tilespmem:s23+$0x50B0] =	vst v0  }
0x23: {  	[tilespmem:s23+$0x50C0] =	vst v0  }
0x24: {  	[tilespmem:s23+$0x50D0] =	vst v0  }
0x25: {  	[tilespmem:s23+$0x50E0] =	vst v0;
	s23 =	sshra.s32 s24, $0x2;
	s24 =	sadd.s32 $0x200, s24  }
0x26: {  	[tilespmem:s23+$0x50F0] =	vst v0  }
0x27: {  	[tilespmem:s23+$0x5080] =	vst v0  }
0x28: {  	[tilespmem:s23+$0x5090] =	vst v0  }
0x29: {  	[tilespmem:s23+$0x50A0] =	vst v0  }
0x2a: {  	[tilespmem:s23+$0x50B0] =	vst v0  }
0x2b: {  	[tilespmem:s23+$0x50C0] =	vst v0  }
0x2c: {  	[tilespmem:s23+$0x50D0] =	vst v0  }
0x2d: {  	[tilespmem:s23+$0x50E0] =	vst v0;
	s23 =	simm.s32 @!p0 $0x5080;
	s24 =	simm.s32 @!p0 $0x1  }
0x2e: {  	[spmem:s2] =	stream.linear.scatter @!p0 [tilespmem:s23], [sflag:$0x1], $0x4000, $0x38;
	[tilespmem:$0xD900] =	vst v63  }
0x2f: {  	_ =	swait.ge @!p0 [sflag:s24], $0x4000  }
0x30: {  	[sflag:s24] =	ssyncset.done @!p0 $0x0  }
0x31: {  	[sflag:s24] =	ssyncadd.s32 @!p0 $0xFFFFC000  }
0x32: {  	[spmem:s8] =	stream.linear.scatter @!p0 [tilespmem:s23], [sflag:$0x1], $0x4000, $0x38;
	[tilespmem:$0xD900] =	vst v63  }
0x33: {  	_ =	swait.ge @!p0 [sflag:s24], $0x4000  }
0x34: {  	[sflag:s24] =	ssyncset.done @!p0 $0x0  }
0x35: {  	[sflag:s24] =	ssyncadd.s32 @!p0 $0xFFFFC000  }
0x36: {  	s23 =	simm.s32 $0x0;
	s24 =	simm.s32 $0x0;
	[bflag:$0x0] =	sbarrier.arrive $0xFFFF  }
.LBB2_4:
0x37: {  	s25 =	sadd.s32 s9, s24  }
0x38: {  	s25 =	sshll.u32 s25, $0x4  }
0x39: {  	s26 =	sadd.s32 s6, s25  }
0x3a: {  	[tilespmem:s16], [sflag:$0x1] =	stream.linear.gather [hbm4b:s26+s23], $0x80, $0x38;
	[tilespmem:$0xD900] =	vst v63  }
0x3b: {  	_ =	swait.ge [sflag:s13], $0x80  }
0x3c: {  	[sflag:s13] =	ssyncset.done $0x0  }
0x3d: {  	s25 =	sadd.s32 s7, s25;
	[sflag:s13] =	ssyncadd.s32 $0xFFFFFF80  }
0x3e: {  	[tilespmem:s17], [sflag:$0x1] =	stream.linear.gather [hbm4b:s25+s23], $0x80, $0x38;
	[tilespmem:$0xD900] =	vst v63  }
0x3f: {  	_ =	swait.ge [sflag:s13], $0x80  }
0x40: {  	[sflag:s13] =	ssyncset.done $0x0  }
0x41: {  	s26 =	simm.s32 $0x0;
	[sflag:s13] =	ssyncadd.s32 $0xFFFFFF80  }
0x42: {  	s25 =	simm.s32 $0x40;
	v19 =	vld [tilespmem:s26+$0x4F80]  }
.LBB2_5:
0x43: {  	p1 =	sne.s32 s25, $0x1C0  }
0x44: {  	v20 =	vld [tilespmem:s26+$0x4F00];
	_ =	sdelay $0x2  }
0x45: {  	vm0 =	vlt.s32 v19, $0x270F  }
0x46: {  	v21 =	vnsel vm0, $0x270F, v19;
	_ =	sdelay $0x3  }
0x47: {  	v20 =	vld.idx.msk [tilespmem:v20+s3+$0x0], $0xffff  }
0x48: {  	v21 =	vld.idx.msk [tilespmem:v21+s14+$0x0], $0xffff;
	_ =	sdelay $0x5  }
0x49: {  	v21 =	vadd.f32 v21, v20;
	_ =	sdelay $0x1  }
0x4a: {  	v22 =	vmul.f32 $2.000000030e-01, v21;
	_ =	sdelay $0x1  }
0x4b: {  	v21 =	vmax.f32 v21, v22  }
0x4c: {  	v21 =	vmul.f32 v21, v18  }
0x4d: {  	v22 =	vshra.s32 v19, $0x1F  }
0x4e: {  	v22 =	vshrl.u32 v22, $0x19;
	v21 =	vmul.f32 $1.442695020e+00, v21  }
0x4f: {  	v22 =	vadd.s32 v22, v19  }
0x50: {  	v22 =	vshra.s32 v22, $0x7;
	(erf) = vpow2.f32 v21  }
0x51: {  	v21 =	vshll.u32 v22, $0x7  }
0x52: {  	vm0 =	vlt.s32 v19, $0x1;
	vm1 =	vne.s32 v19, v21  }
0x53: {  	vm0 =	vmand vm0, vm1  }
0x54: {  	v21 =	vsel vm0, $0xFFFFFFFF, v1  }
0x55: {  	v21 =	vadd.s32 v21, v22  }
0x56: {  	v19 =	vand.u32 $0x7F, v19;
	v21 =	vshll.u32 v21, $0x7  }
0x57: {  	v19 =	vor.u32 v19, v21  }
0x58: {  	v21 =	vadd.s32 $0x2800, v19  }
0x59: {  	v22 =	vpop (erf)  }
.Ltmp1:
0x5a: {  	v20 =	vmul.f32 v22, v20;
	(pc) =	sbr.rel @p1 .LBB2_5-.Ltmp1, $4  }
0x5b: {  	_ = 	snop  }
0x5c: {  	[tilespmem:v19+s18+$0x0] =	vst.idx.add.f32.msk $0xffff, v20  }
0x5d: {  	s26 =	sshra.s32 s25, $0x2;
	[tilespmem:v21+s18+$0x0] =	vst.idx.add.f32.msk $0xffff, v22  }
0x5e: {  	s25 =	sadd.s32 $0x40, s25;
	v19 =	vld [tilespmem:s26+$0x4F80]  }
0x5f: {  	_ = 	snop  }
0x60: {  	v20 =	vld [tilespmem:s26+$0x4F00];
	_ =	sdelay $0x2  }
0x61: {  	vm0 =	vlt.s32 v19, $0x270F  }
0x62: {  	v21 =	vnsel vm0, $0x270F, v19;
	_ =	sdelay $0x3  }
0x63: {  	v20 =	vld.idx.msk [tilespmem:v20+s3+$0x0], $0xffff  }
0x64: {  	v21 =	vld.idx.msk [tilespmem:v21+s14+$0x0], $0xffff;
	_ =	sdelay $0x4  }
0x65: {  	v21 =	vadd.f32 v21, v20;
	_ =	sdelay $0x1  }
0x66: {  	v22 =	vmul.f32 $2.000000030e-01, v21;
	_ =	sdelay $0x1  }
0x67: {  	v21 =	vmax.f32 v21, v22  }
0x68: {  	v21 =	vmul.f32 v21, v18  }
0x69: {  	v60 =	vshra.s32 v19, $0x1F  }
0x6a: {  	v22 =	vshrl.u32 v60, $0x19;
	v21 =	vmul.f32 $1.442695020e+00, v21  }
0x6b: {  	v22 =	vadd.s32 v22, v19  }
0x6c: {  	v22 =	vshra.s32 v22, $0x7;
	(erf) = vpow2.f32 v21  }
0x6d: {  	v61 =	vshll.u32 v22, $0x7  }
0x6e: {  	vm15 =	vlt.s32 v19, $0x1;
	vm1 =	vne.s32 v19, v61  }
0x6f: {  	vm0 =	vmand vm15, vm1  }
0x70: {  	v62 =	vsel vm0, $0xFFFFFFFF, v1  }
0x71: {  	v21 =	vadd.s32 v62, v22  }
0x72: {  	v19 =	vand.u32 $0x7F, v19;
	v21 =	vshll.u32 v21, $0x7  }
0x73: {  	s24 =	sadd.s32 $0x1, s24;
	v19 =	vor.u32 v19, v21  }
0x74: {  	p1 =	sne.s32 s24, $0x2C;
	v21 =	vadd.s32 $0x2800, v19  }
.Ltmp2:
0x75: {  	v63 =	vpop (erf);
	(pc) =	sbr.rel @p1 .LBB2_4-.Ltmp2, $3  }
0x76: {  	v20 =	vmul.f32 v63, v20;
	_ =	sdelay $0x1  }
0x77: {  	[tilespmem:v19+s18+$0x0] =	vst.idx.add.f32.msk $0xffff, v20  }
0x78: {  	[tilespmem:v21+s18+$0x0] =	vst.idx.add.f32.msk $0xffff, v63  }
0x79: {  	[tilespmem:$0x5000] =	vst v2  }
0x7a: {  	[tilespmem:$0x5010] =	vst v3  }
0x7b: {  	[tilespmem:$0x5020] =	vst v4  }
0x7c: {  	[tilespmem:$0x5030] =	vst v5  }
0x7d: {  	[tilespmem:$0x5040] =	vst v6  }
0x7e: {  	[tilespmem:$0x5050] =	vst v7  }
0x7f: {  	[tilespmem:$0x5060] =	vst v8  }
0x80: {  	[tilespmem:$0x5070] =	vst v9  }
0x81: {  	[spmem:s2] =	stream.indirect.scatter.add.f32 [tilespmem:s18], [sflag:$0x1], $0x80, s20, s19, $0xb8;
	[tilespmem:$0xD900] =	vst v63  }
0x82: {  	_ =	swait.ge [sflag:s13], $0x4000  }
0x83: {  	[sflag:s13] =	ssyncset.done $0x0  }
0x84: {  	[sflag:s13] =	ssyncadd.s32 $0xFFFFC000  }
0x85: {  	[tilespmem:$0x5000] =	vst v10  }
0x86: {  	[tilespmem:$0x5010] =	vst v11  }
0x87: {  	[tilespmem:$0x5020] =	vst v12  }
0x88: {  	[tilespmem:$0x5030] =	vst v13  }
0x89: {  	[tilespmem:$0x5040] =	vst v14  }
0x8a: {  	[tilespmem:$0x5050] =	vst v15  }
0x8b: {  	[tilespmem:$0x5060] =	vst v16  }
0x8c: {  	[tilespmem:$0x5070] =	vst v17  }
0x8d: {  	[spmem:s2] =	stream.indirect.scatter.add.f32 [tilespmem:s21], [sflag:$0x1], $0x80, s20, s19, $0xb8;
	[tilespmem:$0xD900] =	vst v63  }
0x8e: {  	_ =	swait.ge [sflag:s13], $0x4000  }
0x8f: {  	[sflag:s13] =	ssyncset.done $0x0  }
0x90: {  	[sflag:s13] =	ssyncadd.s32 $0xFFFFC000  }
0x91: {  	[bflag:$0x0] =	sbarrier.arrive $0xFFFF  }
0x92: {  	[tilespmem:s18], [sflag:$0x1] =	stream.linear.gather [spmem:s10], $0x800, $0x38;
	[tilespmem:$0xD900] =	vst v63  }
0x93: {  	s22 =	sadd.s32 $0x1, s22;
	_ =	swait.ge [sflag:s13], $0x800  }
0x94: {  	p1 =	sne.s32 s22, s12;
	[sflag:s13] =	ssyncset.done $0x0  }
.Ltmp3:
0x95: {  	[sflag:s13] =	ssyncadd.s32 $0xFFFFF800;
	(pc) =	sbr.rel @p1 .LBB2_1-.Ltmp3, $4  }
0x96: {  	[hbm4b:s11+s3] =	stream.linear.scatter [tilespmem:s18], [sflag:$0x1], $0x800, $0x38;
	[tilespmem:$0xD900] =	vst v63  }
0x97: {  	_ =	swait.ge [sflag:s13], $0x800  }
0x98: {  	[sflag:s13] =	ssyncset.done $0x0  }
0x99: {  	[sflag:s13] =	ssyncadd.s32 $0xFFFFF800  }
0x9a: {  	_ =	sfence.sel $0x180000  }
0x9b: {  	[bflag:$0x0] =	sbarrier.arrive $0xFFFF  }
0x9c: {  	_ =	strace $0x9000004A  }
0x9d: {  	s0 =	sadd.s32 @!p0 $0x100000, s0;
	[bflag:$0x2] =	sbarrier.arrive $0xFFFF  }
0x9e: {  	[sflag:s0] =	ssyncadd.tile.s32 @!p0 $0x1;
	_ =	shalt  }
.Lfunc_end2:
_tile_overlayer_lowered:
.L_overlay_start_2:
0x9f: {  	(tag) =	ssettag $0x2  }
0xa0: {  	s0 =	rddreg [dreg:$0x0];
	s2 =	stileid.u32  }
0xa1: {  	s1 =	rddreg [dreg:$0x1];
	p0 =	sne.s32 s2, $0x0  }
0xa2: {  	s3 =	rddreg [dreg:$0x2];
	[bflag:$0x3] =	sbarrier.arrive $0xFFFF;
	s2 =	simm.s32 @!p0 $0x1C01  }
0xa3: {  	[timem:s3], [sflag:s2] =	dma.local @!p0 [hbm:s0], s1  }
0xa4: {  	s0 =	simm.s32 @!p0 $0x1  }
0xa5: {  	_ =	swait.ge @!p0 [sflag:s0], s1  }
0xa6: {  	s1 =	ssub.s32 @!p0 $0x0, s1;
	[sflag:s0] =	ssyncset.done @!p0 $0x0  }
0xa7: {  	[sflag:s0] =	ssyncadd.s32 @!p0 s1  }
0xa8: {  	[bflag:$0x3] =	sbarrier.arrive $0xFFFF  }
0xa9: {  	_ =	shalt  }

// kernel: kernel.7.cloned.1.call-start
scs
__scs_entry_jumppad:
0x0: {  	(pc) =	sbr.rel $0x88, $3  }
0x1: {  	(tag) =	ssettag $0x0;
	lr =	simm.s32 $0x1  }
0x2: {  	[smem:$0x3F93] =	sst lr;
	_ =	strace $0xD0000000  }
0x3: {  	_ = 	snop  }
0x4: {  	_ = 	snop  }
0x5: {  	_ = 	snop  }
0x6: {  	_ = 	snop  }
0x7: {  	_ = 	snop  }
__scs_overlays_trampoline_lowered:
0x8: {  	[smem:$0x3FA2] =	sst s0  }
0x9: {  	[smem:$0x3FA3] =	sst s1  }
0xa: {  	[smem:$0x3FA4] =	sst s2  }
0xb: {  	[smem:$0x3FA5] =	sst s3  }
0xc: {  	[smem:$0x3FA6] =	sst s4  }
0xd: {  	[smem:$0x3FA7] =	sst s5  }
0xe: {  	[smem:$0x3FA8] =	sst s6  }
0xf: {  	[smem:$0x3FA9] =	sst s7  }
0x10: {  	[smem:$0x3FAA] =	sst s8  }
0x11: {  	[smem:$0x3FAB] =	sst s9;
	s0 =	simm.s32 @!p0 $0x0  }
0x12: {  	s1 =	sld [smem:$0x3F91];
	s0 =	simm.s32 @p0 $0x1  }
0x13: {  	[smem:$0x3FAC] =	sst s0;
	s0 =	simm.s32 @!p1 $0x0  }
0x14: {  	s2 =	sld [smem:$0x3F90];
	s0 =	simm.s32 @p1 $0x1  }
0x15: {  	[smem:$0x3FAD] =	sst s0;
	s0 =	simm.s32 @!p2 $0x0  }
0x16: {  	s3 =	sld [smem:$0x3FDB];
	s0 =	simm.s32 @p2 $0x1  }
0x17: {  	s4 =	simm.s32 $0x1BF5;
	[smem:$0x3FAF] =	sst s0  }
0x18: {  	s0 =	sld [smem:$0x3F92];
	_ =	swait.ge [sflag:s4], $0x0  }
0x19: {  	s7 =	sld [smem:$0x3F93]  }
0x1a: {  	s8 =	sadd.s32 $0xFFFFE003, lr  }
0x1b: {  	s9 =	sadd.s32 $0xFFFFFEF7, lr;
	s5 =	simm.s32 $0xFFFFFFFF;
	p2 =	slt.u32 s8, $0xFFFFF086  }
0x1c: {  	p1 =	slt.u32 s9, $0xF7A;
	s5 =	simm.s32 @!p2 $0x0  }
0x1d: {  	s5 =	simm.s32 @p1 $0x1;
	p0 =	seq.s32 s7, s2  }
0x1e: {  	s7 =	smul.u32 @!p0 $0xF7A, s2;
	p2 =	seq.s32 @!p0 s5, $0x0  }
0x1f: {  	s9 =	smul.u32 $0xF7A, s1;
	s8 =	simm.s32 @!p0 $0x1BF5;
	p2 =	por !p2, p0  }
0x20: {  	[sflag:s8] =	ssyncset.s32 @!p0 $0xFFFFF086;
	s6 =	sadd.s32 @!p0 s3, s7;
	s7 =	simm.s32 @!p0 $0x108  }
0x21: {  	s3 =	sadd.s32 s3, s9;
	s6 =	sadd.s32 @!p0 $0x88, s6;
	s7 =	simm.s32 @p2 $0x1082  }
0x22: {  	[simem:s7], [sflag:s8] =	dma.local @!p0 [hbm:s6], $0xF7A  }
0x23: {  	s9 =	sor.u32 $0xD0000000, s2;
	s6 =	simm.s32 $0x108;
	_ =	swait.ge @!p0 [sflag:s8], $0x0  }
0x24: {  	s3 =	sadd.s32 $0x88, s3;
	s6 =	simm.s32 @!p1 $0x1082;
	[sflag:s4] =	ssyncset.s32 $0xFFFFF086  }
0x25: {  	[simem:s6], [sflag:s4] =	dma.local [hbm:s3], $0xF7A  }
0x26: {  	[smem:$0x3F93] =	sst s1;
	(tag) =	ssettag s2;
	_ =	strace s9  }
0x27: {  	s1 =	sld [smem:$0x3FA3]  }
0x28: {  	s2 =	sld [smem:$0x3FA4]  }
0x29: {  	s4 =	sld [smem:$0x3FA6]  }
0x2a: {  	p0 =	seq.s32 s5, $0x0;
	s5 =	sld [smem:$0x3FA7]  }
0x2b: {  	s6 =	sld [smem:$0x3FA8]  }
0x2c: {  	s7 =	sld [smem:$0x3FA9]  }
0x2d: {  	s3 =	simm.s32 $0x108;
	s8 =	sld [smem:$0x3FAA]  }
0x2e: {  	s3 =	simm.s32 @!p0 $0x1082;
	s9 =	sld [smem:$0x3FAB]  }
0x2f: {  	lr =	sadd.s32 s0, s3;
	s0 =	sld [smem:$0x3FA2]  }
0x30: {  	s3 =	sld [smem:$0x3FA5]  }
0x31: {  	[smem:$0x3FAE] =	sst s10  }
0x32: {  	s10 =	sld [smem:$0x3FAC];
	_ =	sdelay $0x3  }
0x33: {  	p0 =	seq.s32 s10, $0x1;
	s10 =	sld [smem:$0x3FAE];
	_ =	sdelay $0x3  }
0x34: {  	[smem:$0x3FAE] =	sst s10  }
0x35: {  	s10 =	sld [smem:$0x3FAD];
	_ =	sdelay $0x3  }
0x36: {  	p1 =	seq.s32 s10, $0x1;
	s10 =	sld [smem:$0x3FAE];
	_ =	sdelay $0x3  }
0x37: {  	[smem:$0x3FAE] =	sst s10  }
0x38: {  	s10 =	sld [smem:$0x3FAF]  }
0x39: {  	_ = 	snop;
	(pc) =	sbr.ind lr, $3  }
0x3a: {  	_ = 	snop  }
0x3b: {  	_ = 	snop  }
0x3c: {  	p2 =	seq.s32 s10, $0x1;
	s10 =	sld [smem:$0x3FAE]  }
0x3d: {  	_ =	shalt  }
0x3e: {  	_ =	shalt  }
0x3f: {  	_ =	shalt  }
0x40: {  	_ =	shalt  }
0x41: {  	_ =	shalt  }
0x42: {  	_ =	shalt  }
0x43: {  	_ =	shalt  }
0x44: {  	_ =	shalt  }
0x45: {  	_ =	shalt  }
0x46: {  	_ =	shalt  }
0x47: {  	_ =	shalt  }
0x48: {  	_ =	shalt  }
0x49: {  	_ =	shalt  }
0x4a: {  	_ =	shalt  }
0x4b: {  	_ =	shalt  }
0x4c: {  	_ =	shalt  }
0x4d: {  	_ =	shalt  }
0x4e: {  	_ =	shalt  }
0x4f: {  	_ =	shalt  }
0x50: {  	_ =	shalt  }
0x51: {  	_ =	shalt  }
0x52: {  	_ =	shalt  }
0x53: {  	_ =	shalt  }
0x54: {  	_ =	shalt  }
0x55: {  	_ =	shalt  }
0x56: {  	_ =	shalt  }
0x57: {  	_ =	shalt  }
0x58: {  	_ =	shalt  }
0x59: {  	_ =	shalt  }
0x5a: {  	_ =	shalt  }
0x5b: {  	_ =	shalt  }
0x5c: {  	_ =	shalt  }
0x5d: {  	_ =	shalt  }
0x5e: {  	_ =	shalt  }
0x5f: {  	_ =	shalt  }
0x60: {  	_ =	shalt  }
0x61: {  	_ =	shalt  }
0x62: {  	_ =	shalt  }
0x63: {  	_ =	shalt  }
0x64: {  	_ =	shalt  }
0x65: {  	_ =	shalt  }
0x66: {  	_ =	shalt  }
0x67: {  	_ =	shalt  }
0x68: {  	_ =	shalt  }
0x69: {  	_ =	shalt  }
0x6a: {  	_ =	shalt  }
0x6b: {  	_ =	shalt  }
0x6c: {  	_ =	shalt  }
0x6d: {  	_ =	shalt  }
0x6e: {  	_ =	shalt  }
0x6f: {  	_ =	shalt  }
0x70: {  	_ =	shalt  }
0x71: {  	_ =	shalt  }
0x72: {  	_ =	shalt  }
0x73: {  	_ =	shalt  }
0x74: {  	_ =	shalt  }
0x75: {  	_ =	shalt  }
0x76: {  	_ =	shalt  }
0x77: {  	_ =	shalt  }
0x78: {  	_ =	shalt  }
0x79: {  	_ =	shalt  }
0x7a: {  	_ =	shalt  }
0x7b: {  	_ =	shalt  }
0x7c: {  	_ =	shalt  }
0x7d: {  	_ =	shalt  }
0x7e: {  	_ =	shalt  }
0x7f: {  	_ =	shalt  }
0x80: {  	_ =	shalt  }
0x81: {  	_ =	shalt  }
0x82: {  	_ =	shalt  }
0x83: {  	_ =	shalt  }
0x84: {  	_ =	shalt  }
0x85: {  	_ =	shalt  }
0x86: {  	_ =	shalt  }
0x87: {  	_ =	shalt  }
.Lfunc_end0:
.L_simem_size_0:
called_computation_lowered:
.L_overlay_start_0:
0x88: {  	s2 =	sld [smem:$0x3FD9]  }
0x89: {  	s3 =	sld [smem:$0x3FFE];
	_ =	sdelay $0x1  }
0x8a: {  	s1 =	srdreg.scid  }
0x8b: {  	s0 =	sand.u32 $0x1, s1  }
0x8c: {  	s17 =	sshll.u32 s0, $0xA;
	s2 =	sadd.s32 s3, s2  }
0x8d: {  	s2 =	sadd.s32 s2, s17  }
0x8e: {  	[smem:$0x3FBA] =	sst s2  }
0x8f: {  	_ = 	snop  }
0x90: {  	s2 =	sld [smem:$0x3FD0];
	(tm) =	ssettm $0x1  }
0x91: {  	s18 =	sld [smem:$0x3FFB];
	_ =	sdelay $0x3  }
0x92: {  	_ =	strace s18  }
0x93: {  	s3 =	sld [smem:$0x3FFC];
	_ =	sdelay $0x3  }
0x94: {  	_ =	strace s3  }
0x95: {  	s3 =	sld [smem:$0x3FFD];
	_ =	sdelay $0x3  }
0x96: {  	_ =	strace s3  }
0x97: {  	_ =	strace $0x8FFFFFFF  }
0x98: {  	s19 =	sld [smem:$0x3FDB];
	_ =	sdelay $0x1  }
0x99: {  	s4 =	simm.s32 $_scs_section_size  }
0x9a: {  	s5 =	simm.s32 $_size__tile_overlayer_lowered;
	s6 =	simm.s32 $_tile_overlayer_lowered  }
0x9b: {  	s22 =	simm.s32 $0x1BFF;
	s21 =	sshll.u32 s6, $0x1;
	s3 =	sadd.s32 s4, s19  }
0x9c: {  	s7 =	simm.s32 $0x0;
	s20 =	sshll.u32 s5, $0x1;
	s5 =	sadd.s32 s21, s3  }
0x9d: {  	[timem:s7], [sflag:s22] =	dma.local [hbm:s5], s20  }
0x9e: {  	_ =	swait.ge [sflag:s22], s20  }
0x9f: {  	s4 =	ssub.s32 $0x0, s20;
	[sflag:s22] =	ssyncset.done $0x0  }
0xa0: {  	[sflag:s22] =	ssyncadd.s32 s4;
	_ =	sdelay $0x1  }
0xa1: {  	s23 =	simm.s32 $0x1B8B  }
0xa2: {  	_ =	swait.ge [sflag:s23], $0x1  }
0xa3: {  	[sflag:s23] =	ssyncset.done $0x0  }
0xa4: {  	s25 =	simm.s32 $0x1B8E;
	s24 =	sld [smem:$0x3FFE];
	[sflag:s23] =	ssyncadd.s32 $0xFFFFFFFF  }
0xa5: {  	s26 =	simm.s32 $execute0_lowered;
	[smem:$0x3FD2] =	sst s25  }
0xa6: {  	s5 =	sshll.u32 s26, $0x1;
	_ =	strace $0x80000046;
	[dreg:$0x1] =	wrdreg $0xFFFFFFFF  }
0xa7: {  	s28 =	simm.s32 $_size_execute0_lowered;
	s3 =	sadd.s32 s3, s5;
	[dreg:$0x0] =	wrdreg $0x0  }
0xa8: {  	s5 =	sshll.u32 s28, $0x1;
	[dreg:$0x2] =	wrdreg s3  }
0xa9: {  	[dreg:$0x3] =	wrdreg s5  }
0xaa: {  	[dreg:$0x4] =	wrdreg $0xC0  }
0xab: {  	_ =	task [dreg:s7], $0x5FFFF  }
0xac: {  	[dreg:$0x1] =	wrdreg $0xFFFFFFFF  }
0xad: {  	[dreg:$0x0] =	wrdreg $0x60  }
0xae: {  	[dreg:$0x2] =	wrdreg s24  }
0xaf: {  	[dreg:$0x3] =	wrdreg s2  }
0xb0: {  	[dreg:$0x4] =	wrdreg $0x102800  }
0xb1: {  	[dreg:$0x5] =	wrdreg $0x1C2800  }
0xb2: {  	[dreg:$0x6] =	wrdreg $0x9  }
0xb3: {  	_ =	task.clear_ibuf [dreg:s7], $0x7FFFF;
	_ =	strace $0x90000046  }
0xb4: {  	s29 =	simm.s32 $0x9;
	_ =	strace $0x80000048  }
0xb5: {  	_ =	swait.ge [sflag:s29], $0x1  }
0xb6: {  	[sflag:s29] =	ssyncadd.s32 $0xFFFFFFFF  }
0xb7: {  	_ =	strace $0x90000048  }
0xb8: {  	_ =	sfence  }
0xb9: {  	s30 =	sld [smem:$0x0];
	_ =	sdelay $0x2  }
0xba: {  	s31 =	sshll.u32 s1, $0xD;
	s1 =	sshrl.u32 s1, $0x2  }
0xbb: {  	s3 =	sand.u32 $0x4000, s31;
	s1 =	sadd.s32 s1, s30  }
0xbc: {  	s0 =	sor.u32 s3, s0;
	s1 =	sshll.u32 s1, $0x11  }
0xbd: {  	s0 =	sor.u32 s1, s0  }
0xbe: {  	s0 =	sadd.s32 $0x8F2B, s0  }
0xbf: {  	[sflag:s0] =	ssyncadd.remote.s32 $0x1  }
0xc0: {  	_ =	sfence.sel $0xFFFF  }
0xc1: {  	[dreg:$0x0] =	wrdreg $0xFFFFFFFF;
	(pc) =	sbr.abs _section_cstart, $3  }
0xc2: {  	[dreg:$0x1] =	wrdreg $0xFFFFFFFF  }
0xc3: {  	_ =	task.clear_ibuf [dreg:s7], $0x2FFFF;
	_ =	strace $0x9FFFFFFF  }
0xc4: {  	(tm) =	ssettm $0x7FFFFFFF  }
0xc5: {  	_ =	shalt  }
tec
execute0_lowered:
.L_overlay_start_1:
0x0: {  	(tag) =	ssettag $0x1  }
0x1: {  	s1 =	rddreg [dreg:$0x0]  }
0x2: {  	s2 =	rddreg [dreg:$0x2]  }
0x3: {  	s3 =	rddreg [dreg:$0x3];
	s4 =	simm.s32 $0x0  }
0x4: {  	s6 =	srdreg.scid;
	s0 =	stileid.u32;
	s28 =	simm.s32 $0x200  }
0x5: {  	v0 =	vimm.s32 $0xFEDCBA98;
	v1 =	vimm.s32 $0x76543210;
	s29 =	simm.s32 $0x80;
	s30 =	simm.s32 $0x100;
	s31 =	simm.s32 $0x1  }
0x6: {  	v3 =	vimm.s32 $0x32107654;
	v4 =	vimm.s32 $0xDCFE98BA;
	[smem:$0x7FF] =	sst s4;
	s5 =	sadd.s32 $0xC400, s1;
	s12 =	sand.u32 $0x1, s6  }
0x7: {  	v5 =	vimm.s32 $0x54761032;
	s9 =	smul.u32 $0x180, s0;
	s6 =	sadd.s32 $0x33600, s1;
	s7 =	sadd.s32 $0x1400, s1  }
0x8: {  	v6 =	vimm.s32 $0xEFCDAB89;
	v7 =	vimm.s32 $0x67452301;
	vm0 =	vmmov $0x1;
	s8 =	sadd.s32 $0x6C00, s1;
	s16 =	smul.u32 $0x30000, s0;
	s18 =	sshll.u32 s0, $0x8  }
0x9: {  	vm1 =	vcmask $0x308;
	vm2 =	vmmov $0x3;
	v0 =	vunpack.c.l.s4.s8 v0;
	s19 =	sadd.s32 $0x4000, s3;
	s25 =	sshll.u32 s0, $0xB;
	p0 =	sne.s32 s0, $0x0  }
0xa: {  	v1 =	vunpack.c.l.s4.s8 v1;
	v3 =	vunpack.c.l.s4.s8 v3;
	v4 =	vunpack.c.l.s4.s8 v4;
	_ =	strace $0x80000047;
	s10 =	smul.u32 $0x1800, s12;
	s11 =	ssub.s32 $0x2, s12  }
0xb: {  	v5 =	vunpack.c.l.s4.s8 v5;
	v6 =	vunpack.c.l.s4.s8 v6;
	v7 =	vunpack.c.l.s4.s8 v7;
	[dreg:$0x5] =	wrdreg s19;
	s24 =	sshll.u32 s12, $0xC;
	s13 =	sshrl.u32 s11, $0x1  }
0xc: {  	v2 =	vunpack.c.0.s8.s32 v0;
	v0 =	vimm.s32 $0xBA98FEDC;
	s17 =	sshrl.u32 s16, $0x2;
	v3 =	vunpack.c.0.s8.s32 v3;
	s9 =	sadd.s32 s9, s10;
	s15 =	ssub.s32 s11, s13  }
0xd: {  	v4 =	vunpack.c.0.s8.s32 v4;
	v5 =	vunpack.c.0.s8.s32 v5;
	v6 =	vunpack.c.0.s8.s32 v6;
	s13 =	sshll.u32 s12, $0x6;
	s12 =	sshll.u32 s12, $0x8;
	s9 =	sshll.u32 s9, $0x4  }
0xe: {  	v7 =	vunpack.c.0.s8.s32 v7;
	v9 =	vunpack.c.0.s8.s32 v1;
	v1 =	vimm.s32 $0x0;
	s16 =	sor.u32 $0x10, s13;
	s20 =	sor.u32 $0x20, s13;
	s21 =	sor.u32 $0x30, s13  }
0xf: {  	v0 =	vunpack.c.l.s4.s8 v0;
	v2 =	vand.u32 $0xF, v2;
	v4 =	vcombine.low v5, v4;
	s12 =	sor.u32 $0x80, s12;
	s14 =	sadd.s32 s9, s1;
	[dreg:$0x6] =	wrdreg s16  }
0x10: {  	v5 =	vcombine.low v7, v6;
	v6 =	vlaneseq.u32;
	v7 =	vimm.s32 $0x1;
	s9 =	sadd.s32 s17, s2;
	s1 =	sadd.s32 s18, s1;
	[dreg:$0x7] =	wrdreg s20  }
0x11: {  	v8 =	vunpack.c.0.s8.s32 v0;
	v0 =	vimm.f32 $0.0e+00;
	[dreg:$0x8] =	wrdreg s21;
	s17 =	smul.u32 $0x58, s0;
	v2 =	vcombine.low v2, v9;
	s26 =	sshrl.u32 s12, $0x2  }
0x12: {  	v9 =	vor.u32 $0x10, v6;
	v10 =	vor.u32 $0x20, v6;
	v11 =	vor.u32 $0x30, v6;
	s0 =	simm.s32 $0x2;
	s12 =	simm.s32 $0x4200;
	s10 =	sadd.s32 $0x4000, s9  }
0x13: {  	v13 =	vor.u32 $0x40, v6;
	v14 =	vor.u32 $0x50, v6;
	v15 =	vor.u32 $0x60, v6;
	s11 =	sadd.s32 $0x8000, s9;
	s22 =	sadd.s32 $0x5A800, s14;
	s23 =	sadd.s32 $0x5B000, s14  }
0x14: {  	v16 =	vor.u32 $0x70, v6;
	v17 =	vor.u32 $0x80, v6;
	v18 =	vor.u32 $0x90, v6;
	s14 =	sadd.s32 $0x5B800, s14;
	s1 =	sadd.s32 s24, s1;
	[dreg:$0x9] =	wrdreg s22  }
0x15: {  	v19 =	vor.u32 $0xA0, v6;
	v20 =	vor.u32 $0xB0, v6;
	s21 =	sor.u32 $0x200, s26;
	v12 =	vmov s26;
	s26 =	simm.s32 $0x3;
	[dreg:$0xa] =	wrdreg s23  }
0x16: {  	v21 =	vor.u32 $0xC0, v6;
	v22 =	vor.u32 $0xD0, v6;
	v3 =	vcombine.low v3, v8;
	[dreg:$0xb] =	wrdreg s14;
	s14 =	sadd.s32 s25, s3;
	s1 =	sadd.s32 $0x8A800, s1  }
0x17: {  	v23 =	vor.u32 $0xE0, v6;
	v24 =	vor.u32 $0xF0, v6;
	v4 =	vand.u32 $0xF, v4;
	s23 =	smax.u32 s15, $0x1;
	s25 =	simm.s32 $0x180;
	[dreg:$0xc] =	wrdreg s14  }
0x18: {  	v5 =	vand.u32 $0xF, v5;
	v8 =	vmul.u32 $0x50, v6;
	[dreg:$0xd] =	wrdreg s1;
	s1 =	simm.s32 $0x8280;
	s14 =	simm.s32 $0x0;
	v3 =	vand.u32 $0xF, v3  }
.LBB2_1:
0x19: {  	s15 =	rddreg [dreg:$0x1];
	s16 =	simm.s32 $0x8200  }
0x1a: {  	[tilespmem:s16], [sflag:$0x3] =	stream.linear.gather [hbm4b:s15+s4], $0x80, $0x38;
	[tilespmem:$0x1CA80] =	vst v63  }
0x1b: {  	_ =	swait.ge [sflag:s26], $0x80  }
0x1c: {  	[sflag:s26] =	ssyncset.done $0x0  }
0x1d: {  	s15 =	simm.s32 $0x0;
	s16 =	simm.s32 $0x200;
	[sflag:s26] =	ssyncadd.s32 $0xFFFFFF80  }
.LBB2_2:
0x1e: {  	p1 =	sne.s32 s16, $0xFE00;
	[tilespmem:s15+$0x270] =	vst v0  }
0x1f: {  	[tilespmem:s15+$0x200] =	vst v0  }
0x20: {  	[tilespmem:s15+$0x210] =	vst v0  }
.Ltmp0:
0x21: {  	[tilespmem:s15+$0x220] =	vst v0;
	(pc) =	sbr.rel @p1 .LBB2_2-.Ltmp0, $4  }
0x22: {  	[tilespmem:s15+$0x230] =	vst v0  }
0x23: {  	[tilespmem:s15+$0x240] =	vst v0  }
0x24: {  	[tilespmem:s15+$0x250] =	vst v0  }
0x25: {  	[tilespmem:s15+$0x260] =	vst v0;
	s15 =	sshra.s32 s16, $0x2;
	s16 =	sadd.s32 $0x200, s16  }
0x26: {  	[tilespmem:s15+$0x270] =	vst v0  }
0x27: {  	[tilespmem:s15+$0x200] =	vst v0  }
0x28: {  	[tilespmem:s15+$0x210] =	vst v0  }
0x29: {  	[tilespmem:s15+$0x220] =	vst v0  }
0x2a: {  	[tilespmem:s15+$0x230] =	vst v0  }
0x2b: {  	[tilespmem:s15+$0x240] =	vst v0  }
0x2c: {  	[tilespmem:s15+$0x250] =	vst v0  }
0x2d: {  	[tilespmem:s15+$0x260] =	vst v0;
	s15 =	simm.s32 $0x0;
	s16 =	simm.s32 $0x200  }
.LBB2_4:
0x2e: {  	p1 =	sne.s32 s16, $0x1FE00;
	[tilespmem:s15+$0x82F0] =	vst v0  }
0x2f: {  	[tilespmem:s15+$0x8280] =	vst v0  }
0x30: {  	[tilespmem:s15+$0x8290] =	vst v0  }
.Ltmp1:
0x31: {  	[tilespmem:s15+$0x82A0] =	vst v0;
	(pc) =	sbr.rel @p1 .LBB2_4-.Ltmp1, $4  }
0x32: {  	[tilespmem:s15+$0x82B0] =	vst v0  }
0x33: {  	[tilespmem:s15+$0x82C0] =	vst v0  }
0x34: {  	[tilespmem:s15+$0x82D0] =	vst v0  }
0x35: {  	[tilespmem:s15+$0x82E0] =	vst v0;
	s15 =	sshra.s32 s16, $0x2;
	s16 =	sadd.s32 $0x200, s16  }
0x36: {  	[tilespmem:s15+$0x82F0] =	vst v0  }
0x37: {  	[tilespmem:s15+$0x8280] =	vst v0  }
0x38: {  	[tilespmem:s15+$0x8290] =	vst v0  }
0x39: {  	[tilespmem:s15+$0x82A0] =	vst v0  }
0x3a: {  	[tilespmem:s15+$0x82B0] =	vst v0  }
0x3b: {  	[tilespmem:s15+$0x82C0] =	vst v0  }
0x3c: {  	[tilespmem:s15+$0x82D0] =	vst v0  }
0x3d: {  	[tilespmem:s15+$0x82E0] =	vst v0  }
0x3e: {  	[spmem:s9] =	stream.linear.scatter [tilespmem:s28], [sflag:$0x3], $0x4000, $0x38;
	[tilespmem:$0x1CA80] =	vst v63  }
0x3f: {  	_ =	swait.ge [sflag:s26], $0x4000  }
0x40: {  	[sflag:s26] =	ssyncset.done $0x0  }
0x41: {  	[sflag:s26] =	ssyncadd.s32 $0xFFFFC000  }
0x42: {  	[spmem:s10] =	stream.linear.scatter [tilespmem:s28], [sflag:$0x3], $0x4000, $0x38;
	[tilespmem:$0x1CA80] =	vst v63  }
0x43: {  	_ =	swait.ge [sflag:s26], $0x4000  }
0x44: {  	[sflag:s26] =	ssyncset.done $0x0  }
0x45: {  	[sflag:s26] =	ssyncadd.s32 $0xFFFFC000  }
0x46: {  	[spmem:s11] =	stream.linear.scatter [tilespmem:s28], [sflag:$0x3], $0x4000, $0x38;
	[tilespmem:$0x1CA80] =	vst v63  }
0x47: {  	_ =	swait.ge [sflag:s26], $0x4000  }
0x48: {  	[sflag:s26] =	ssyncset.done $0x0  }
0x49: {  	s15 =	simm.s32 @!p0 $0x200;
	s16 =	simm.s32 @!p0 $0x3;
	[sflag:s26] =	ssyncadd.s32 $0xFFFFC000  }
0x4a: {  	[spmem:s3] =	stream.linear.scatter @!p0 [tilespmem:s15], [sflag:$0x3], $0x4000, $0x38;
	[tilespmem:$0x1CA80] =	vst v63  }
0x4b: {  	_ =	swait.ge @!p0 [sflag:s16], $0x4000  }
0x4c: {  	[sflag:s16] =	ssyncset.done @!p0 $0x0  }
0x4d: {  	s18 =	rddreg [dreg:$0x5];
	[sflag:s16] =	ssyncadd.s32 @!p0 $0xFFFFC000  }
0x4e: {  	[spmem:s18] =	stream.linear.scatter @!p0 [tilespmem:s15], [sflag:$0x3], $0x4000, $0x38;
	[tilespmem:$0x1CA80] =	vst v63  }
0x4f: {  	_ =	swait.ge @!p0 [sflag:s16], $0x4000  }
0x50: {  	[sflag:s16] =	ssyncset.done @!p0 $0x0  }
0x51: {  	[sflag:s16] =	ssyncadd.s32 @!p0 $0xFFFFC000  }
0x52: {  	[bflag:$0x0] =	sbarrier.arrive $0xFFFF  }
0x53: {  	v25 =	vld [tilespmem:s13+$0x8200];
	s20 =	rddreg [dreg:$0x6]  }
0x54: {  	s22 =	rddreg [dreg:$0x7];
	v26 =	vld [tilespmem:s20+$0x8200]  }
0x55: {  	s24 =	rddreg [dreg:$0x8];
	v27 =	vld [tilespmem:s22+$0x8200]  }
0x56: {  	s15 =	simm.s32 $0x0;
	s16 =	simm.s32 $0x0;
	v28 =	vld [tilespmem:s24+$0x8200]  }
.LBB2_6:
0x57: {  	s18 =	sadd.s32 s17, s16  }
0x58: {  	s18 =	sshll.u32 s18, $0x4  }
0x59: {  	s19 =	sadd.s32 s7, s18  }
0x5a: {  	[tilespmem:s15], [sflag:$0x3] =	stream.linear.gather [hbm4b:s19+s15], $0x80, $0x38;
	[tilespmem:$0x1CA80] =	vst v63  }
0x5b: {  	_ =	swait.ge [sflag:s26], $0x80  }
0x5c: {  	[sflag:s26] =	ssyncset.done $0x0  }
0x5d: {  	s18 =	sadd.s32 s8, s18;
	[sflag:s26] =	ssyncadd.s32 $0xFFFFFF80  }
0x5e: {  	[tilespmem:s29], [sflag:$0x3] =	stream.linear.gather [hbm4b:s18+s15], $0x80, $0x38;
	[tilespmem:$0x1CA80] =	vst v63  }
0x5f: {  	_ =	swait.ge [sflag:s26], $0x80  }
0x60: {  	[sflag:s26] =	ssyncset.done $0x0  }
0x61: {  	s18 =	simm.s32 $0x0;
	[sflag:s26] =	ssyncadd.s32 $0xFFFFFF80  }
0x62: {  	v29 =	vld [tilespmem:s18+$0x80];
	_ =	sdelay $0x3  }
0x63: {  	s19 =	simm.s32 $0x40  }
.LBB2_7:
0x64: {  	s20 =	sshra.s32 s19, $0x2;
	p1 =	sne.s32 s19, $0x1C0;
	s19 =	sadd.s32 $0x40, s19;
	vm3 =	vlt.s32 v29, $0x270F;
	v30 =	vand.u32 $0x1, v29;
	v31 =	vmov v29  }
.Ltmp2:
0x65: {  	v29 =	vld [tilespmem:s20+$0x80];
	v32 =	vshrl.u32 v31, $0x1F;
	vm4 =	vlt.s32 v31, $0x1;
	vm5 =	veq.s32 v30, $0x1;
	(pc) =	sbr.rel @p1 .LBB2_7-.Ltmp2, $4  }
0x66: {  	v30 =	vnsel vm3, $0x270F, v31;
	v31 =	vadd.s32 v32, v31;
	vm3 =	vmand vm4, vm5  }
0x67: {  	[tilespmem:s18+$0x100] =	vst v30;
	v30 =	vshra.s32 v31, $0x1;
	v31 =	vsel vm3, $0xFFFFFFFF, v1  }
0x68: {  	v30 =	vadd.s32 v31, v30  }
0x69: {  	[tilespmem:s18+$0x180] =	vst v30;
	s18 =	smov.u32 s20  }
0x6a: {  	v30 =	vand.u32 $0x1, v29  }
0x6b: {  	v31 =	vshrl.u32 v29, $0x1F;
	vm3 =	vlt.s32 v29, $0x1;
	vm4 =	veq.s32 v30, $0x1  }
0x6c: {  	vm5 =	vlt.s32 v29, $0x270F;
	v30 =	vadd.s32 v31, v29;
	vm3 =	vmand vm3, vm4  }
0x6d: {  	v29 =	vnsel vm5, $0x270F, v29;
	v30 =	vshra.s32 v30, $0x1;
	v31 =	vsel vm3, $0xFFFFFFFF, v1  }
0x6e: {  	[tilespmem:s18+$0x100] =	vst v29;
	v29 =	vadd.s32 v31, v30  }
0x6f: {  	s19 =	simm.s32 $0x0;
	[tilespmem:s18+$0x180] =	vst v29  }
0x70: {  	[tilespmem:s28], [sflag:$0x1] =	stream.indirect.gather [hbm4b:s5+s29], $0x80, s19, s29, $0xb8;
	[tilespmem:$0x1CA80] =	vst v63  }
0x71: {  	s18 =	simm.s32 $0x4200  }
0x72: {  	[tilespmem:s18], [sflag:$0x2] =	stream.indirect.gather [hbm4b:s6+s29], $0x80, s30, s29, $0xb8;
	[tilespmem:$0x1CA80] =	vst v63  }
0x73: {  	_ =	swait.ge [sflag:s31], $0x4000  }
0x74: {  	[sflag:s31] =	ssyncset.done $0x0  }
0x75: {  	[sflag:s31] =	ssyncadd.s32 $0xFFFFC000  }
0x76: {  	_ =	swait.ge [sflag:s0], $0x4000  }
0x77: {  	[sflag:s0] =	ssyncset.done $0x0  }
0x78: {  	[sflag:s0] =	ssyncadd.s32 $0xFFFFC000  }
0x79: {  	v31 =	vld [tilespmem:s21+$0x10]  }
0x7a: {  	v32 =	vld [tilespmem:s21+$0xFFFFFFE0]  }
0x7b: {  	v29 =	vld.idx.msk [tilespmem:v12+s18+$0x10 ss:$0x1], $0xffff  }
0x7c: {  	v33 =	vld [tilespmem:s21+$0xFFFFFFF0]  }
0x7d: {  	v30 =	vld.idx.msk [tilespmem:v12+s18+$0xFFFFFFF0 ss:$0x1], $0xffff  }
0x7e: {  	v34 =	vld.idx.msk [tilespmem:v12+s18+$0xFFFFFFE0 ss:$0x1], $0xffff  }
0x7f: {  	v35 =	vld.idx.msk [tilespmem:v12+s18+$0x0 ss:$0x1], $0xffff  }
0x80: {  	v36 =	vld [tilespmem:s21+$0x0];
	_ =	sdelay $0x2  }
0x81: {  	v29 =	vadd.f32 v29, v31  }
0x82: {  	v30 =	vadd.f32 v30, v33;
	v34 =	vadd.f32 v34, v32  }
0x83: {  	v35 =	vadd.f32 v35, v36;
	v37 =	vmul.f32 $2.000000030e-01, v29  }
0x84: {  	v38 =	vmul.f32 $2.000000030e-01, v30;
	v39 =	vmul.f32 $2.000000030e-01, v34  }
0x85: {  	v40 =	vmul.f32 $2.000000030e-01, v35  }
0x86: {  	v29 =	vmax.f32 v29, v37;
	v30 =	vmax.f32 v30, v38;
	v34 =	vmax.f32 v34, v39  }
0x87: {  	v35 =	vmax.f32 v35, v40;
	v34 =	vmul.f32 v34, v25;
	v30 =	vmul.f32 v30, v26  }
0x88: {  	v35 =	vmul.f32 v35, v27;
	v29 =	vmul.f32 v29, v28  }
0x89: {  	v30 =	vadd.f32 v30, v34  }
0x8a: {  	v29 =	vadd.f32 v29, v35  }
0x8b: {  	v34 =	vperm.xlane v30, v2  }
0x8c: {  	v35 =	vperm.xlane v29, v2  }
0x8d: {  	v30 =	vadd.f32 v34, v30  }
0x8e: {  	v29 =	vadd.f32 v35, v29  }
0x8f: {  	v34 =	vperm.xlane v30, v3  }
0x90: {  	v35 =	vperm.xlane v29, v3  }
0x91: {  	v30 =	vadd.f32 v34, v30  }
0x92: {  	v29 =	vadd.f32 v35, v29  }
0x93: {  	v34 =	vperm.xlane v30, v4  }
0x94: {  	v35 =	vperm.xlane v29, v4  }
0x95: {  	v30 =	vadd.f32 v34, v30  }
0x96: {  	v29 =	vadd.f32 v35, v29  }
0x97: {  	v34 =	vperm.xlane v30, v5  }
0x98: {  	v35 =	vperm.xlane v29, v5  }
0x99: {  	v55 =	vmov s19;
	v30 =	vadd.f32 v34, v30  }
0x9a: {  	v29 =	vadd.f32 v35, v29  }
0x9b: {  	v30 =	vnsel vm0, $0x0, v30  }
0x9c: {  	v29 =	vsel vm1, v30, v29  }
0x9d: {  	v29 =	vmul.f32 $1.442695020e+00, v29  }
0x9e: {  	v30 =	vld.idx.msk [tilespmem:v55+s29+$0x0], $0xffff  }
0x9f: {  	(erf) = vpow2.f32 v29;
	_ =	sdelay $0x3  }
0xa0: {  	v29 =	vshra.s32 v30, $0x1F  }
0xa1: {  	v29 =	vshrl.u32 v29, $0x19  }
0xa2: {  	v29 =	vadd.s32 v29, v30;
	_ =	sdelay $0x2  }
0xa3: {  	v34 =	vand.u32 $0x1, v30;
	v56 =	vshra.s32 v29, $0x7;
	v29 =	vpop (erf)  }
0xa4: {  	vm4 =	vlt.s32 v30, $0x1;
	v57 =	vshll.u32 v56, $0x7;
	v29 =	vnsel vm2, $0x0, v29  }
0xa5: {  	vm5 =	vne.s32 v30, v57;
	v58 =	vperm.xlane v29, v1;
	v59 =	vperm.xlane v29, v7  }
0xa6: {  	vm3 =	veq.s32 v34, $0x0;
	v30 =	vand.u32 $0x7F, v30;
	vm4 =	vmand vm4, vm5  }
0xa7: {  	v61 =	vsel vm4, $0xFFFFFFFF, v1;
	v60 =	vmul.f32 v58, v32;
	v31 =	vmul.f32 v59, v31  }
0xa8: {  	v62 =	vadd.s32 v61, v56;
	v33 =	vmul.f32 v58, v33;
	v32 =	vmul.f32 v59, v36  }
0xa9: {  	v36 =	vadd.s32 v8, v62;
	v63 =	vnsel vm3, $0x0, v60;
	v35 =	vsel vm3, $0x0, v60  }
0xaa: {  	s20 =	simm.s32 $0x4200;
	s24 =	smov.u32 s21;
	s19 =	simm.s32 $0x1;
	v34 =	vnsel vm3, $0x0, v33;
	v33 =	vsel vm3, $0x0, v33;
	v37 =	vnsel vm3, $0x0, v31;
	[tilespmem:s18+$0x0] =	vst v63  }
.LBB2_9:
0xab: {  	p1 =	sne.s32 s19, $0x7F;
	v38 =	vnsel vm3, $0x0, v32;
	v32 =	vsel vm3, $0x0, v32;
	[tilespmem:s18+$0x30] =	vst v37;
	v36 =	vnsel vm2, $0xA0, v36;
	s20 =	sadd.s32 $0x80, s20;
	s24 =	sadd.s32 $0x80, s24  }
0xac: {  	v31 =	vsel vm3, $0x0, v31;
	v30 =	vsel vm2, v30, v6;
	s22 =	smov.u32 s19;
	s19 =	sadd.s32 $0x1, s19;
	[tilespmem:s18+$0x40] =	vst v35;
	v35 =	vshll.u32 v36, $0x7  }
0xad: {  	[tilespmem:s18+$0x70] =	vst v31;
	v30 =	vor.u32 v30, v35  }
0xae: {  	[tilespmem:s18+$0x10] =	vst v34  }
0xaf: {  	[tilespmem:s18+$0x50] =	vst v33  }
0xb0: {  	[tilespmem:s18+$0x20] =	vst v38  }
0xb1: {  	[tilespmem:s18+$0x60] =	vst v32;
	s18 =	smov.u32 s20  }
0xb2: {  	[tilespmem:v30+s1+$0x0] =	vst.idx.add.f32.msk $0xffff, v29  }
0xb3: {  	v31 =	vld [tilespmem:s24+$0x10]  }
0xb4: {  	v32 =	vld [tilespmem:s24+$0xFFFFFFE0]  }
0xb5: {  	v29 =	vld.idx.msk [tilespmem:v12+s20+$0x10 ss:$0x1], $0xffff  }
0xb6: {  	v33 =	vld [tilespmem:s24+$0xFFFFFFF0]  }
0xb7: {  	v30 =	vld.idx.msk [tilespmem:v12+s20+$0xFFFFFFF0 ss:$0x1], $0xffff  }
0xb8: {  	v34 =	vld.idx.msk [tilespmem:v12+s20+$0xFFFFFFE0 ss:$0x1], $0xffff  }
0xb9: {  	v35 =	vld.idx.msk [tilespmem:v12+s20+$0x0 ss:$0x1], $0xffff  }
0xba: {  	v36 =	vld [tilespmem:s24+$0x0]  }
0xbb: {  	v29 =	vadd.f32 v29, v31;
	_ =	sdelay $0x1  }
0xbc: {  	v30 =	vadd.f32 v30, v33;
	v37 =	vmul.f32 $2.000000030e-01, v29  }
0xbd: {  	v34 =	vadd.f32 v34, v32  }
0xbe: {  	v38 =	vmul.f32 $2.000000030e-01, v30;
	v29 =	vmax.f32 v29, v37;
	v35 =	vadd.f32 v35, v36  }
0xbf: {  	v37 =	vmul.f32 $2.000000030e-01, v34  }
0xc0: {  	v30 =	vmax.f32 v30, v38;
	v38 =	vmul.f32 $2.000000030e-01, v35  }
0xc1: {  	v34 =	vmax.f32 v34, v37  }
0xc2: {  	v30 =	vmul.f32 v30, v26;
	v34 =	vmul.f32 v34, v25;
	v35 =	vmax.f32 v35, v38  }
0xc3: {  	v29 =	vmul.f32 v29, v28;
	v35 =	vmul.f32 v35, v27  }
0xc4: {  	v30 =	vadd.f32 v30, v34  }
0xc5: {  	v29 =	vadd.f32 v29, v35  }
0xc6: {  	v34 =	vperm.xlane v30, v2  }
0xc7: {  	v35 =	vperm.xlane v29, v2  }
0xc8: {  	v30 =	vadd.f32 v34, v30  }
0xc9: {  	v29 =	vadd.f32 v35, v29  }
0xca: {  	v34 =	vperm.xlane v30, v3  }
0xcb: {  	v35 =	vperm.xlane v29, v3  }
0xcc: {  	v30 =	vadd.f32 v34, v30  }
0xcd: {  	v29 =	vadd.f32 v35, v29  }
0xce: {  	v34 =	vperm.xlane v30, v4  }
0xcf: {  	v35 =	vperm.xlane v29, v4  }
0xd0: {  	v30 =	vadd.f32 v34, v30  }
0xd1: {  	v29 =	vadd.f32 v35, v29  }
0xd2: {  	v34 =	vperm.xlane v30, v5  }
0xd3: {  	v35 =	vperm.xlane v29, v5  }
0xd4: {  	v30 =	vadd.f32 v34, v30  }
0xd5: {  	v34 =	vmov s22;
	v29 =	vadd.f32 v35, v29  }
0xd6: {  	v30 =	vnsel vm0, $0x0, v30  }
0xd7: {  	v29 =	vsel vm1, v30, v29  }
0xd8: {  	v29 =	vmul.f32 $1.442695020e+00, v29;
	_ =	sdelay $0x1  }
0xd9: {  	v34 =	vld.idx.msk [tilespmem:v34+s29+$0x0], $0xffff;
	(erf) = vpow2.f32 v29;
	_ =	sdelay $0x5  }
0xda: {  	v35 =	vand.u32 $0x1, v34;
	v29 =	vshra.s32 v34, $0x1F;
	v30 =	vand.u32 $0x7F, v34  }
0xdb: {  	v39 =	vshrl.u32 v29, $0x19  }
0xdc: {  	v38 =	vadd.s32 v39, v34  }
0xdd: {  	v37 =	vshra.s32 v38, $0x7;
	v29 =	vpop (erf)  }
0xde: {  	vm4 =	vlt.s32 v34, $0x1;
	v38 =	vshll.u32 v37, $0x7;
	v29 =	vnsel vm2, $0x0, v29  }
0xdf: {  	vm5 =	vne.s32 v34, v38;
	v39 =	vperm.xlane v29, v1;
	v40 =	vperm.xlane v29, v7  }
.Ltmp3:
0xe0: {  	vm3 =	veq.s32 v35, $0x0;
	vm4 =	vmand vm4, vm5;
	(pc) =	sbr.rel @p1 .LBB2_9-.Ltmp3, $4  }
0xe1: {  	v35 =	vsel vm4, $0xFFFFFFFF, v1;
	v34 =	vmul.f32 v39, v32;
	v31 =	vmul.f32 v40, v31  }
0xe2: {  	v33 =	vmul.f32 v39, v33;
	v32 =	vmul.f32 v40, v36;
	v36 =	vadd.s32 v35, v37  }
0xe3: {  	v36 =	vadd.s32 v8, v36;
	v37 =	vnsel vm3, $0x0, v34;
	v35 =	vsel vm3, $0x0, v34  }
0xe4: {  	v34 =	vnsel vm3, $0x0, v33;
	v33 =	vsel vm3, $0x0, v33;
	[tilespmem:s20+$0x0] =	vst v37;
	v37 =	vnsel vm3, $0x0, v31  }
0xe5: {  	[tilespmem:s18+$0x30] =	vst v37;
	v36 =	vnsel vm2, $0xA0, v36  }
0xe6: {  	[tilespmem:s18+$0x40] =	vst v35;
	v30 =	vsel vm2, v30, v6;
	v62 =	vshll.u32 v36, $0x7  }
0xe7: {  	[tilespmem:s18+$0x10] =	vst v34;
	v30 =	vor.u32 v30, v62  }
0xe8: {  	v31 =	vsel vm3, $0x0, v31;
	[tilespmem:s18+$0x50] =	vst v33  }
0xe9: {  	v63 =	vsel vm3, $0x0, v32;
	[tilespmem:s18+$0x70] =	vst v31  }
0xea: {  	s16 =	sadd.s32 $0x1, s16;
	v31 =	vnsel vm3, $0x0, v32;
	[tilespmem:s18+$0x60] =	vst v63  }
0xeb: {  	p1 =	sne.s32 s16, $0x58;
	[tilespmem:s18+$0x20] =	vst v31  }
.Ltmp4:
0xec: {  	[tilespmem:v30+s1+$0x0] =	vst.idx.add.f32.msk $0xffff, v29;
	(pc) =	sbr.rel @p1 .LBB2_6-.Ltmp4, $4  }
0xed: {  	[spmem:s2] =	stream.indirect.scatter.add.f32 [tilespmem:s12], [sflag:$0x3], $0x80, s25, s29, $0xb8;
	[tilespmem:$0x1CA80] =	vst v63  }
0xee: {  	_ =	swait.ge [sflag:s26], $0x4000  }
0xef: {  	[sflag:s26] =	ssyncset.done $0x0  }
0xf0: {  	[sflag:s26] =	ssyncadd.s32 $0xFFFFC000  }
0xf1: {  	[tilespmem:$0x180] =	vst v6  }
0xf2: {  	[tilespmem:$0x190] =	vst v9  }
0xf3: {  	[tilespmem:$0x1A0] =	vst v10  }
0xf4: {  	[tilespmem:$0x1B0] =	vst v11  }
0xf5: {  	[tilespmem:$0x1C0] =	vst v13  }
0xf6: {  	[tilespmem:$0x1D0] =	vst v14  }
0xf7: {  	[tilespmem:$0x1E0] =	vst v15  }
0xf8: {  	[tilespmem:$0x1F0] =	vst v16  }
0xf9: {  	[spmem:s3] =	stream.indirect.scatter.add.f32 [tilespmem:s1], [sflag:$0x3], $0x80, s25, s29, $0xb8;
	[tilespmem:$0x1CA80] =	vst v63  }
0xfa: {  	_ =	swait.ge [sflag:s26], $0x4000  }
0xfb: {  	[sflag:s26] =	ssyncset.done $0x0  }
0xfc: {  	[sflag:s26] =	ssyncadd.s32 $0xFFFFC000  }
0xfd: {  	[tilespmem:$0x180] =	vst v17  }
0xfe: {  	[tilespmem:$0x190] =	vst v18  }
0xff: {  	[tilespmem:$0x1A0] =	vst v19  }
0x100: {  	[tilespmem:$0x1B0] =	vst v20  }
0x101: {  	[tilespmem:$0x1C0] =	vst v21  }
0x102: {  	[tilespmem:$0x1D0] =	vst v22  }
0x103: {  	[tilespmem:$0x1E0] =	vst v23  }
0x104: {  	s15 =	simm.s32 $0xC280;
	[tilespmem:$0x1F0] =	vst v24  }
0x105: {  	[spmem:s3] =	stream.indirect.scatter.add.f32 [tilespmem:s15], [sflag:$0x3], $0x80, s25, s29, $0xb8;
	[tilespmem:$0x1CA80] =	vst v63  }
0x106: {  	_ =	swait.ge [sflag:s26], $0x4000  }
0x107: {  	[sflag:s26] =	ssyncset.done $0x0  }
0x108: {  	[sflag:s26] =	ssyncadd.s32 $0xFFFFC000  }
0x109: {  	[bflag:$0x0] =	sbarrier.arrive $0xFFFF  }
0x10a: {  	[tilespmem:s28], [sflag:$0x3] =	stream.linear.gather [spmem:s9], $0x4000, $0x38;
	[tilespmem:$0x1CA80] =	vst v63  }
0x10b: {  	_ =	swait.ge [sflag:s26], $0x4000  }
0x10c: {  	[sflag:s26] =	ssyncset.done $0x0  }
0x10d: {  	s18 =	rddreg [dreg:$0x9];
	[sflag:s26] =	ssyncadd.s32 $0xFFFFC000  }
0x10e: {  	[hbm4b:s18+s4] =	stream.linear.scatter [tilespmem:s28], [sflag:$0x3], $0x4000, $0x38;
	[tilespmem:$0x1CA80] =	vst v63  }
0x10f: {  	_ =	swait.ge [sflag:s26], $0x4000  }
0x110: {  	[sflag:s26] =	ssyncset.done $0x0  }
0x111: {  	[sflag:s26] =	ssyncadd.s32 $0xFFFFC000  }
0x112: {  	[tilespmem:s28], [sflag:$0x3] =	stream.linear.gather [spmem:s10], $0x4000, $0x38;
	[tilespmem:$0x1CA80] =	vst v63  }
0x113: {  	_ =	swait.ge [sflag:s26], $0x4000  }
0x114: {  	[sflag:s26] =	ssyncset.done $0x0  }
0x115: {  	s19 =	rddreg [dreg:$0xa];
	[sflag:s26] =	ssyncadd.s32 $0xFFFFC000  }
0x116: {  	[hbm4b:s19+s4] =	stream.linear.scatter [tilespmem:s28], [sflag:$0x3], $0x4000, $0x38;
	[tilespmem:$0x1CA80] =	vst v63  }
0x117: {  	_ =	swait.ge [sflag:s26], $0x4000  }
0x118: {  	[sflag:s26] =	ssyncset.done $0x0  }
0x119: {  	[sflag:s26] =	ssyncadd.s32 $0xFFFFC000  }
0x11a: {  	[tilespmem:s28], [sflag:$0x3] =	stream.linear.gather [spmem:s11], $0x4000, $0x38;
	[tilespmem:$0x1CA80] =	vst v63  }
0x11b: {  	_ =	swait.ge [sflag:s26], $0x4000  }
0x11c: {  	[sflag:s26] =	ssyncset.done $0x0  }
0x11d: {  	s20 =	rddreg [dreg:$0xb];
	[sflag:s26] =	ssyncadd.s32 $0xFFFFC000  }
0x11e: {  	[hbm4b:s20+s4] =	stream.linear.scatter [tilespmem:s28], [sflag:$0x3], $0x4000, $0x38;
	[tilespmem:$0x1CA80] =	vst v63  }
0x11f: {  	_ =	swait.ge [sflag:s26], $0x4000  }
0x120: {  	[sflag:s26] =	ssyncset.done $0x0  }
0x121: {  	s22 =	rddreg [dreg:$0xc];
	[sflag:s26] =	ssyncadd.s32 $0xFFFFC000  }
0x122: {  	[tilespmem:s28], [sflag:$0x3] =	stream.linear.gather [spmem:s22], $0x800, $0x38;
	[tilespmem:$0x1CA80] =	vst v63  }
0x123: {  	s14 =	sadd.s32 $0x1, s14;
	_ =	swait.ge [sflag:s26], $0x800  }
0x124: {  	p1 =	sne.s32 s14, s23;
	[sflag:s26] =	ssyncset.done $0x0  }
.Ltmp5:
0x125: {  	s24 =	rddreg [dreg:$0xd];
	[sflag:s26] =	ssyncadd.s32 $0xFFFFF800;
	(pc) =	sbr.rel @p1 .LBB2_1-.Ltmp5, $4  }
0x126: {  	[hbm4b:s24+s4] =	stream.linear.scatter [tilespmem:s28], [sflag:$0x3], $0x800, $0x38;
	[tilespmem:$0x1CA80] =	vst v63  }
0x127: {  	_ =	swait.ge [sflag:s26], $0x800  }
0x128: {  	[sflag:s26] =	ssyncset.done $0x0  }
0x129: {  	[sflag:s26] =	ssyncadd.s32 $0xFFFFF800  }
0x12a: {  	_ =	sfence.sel $0x180000  }
0x12b: {  	[bflag:$0x0] =	sbarrier.arrive $0xFFFF  }
0x12c: {  	_ =	strace $0x90000047  }
0x12d: {  	[bflag:$0x2] =	sbarrier.arrive $0xFFFF  }
0x12e: {  	s0 =	rddreg [dreg:$0x4]  }
0x12f: {  	s0 =	sadd.s32 @!p0 $0x100000, s0  }
0x130: {  	[sflag:s0] =	ssyncadd.tile.s32 @!p0 $0x1;
	_ =	shalt  }
.Lfunc_end2:
_tile_overlayer_lowered:
.L_overlay_start_2:
0x131: {  	(tag) =	ssettag $0x2  }
0x132: {  	s0 =	rddreg [dreg:$0x0];
	s2 =	stileid.u32  }
0x133: {  	s1 =	rddreg [dreg:$0x1];
	p0 =	sne.s32 s2, $0x0  }
0x134: {  	s3 =	rddreg [dreg:$0x2];
	[bflag:$0x3] =	sbarrier.arrive $0xFFFF;
	s2 =	simm.s32 @!p0 $0x1C03  }
0x135: {  	[timem:s3], [sflag:s2] =	dma.local @!p0 [hbm:s0], s1  }
0x136: {  	s0 =	simm.s32 @!p0 $0x3  }
0x137: {  	_ =	swait.ge @!p0 [sflag:s0], s1  }
0x138: {  	s1 =	ssub.s32 @!p0 $0x0, s1;
	[sflag:s0] =	ssyncset.done @!p0 $0x0  }
0x139: {  	[sflag:s0] =	ssyncadd.s32 @!p0 s1  }
0x13a: {  	[bflag:$0x3] =	sbarrier.arrive $0xFFFF  }
0x13b: {  	_ =	shalt  }

</sc_bundles>
